<compile_context>
chip_gen: v7x
topology: tpu7x:2x2x1
jax: 0.10.2.dev20260603
libtpu: 0.0.44.dev20260713+nightly
codegen_flags: <defaults>
</compile_context>

<pallas_src>
import jax
import jax.numpy as jnp
from jax import lax
from jax.experimental import pallas as pl
from jax.experimental.pallas import tpu as pltpu
from jax.experimental.pallas import tpu_sc as plsc

N = 10000
E = 320000
D = 128
NC = 2
NS = 16
NW = NC * NS
EPW = E // NW
EB = 40
NB = EPW // EB
NSLAB = 10
SLAB = N // NSLAB
DEGW = 16

_MESH = plsc.VectorSubcoreMesh(core_axis_name="c", subcore_axis_name="s",
                               num_cores=NC, num_subcores=NS)



R = 5
LAG = 1
NK = NB // R

_SC_PARAMS = pltpu.CompilerParams(use_tc_tiling_on_sc=False)


def _deg_body(row_hbm, ones_hbm, zeros_hbm, out_hbm, acc_sh, ridx, ones_v,
              *sems):
    c = lax.axis_index("c")
    s = lax.axis_index("s")
    wid = s * NC + c
    @pl.when(s < NSLAB)
    def _zero():
        pltpu.async_copy(zeros_hbm, acc_sh.at[pl.ds(s * SLAB, SLAB), :],
                         sems[0])

    pltpu.async_copy(row_hbm.at[wid], ridx, sems[1])
    pltpu.sync_copy(ones_hbm, ones_v)
    pltpu.make_async_copy(row_hbm.at[wid], ridx, sems[1]).wait()

    @pl.when(s < NSLAB)
    def _zwait():
        pltpu.make_async_copy(zeros_hbm, acc_sh.at[pl.ds(s * SLAB, SLAB), :],
                              sems[0]).wait()

    plsc.subcore_barrier()

    def rounds(k, carry):
        for j in range(R):
            i = k * R + j
            @pl.when(k > 0)
            def _wait():
                pltpu.make_async_copy(ones_hbm, ones_v, sems[j]).wait()
            pltpu.async_copy(ones_v, acc_sh.at[ridx.at[i]], sems[j], add=True)
        return carry

    lax.fori_loop(0, NK, rounds, 0)
    for j in range(R):
        pltpu.make_async_copy(ones_hbm, ones_v, sems[j]).wait()
    plsc.subcore_barrier()

    @pl.when(s < NSLAB)
    def _drain():
        pltpu.sync_copy(acc_sh.at[pl.ds(s * SLAB, SLAB), :],
                        out_hbm.at[c, pl.ds(s * SLAB, SLAB), :])


def _deg_call(row3, ones, zeros):
    return pl.kernel(
        _deg_body,
        out_type=jax.ShapeDtypeStruct((NC, N, DEGW), jnp.float32),
        mesh=_MESH,
        compiler_params=_SC_PARAMS,
        scratch_types=[
            pltpu.VMEM_SHARED((N, DEGW), jnp.float32),
            pltpu.VMEM((NB, EB), jnp.int32),
            pltpu.VMEM((EB, DEGW), jnp.float32),
        ] + [pltpu.SemaphoreType.DMA] * R,
    )(row3, ones, zeros)


def _spmm_body(src_hbm, row_hbm, col_hbm, zeros_hbm, out_hbm,
               acc_sh, cidx, ridx, rows, *sems):
    gsem = sems[:R]
    ssem = sems[R:]
    c = lax.axis_index("c")
    s = lax.axis_index("s")
    wid = s * NC + c

    @pl.when(s < NSLAB)
    def _zero():
        pltpu.async_copy(zeros_hbm, acc_sh.at[pl.ds(s * SLAB, SLAB), :],
                         ssem[0])

    pltpu.async_copy(col_hbm.at[wid], cidx, ssem[1])
    pltpu.async_copy(row_hbm.at[wid], ridx, ssem[2])
    pltpu.make_async_copy(col_hbm.at[wid], cidx, ssem[1]).wait()
    for j in range(R - LAG):
        pltpu.async_copy(src_hbm.at[cidx.at[j]], rows.at[j], gsem[j])
    pltpu.make_async_copy(row_hbm.at[wid], ridx, ssem[2]).wait()

    @pl.when(s < NSLAB)
    def _zwait():
        pltpu.make_async_copy(zeros_hbm, acc_sh.at[pl.ds(s * SLAB, SLAB), :],
                              ssem[0]).wait()

    plsc.subcore_barrier()

    def _gwait(j):
        pltpu.make_async_copy(src_hbm.at[pl.ds(0, EB), :], rows.at[j],
                              gsem[j]).wait()

    def _swait(j):
        pltpu.make_async_copy(src_hbm.at[pl.ds(0, EB), :], rows.at[j],
                              ssem[j]).wait()

    def rounds(k, carry):
        for j in range(R):
            i = k * R + j
            nxt = i + R - LAG
            b = (j + R - LAG) % R

            @pl.when(nxt < NB)
            def _refill():
                if j < LAG:
                    @pl.when(k > 0)
                    def _():
                        _swait(b)
                else:
                    _swait(b)
                pltpu.async_copy(src_hbm.at[cidx.at[nxt]], rows.at[b],
                                 gsem[b])

            _gwait(j)
            pltpu.async_copy(rows.at[j], acc_sh.at[ridx.at[i]], ssem[j],
                             add=True)
        return carry

    lax.fori_loop(0, NK, rounds, 0)
    for j in range(R):
        _swait(j)
    plsc.subcore_barrier()

    @pl.when(s < NSLAB)
    def _drain():
        pltpu.sync_copy(acc_sh.at[pl.ds(s * SLAB, SLAB), :],
                        out_hbm.at[c, pl.ds(s * SLAB, SLAB), :])


def _spmm_call(src, row3, col3, zeros):
    return pl.kernel(
        _spmm_body,
        out_type=jax.ShapeDtypeStruct((NC, N, D), jnp.float32),
        mesh=_MESH,
        compiler_params=_SC_PARAMS,
        scratch_types=[
            pltpu.VMEM_SHARED((N, D), jnp.float32),
            pltpu.VMEM((NB, EB), jnp.int32),
            pltpu.VMEM((NB, EB), jnp.int32),
            pltpu.VMEM((R, EB, D), jnp.float32),
        ] + [pltpu.SemaphoreType.DMA] * (2 * R),
    )(src, row3, col3, zeros)



BR = 1000
NBLK = N // BR

_PREC = lax.Precision.HIGHEST


def _dinv_of(dacc_block):
    deg = dacc_block[0] + dacc_block[1]
    dinv = jnp.where(deg > 0.0, lax.rsqrt(deg), 0.0)
    return dinv[:, 0:1]


def _prep_body(x_ref, dacc_ref, xs_ref):
    xs_ref[...] = x_ref[...] * _dinv_of(dacc_ref[...])


def _prep_call(x, dacc):
    return pl.pallas_call(
        _prep_body,
        grid=(NBLK,),
        in_specs=[
            pl.BlockSpec((BR, D), lambda i: (i, 0)),
            pl.BlockSpec((NC, BR, DEGW), lambda i: (0, i, 0)),
        ],
        out_specs=pl.BlockSpec((BR, D), lambda i: (i, 0)),
        out_shape=jax.ShapeDtypeStruct((N, D), jnp.float32),
    )(x, dacc)


def _w0_body(x_ref, w_ref, b_ref, oacc0_ref):
    oacc0_ref[...] = jnp.dot(x_ref[...], w_ref[0], precision=_PREC,
                             preferred_element_type=jnp.float32) + b_ref[...]


def _w0_call(x, weight, bias2d):
    return pl.pallas_call(
        _w0_body,
        grid=(NBLK,),
        in_specs=[
            pl.BlockSpec((BR, D), lambda i: (i, 0)),
            pl.BlockSpec((3, D, D), lambda i: (0, 0, 0)),
            pl.BlockSpec((1, D), lambda i: (0, 0)),
        ],
        out_specs=pl.BlockSpec((BR, D), lambda i: (i, 0)),
        out_shape=jax.ShapeDtypeStruct((N, D), jnp.float32),
    )(x, weight, bias2d)


def _mida_body(p_ref, dacc_ref, t1s_ref):
    dinv = _dinv_of(dacc_ref[...])
    t1s_ref[...] = (-dinv * dinv) * (p_ref[0] + p_ref[1])


def _mida_call(p, dacc):
    return pl.pallas_call(
        _mida_body,
        grid=(NBLK,),
        in_specs=[
            pl.BlockSpec((NC, BR, D), lambda i: (0, i, 0)),
            pl.BlockSpec((NC, BR, DEGW), lambda i: (0, i, 0)),
        ],
        out_specs=pl.BlockSpec((BR, D), lambda i: (i, 0)),
        out_shape=jax.ShapeDtypeStruct((N, D), jnp.float32),
    )(p, dacc)


def _midb_body(p_ref, dacc_ref, oacc0_ref, w_ref, oacc_ref):
    dinv = _dinv_of(dacc_ref[...])
    tx1 = -dinv * (p_ref[0] + p_ref[1])
    oacc_ref[...] = oacc0_ref[...] + jnp.dot(
        tx1, w_ref[1], precision=_PREC, preferred_element_type=jnp.float32)


def _midb_call(p, dacc, oacc0, weight):
    return pl.pallas_call(
        _midb_body,
        grid=(NBLK,),
        in_specs=[
            pl.BlockSpec((NC, BR, D), lambda i: (0, i, 0)),
            pl.BlockSpec((NC, BR, DEGW), lambda i: (0, i, 0)),
            pl.BlockSpec((BR, D), lambda i: (i, 0)),
            pl.BlockSpec((3, D, D), lambda i: (0, 0, 0)),
        ],
        out_specs=pl.BlockSpec((BR, D), lambda i: (i, 0)),
        out_shape=jax.ShapeDtypeStruct((N, D), jnp.float32),
    )(p, dacc, oacc0, weight)


def _fin_body(q_ref, x_ref, dacc_ref, oacc_ref, w_ref, out_ref):
    dinv = _dinv_of(dacc_ref[...])
    tx2 = -2.0 * dinv * (q_ref[0] + q_ref[1]) - x_ref[...]
    out_ref[...] = (
        oacc_ref[...]
        + jnp.dot(tx2, w_ref[2], precision=_PREC,
                  preferred_element_type=jnp.float32))


def _fin_call(q, x, dacc, oacc, weight):
    return pl.pallas_call(
        _fin_body,
        grid=(NBLK,),
        in_specs=[
            pl.BlockSpec((NC, BR, D), lambda i: (0, i, 0)),
            pl.BlockSpec((BR, D), lambda i: (i, 0)),
            pl.BlockSpec((NC, BR, DEGW), lambda i: (0, i, 0)),
            pl.BlockSpec((BR, D), lambda i: (i, 0)),
            pl.BlockSpec((3, D, D), lambda i: (0, 0, 0)),
        ],
        out_specs=pl.BlockSpec((BR, D), lambda i: (i, 0)),
        out_shape=jax.ShapeDtypeStruct((N, D), jnp.float32),
    )(q, x, dacc, oacc, weight)



def kernel(x, edge_index, weight, bias):
    assert x.shape == (N, D) and edge_index.shape == (2, E)
    assert weight.shape == (3, D, D)
    row3 = edge_index[0].astype(jnp.int32).reshape(NW, NB, EB)
    col3 = edge_index[1].astype(jnp.int32).reshape(NW, NB, EB)
    ones_deg = jnp.ones((EB, DEGW), jnp.float32)
    zeros_deg = jnp.zeros((SLAB, DEGW), jnp.float32)
    zeros_rows = jnp.zeros((SLAB, D), jnp.float32)

    dacc = _deg_call(row3, ones_deg, zeros_deg)
    xs = _prep_call(x, dacc)
    p = _spmm_call(xs, row3, col3, zeros_rows)
    oacc0 = _w0_call(x, weight, bias.reshape(1, D))
    t1s = _mida_call(p, dacc)
    q = _spmm_call(t1s, row3, col3, zeros_rows)
    oacc = _midb_call(p, dacc, oacc0, weight)
    return _fin_call(q, x, dacc, oacc, weight)

# --- scband reference (transcript-rebuilt; emitter-appended) ---
"""Pipeline reference for scband-cheb-conv-13288628814252 (READ-ONLY COPY).

The authoritative reference and input builder live on the scoring server;
editing this copy changes nothing except your own understanding.
"""

import jax, jax.numpy as jnp
import numpy as np

N = 10000
E = 320000
D = 128
K = 3

def setup_inputs(seed: int = 0) -> dict:
    key = jax.random.key(seed)
    k1, k2, k3, k4, k5 = jax.random.split(key, 5)
    x = jax.random.normal(k1, (N, D), dtype=jnp.float32)
    row = jax.random.randint(k2, (E,), 0, N)
    offset = jax.random.randint(k3, (E,), 1, N)
    col = (row + offset) % N  # guaranteed no self-loops
    edge_index = jnp.stack([row, col]).astype(jnp.int64)
    stdv = 1.0 / np.sqrt(D * K)
    weight = jax.random.uniform(k4, (K, D, D), minval=-stdv, maxval=stdv, dtype=jnp.float32)
    bias = jax.random.uniform(k5, (D,), minval=-stdv, maxval=stdv, dtype=jnp.float32)
    return {"x": x, "edge_index": edge_index, "weight": weight, "bias": bias}


def reference(x, edge_index, weight, bias):
    row, col = edge_index[0], edge_index[1]
    # remove_self_loops
    mask = row != col
    num_nodes = x.shape[0]
    Kdim = weight.shape[0]
    edge_weight = mask.astype(x.dtype)
    # degree of row nodes
    deg = jax.ops.segment_sum(edge_weight, row, num_segments=num_nodes)
    deg_inv = jnp.where(deg > 0, deg ** -0.5, 0.0)
    lap = -deg_inv[row] * edge_weight * deg_inv[col]

    def spmm(xm):
        return jax.ops.segment_sum(lap[:, None] * xm[col], row, num_segments=num_nodes)

    Tx_0 = x
    out = Tx_0 @ weight[0]
    if Kdim > 1:
        Tx_1 = spmm(x)
        out = out + Tx_1 @ weight[1]
        for k in range(2, Kdim):
            Tx_2 = 2 * spmm(Tx_1) - Tx_0
            out = out + Tx_2 @ weight[k]
            Tx_0, Tx_1 = Tx_1, Tx_2
    out = out + bias
    return out

if __name__ == "__main__":
    import jax
    _d = setup_inputs()
    print(jax.jit(kernel)(*tuple(_d.values())))

</pallas_src>

<mosaic_0001>
#map = affine_map<(d0, d1) -> (0, 0)>
#map1 = affine_map<(d0, d1) -> (0, 0, 0)>
module attributes {stable_mosaic.version = 14 : i64} {
  func.func @_spmm_body(%arg0: i32, %arg1: i32, %arg2: memref<10000x128xf32, #tpu.memory_space<hbm>>, %arg3: memref<32x250x40xi32, #tpu.memory_space<hbm>>, %arg4: memref<32x250x40xi32, #tpu.memory_space<hbm>>, %arg5: memref<1000x128xf32, #tpu.memory_space<hbm>>, %arg6: memref<2x10000x128xf32, #tpu.memory_space<hbm>>, %arg7: memref<10000x128xf32, #tpu.memory_space<vmem_shared>>, %arg8: memref<250x40xi32, #tpu.memory_space<vmem>>, %arg9: memref<250x40xi32, #tpu.memory_space<vmem>>, %arg10: memref<5x40x128xf32, #tpu.memory_space<vmem>>, %arg11: memref<!tpu.dma_semaphore, #tpu.memory_space<semaphore_mem>>, %arg12: memref<!tpu.dma_semaphore, #tpu.memory_space<semaphore_mem>>, %arg13: memref<!tpu.dma_semaphore, #tpu.memory_space<semaphore_mem>>, %arg14: memref<!tpu.dma_semaphore, #tpu.memory_space<semaphore_mem>>, %arg15: memref<!tpu.dma_semaphore, #tpu.memory_space<semaphore_mem>>, %arg16: memref<!tpu.dma_semaphore, #tpu.memory_space<semaphore_mem>>, %arg17: memref<!tpu.dma_semaphore, #tpu.memory_space<semaphore_mem>>, %arg18: memref<!tpu.dma_semaphore, #tpu.memory_space<semaphore_mem>>, %arg19: memref<!tpu.dma_semaphore, #tpu.memory_space<semaphore_mem>>, %arg20: memref<!tpu.dma_semaphore, #tpu.memory_space<semaphore_mem>>) attributes {dimension_semantics = [#tpu.dimension_semantics<core_parallel>, #tpu.dimension_semantics<subcore_parallel>], iteration_bounds = array<i64: 2, 16>, scalar_prefetch = 0 : i64, scratch_operands = 14 : i64, tpu.core_type = #tpu.core_type<sc_vector_subcore>, window_params = [{transform_indices = #map}, {transform_indices = #map1}, {transform_indices = #map1}, {transform_indices = #map}, {transform_indices = #map1}]} {
    %mul3A = arith.constant 2 : i32
    %mul3A_0 = arith.muli %arg1, %mul3A : i32
    %add3A = arith.addi %mul3A_0, %arg0 : i32
    %lt3A = arith.constant 10 : i32
    %lt3A_1 = arith.cmpi slt, %arg1, %lt3A : i32
    %convert_element_type3A = arith.extui %lt3A_1 : i1 to i32
    %cond3A = arith.constant 0 : i32
    %cond3A_2 = arith.cmpi ne, %convert_element_type3A, %cond3A : i32
    scf.if %cond3A_2 {
      %mul3A_172 = arith.constant 1000 : i32
      %mul3A_173 = arith.muli %arg1, %mul3A_172 : i32
      %dma_start3A_174 = arith.constant 0 : i32
      %dma_start3A_175 = tpu.memref_slice %arg7[%mul3A_173, %dma_start3A_174] : memref<10000x128xf32, #tpu.memory_space<vmem_shared>> -> memref<1000x128xf32, #tpu.memory_space<vmem_shared>>
      tpu.enqueue_dma source(%arg5 : memref<1000x128xf32, #tpu.memory_space<hbm>>) target(%dma_start3A_175 : memref<1000x128xf32, #tpu.memory_space<vmem_shared>>) target_semaphore(%arg16 : memref<!tpu.dma_semaphore, #tpu.memory_space<semaphore_mem>>)
    } else {
    }
    %dma_start3A = arith.constant 0 : i32
    %dma_start3A_3 = arith.constant 0 : i32
    %dma_start3A_4 = tpu.memref_slice %arg4[%add3A, %dma_start3A, %dma_start3A_3] : memref<32x250x40xi32, #tpu.memory_space<hbm>> -> memref<1x250x40xi32, #tpu.memory_space<hbm>>
    %dma_start3A_5 = tpu.memref_squeeze %dma_start3A_4 : memref<1x250x40xi32, #tpu.memory_space<hbm>> -> memref<250x40xi32, #tpu.memory_space<hbm>>
    %dma_start3A_6 = arith.constant 0 : i32
    %dma_start3A_7 = arith.constant 0 : i32
    %dma_start3A_8 = tpu.memref_slice %arg4[%add3A, %dma_start3A_6, %dma_start3A_7] : memref<32x250x40xi32, #tpu.memory_space<hbm>> -> memref<1x250x40xi32, #tpu.memory_space<hbm>>
    %dma_start3A_9 = tpu.memref_squeeze %dma_start3A_8 : memref<1x250x40xi32, #tpu.memory_space<hbm>> -> memref<250x40xi32, #tpu.memory_space<hbm>>
    tpu.enqueue_dma source(%dma_start3A_9 : memref<250x40xi32, #tpu.memory_space<hbm>>) target(%arg8 : memref<250x40xi32, #tpu.memory_space<vmem>>) target_semaphore(%arg17 : memref<!tpu.dma_semaphore, #tpu.memory_space<semaphore_mem>>)
    %dma_start3A_10 = arith.constant 0 : i32
    %dma_start3A_11 = arith.constant 0 : i32
    %dma_start3A_12 = tpu.memref_slice %arg3[%add3A, %dma_start3A_10, %dma_start3A_11] : memref<32x250x40xi32, #tpu.memory_space<hbm>> -> memref<1x250x40xi32, #tpu.memory_space<hbm>>
    %dma_start3A_13 = tpu.memref_squeeze %dma_start3A_12 : memref<1x250x40xi32, #tpu.memory_space<hbm>> -> memref<250x40xi32, #tpu.memory_space<hbm>>
    %dma_start3A_14 = arith.constant 0 : i32
    %dma_start3A_15 = arith.constant 0 : i32
    %dma_start3A_16 = tpu.memref_slice %arg3[%add3A, %dma_start3A_14, %dma_start3A_15] : memref<32x250x40xi32, #tpu.memory_space<hbm>> -> memref<1x250x40xi32, #tpu.memory_space<hbm>>
    %dma_start3A_17 = tpu.memref_squeeze %dma_start3A_16 : memref<1x250x40xi32, #tpu.memory_space<hbm>> -> memref<250x40xi32, #tpu.memory_space<hbm>>
    tpu.enqueue_dma source(%dma_start3A_17 : memref<250x40xi32, #tpu.memory_space<hbm>>) target(%arg9 : memref<250x40xi32, #tpu.memory_space<vmem>>) target_semaphore(%arg18 : memref<!tpu.dma_semaphore, #tpu.memory_space<semaphore_mem>>)
    %dma_wait3A = arith.constant 0 : i32
    %dma_wait3A_18 = arith.constant 0 : i32
    %dma_wait3A_19 = tpu.memref_slice %arg4[%add3A, %dma_wait3A, %dma_wait3A_18] : memref<32x250x40xi32, #tpu.memory_space<hbm>> -> memref<1x250x40xi32, #tpu.memory_space<hbm>>
    %dma_wait3A_20 = tpu.memref_squeeze %dma_wait3A_19 : memref<1x250x40xi32, #tpu.memory_space<hbm>> -> memref<250x40xi32, #tpu.memory_space<hbm>>
    %dma_wait3A_21 = arith.constant 0 : i32
    %dma_wait3A_22 = arith.constant 0 : i32
    %dma_wait3A_23 = tpu.memref_slice %arg4[%add3A, %dma_wait3A_21, %dma_wait3A_22] : memref<32x250x40xi32, #tpu.memory_space<hbm>> -> memref<1x250x40xi32, #tpu.memory_space<hbm>>
    %dma_wait3A_24 = tpu.memref_squeeze %dma_wait3A_23 : memref<1x250x40xi32, #tpu.memory_space<hbm>> -> memref<250x40xi32, #tpu.memory_space<hbm>>
    tpu.wait_dma2 semaphore(%arg17 : memref<!tpu.dma_semaphore, #tpu.memory_space<semaphore_mem>>) src(%dma_wait3A_24 : memref<250x40xi32, #tpu.memory_space<hbm>>) dst(%arg8 : memref<250x40xi32, #tpu.memory_space<vmem>>)
    %dma_start3A_25 = arith.constant 0 : i32
    %dma_start3A_26 = arith.constant 0 : i32
    %dma_start3A_27 = arith.constant 0 : i32
    %dma_start3A_28 = arith.constant 0 : i32
    %dma_start3A_29 = tpu.memref_slice %arg10[%dma_start3A_26, %dma_start3A_27, %dma_start3A_28] : memref<5x40x128xf32, #tpu.memory_space<vmem>> -> memref<1x40x128xf32, #tpu.memory_space<vmem>>
    %dma_start3A_30 = tpu.memref_squeeze %dma_start3A_29 : memref<1x40x128xf32, #tpu.memory_space<vmem>> -> memref<40x128xf32, #tpu.memory_space<vmem>>
    %dma_start3A_31 = arith.constant 0 : i32
    %dma_start3A_32 = tpu.memref_slice %arg8[%dma_start3A_25, %dma_start3A_31] : memref<250x40xi32, #tpu.memory_space<vmem>> -> memref<1x40xi32, #tpu.memory_space<vmem>>
    %dma_start3A_33 = tpu.memref_squeeze %dma_start3A_32 : memref<1x40xi32, #tpu.memory_space<vmem>> -> memref<40xi32, #tpu.memory_space<vmem>>
    %dma_start3A_34 = arith.constant 0 : i32
    %dma_start3A_35 = arith.constant 0 : i32
    %dma_start3A_36 = tpu.memref_slice %arg2[%dma_start3A_34, %dma_start3A_35] : memref<10000x128xf32, #tpu.memory_space<hbm>> -> memref<10000x128xf32, #tpu.memory_space<hbm>>
    tpu.enqueue_indirect_dma source(%dma_start3A_36 : memref<10000x128xf32, #tpu.memory_space<hbm>>) target(%dma_start3A_30 : memref<40x128xf32, #tpu.memory_space<vmem>>) offsets(%dma_start3A_33 : memref<40xi32, #tpu.memory_space<vmem>>) semaphore(%arg11 : memref<!tpu.dma_semaphore, #tpu.memory_space<semaphore_mem>>)
    %dma_start3A_37 = arith.constant 1 : i32
    %dma_start3A_38 = arith.constant 1 : i32
    %dma_start3A_39 = arith.constant 0 : i32
    %dma_start3A_40 = arith.constant 0 : i32
    %dma_start3A_41 = tpu.memref_slice %arg10[%dma_start3A_38, %dma_start3A_39, %dma_start3A_40] : memref<5x40x128xf32, #tpu.memory_space<vmem>> -> memref<1x40x128xf32, #tpu.memory_space<vmem>>
    %dma_start3A_42 = tpu.memref_squeeze %dma_start3A_41 : memref<1x40x128xf32, #tpu.memory_space<vmem>> -> memref<40x128xf32, #tpu.memory_space<vmem>>
    %dma_start3A_43 = arith.constant 0 : i32
    %dma_start3A_44 = tpu.memref_slice %arg8[%dma_start3A_37, %dma_start3A_43] : memref<250x40xi32, #tpu.memory_space<vmem>> -> memref<1x40xi32, #tpu.memory_space<vmem>>
    %dma_start3A_45 = tpu.memref_squeeze %dma_start3A_44 : memref<1x40xi32, #tpu.memory_space<vmem>> -> memref<40xi32, #tpu.memory_space<vmem>>
    %dma_start3A_46 = arith.constant 0 : i32
    %dma_start3A_47 = arith.constant 0 : i32
    %dma_start3A_48 = tpu.memref_slice %arg2[%dma_start3A_46, %dma_start3A_47] : memref<10000x128xf32, #tpu.memory_space<hbm>> -> memref<10000x128xf32, #tpu.memory_space<hbm>>
    tpu.enqueue_indirect_dma source(%dma_start3A_48 : memref<10000x128xf32, #tpu.memory_space<hbm>>) target(%dma_start3A_42 : memref<40x128xf32, #tpu.memory_space<vmem>>) offsets(%dma_start3A_45 : memref<40xi32, #tpu.memory_space<vmem>>) semaphore(%arg12 : memref<!tpu.dma_semaphore, #tpu.memory_space<semaphore_mem>>)
    %dma_start3A_49 = arith.constant 2 : i32
    %dma_start3A_50 = arith.constant 2 : i32
    %dma_start3A_51 = arith.constant 0 : i32
    %dma_start3A_52 = arith.constant 0 : i32
    %dma_start3A_53 = tpu.memref_slice %arg10[%dma_start3A_50, %dma_start3A_51, %dma_start3A_52] : memref<5x40x128xf32, #tpu.memory_space<vmem>> -> memref<1x40x128xf32, #tpu.memory_space<vmem>>
    %dma_start3A_54 = tpu.memref_squeeze %dma_start3A_53 : memref<1x40x128xf32, #tpu.memory_space<vmem>> -> memref<40x128xf32, #tpu.memory_space<vmem>>
    %dma_start3A_55 = arith.constant 0 : i32
    %dma_start3A_56 = tpu.memref_slice %arg8[%dma_start3A_49, %dma_start3A_55] : memref<250x40xi32, #tpu.memory_space<vmem>> -> memref<1x40xi32, #tpu.memory_space<vmem>>
    %dma_start3A_57 = tpu.memref_squeeze %dma_start3A_56 : memref<1x40xi32, #tpu.memory_space<vmem>> -> memref<40xi32, #tpu.memory_space<vmem>>
    %dma_start3A_58 = arith.constant 0 : i32
    %dma_start3A_59 = arith.constant 0 : i32
    %dma_start3A_60 = tpu.memref_slice %arg2[%dma_start3A_58, %dma_start3A_59] : memref<10000x128xf32, #tpu.memory_space<hbm>> -> memref<10000x128xf32, #tpu.memory_space<hbm>>
    tpu.enqueue_indirect_dma source(%dma_start3A_60 : memref<10000x128xf32, #tpu.memory_space<hbm>>) target(%dma_start3A_54 : memref<40x128xf32, #tpu.memory_space<vmem>>) offsets(%dma_start3A_57 : memref<40xi32, #tpu.memory_space<vmem>>) semaphore(%arg13 : memref<!tpu.dma_semaphore, #tpu.memory_space<semaphore_mem>>)
    %dma_start3A_61 = arith.constant 3 : i32
    %dma_start3A_62 = arith.constant 3 : i32
    %dma_start3A_63 = arith.constant 0 : i32
    %dma_start3A_64 = arith.constant 0 : i32
    %dma_start3A_65 = tpu.memref_slice %arg10[%dma_start3A_62, %dma_start3A_63, %dma_start3A_64] : memref<5x40x128xf32, #tpu.memory_space<vmem>> -> memref<1x40x128xf32, #tpu.memory_space<vmem>>
    %dma_start3A_66 = tpu.memref_squeeze %dma_start3A_65 : memref<1x40x128xf32, #tpu.memory_space<vmem>> -> memref<40x128xf32, #tpu.memory_space<vmem>>
    %dma_start3A_67 = arith.constant 0 : i32
    %dma_start3A_68 = tpu.memref_slice %arg8[%dma_start3A_61, %dma_start3A_67] : memref<250x40xi32, #tpu.memory_space<vmem>> -> memref<1x40xi32, #tpu.memory_space<vmem>>
    %dma_start3A_69 = tpu.memref_squeeze %dma_start3A_68 : memref<1x40xi32, #tpu.memory_space<vmem>> -> memref<40xi32, #tpu.memory_space<vmem>>
    %dma_start3A_70 = arith.constant 0 : i32
    %dma_start3A_71 = arith.constant 0 : i32
    %dma_start3A_72 = tpu.memref_slice %arg2[%dma_start3A_70, %dma_start3A_71] : memref<10000x128xf32, #tpu.memory_space<hbm>> -> memref<10000x128xf32, #tpu.memory_space<hbm>>
    tpu.enqueue_indirect_dma source(%dma_start3A_72 : memref<10000x128xf32, #tpu.memory_space<hbm>>) target(%dma_start3A_66 : memref<40x128xf32, #tpu.memory_space<vmem>>) offsets(%dma_start3A_69 : memref<40xi32, #tpu.memory_space<vmem>>) semaphore(%arg14 : memref<!tpu.dma_semaphore, #tpu.memory_space<semaphore_mem>>)
    %dma_wait3A_73 = arith.constant 0 : i32
    %dma_wait3A_74 = arith.constant 0 : i32
    %dma_wait3A_75 = tpu.memref_slice %arg3[%add3A, %dma_wait3A_73, %dma_wait3A_74] : memref<32x250x40xi32, #tpu.memory_space<hbm>> -> memref<1x250x40xi32, #tpu.memory_space<hbm>>
    %dma_wait3A_76 = tpu.memref_squeeze %dma_wait3A_75 : memref<1x250x40xi32, #tpu.memory_space<hbm>> -> memref<250x40xi32, #tpu.memory_space<hbm>>
    %dma_wait3A_77 = arith.constant 0 : i32
    %dma_wait3A_78 = arith.constant 0 : i32
    %dma_wait3A_79 = tpu.memref_slice %arg3[%add3A, %dma_wait3A_77, %dma_wait3A_78] : memref<32x250x40xi32, #tpu.memory_space<hbm>> -> memref<1x250x40xi32, #tpu.memory_space<hbm>>
    %dma_wait3A_80 = tpu.memref_squeeze %dma_wait3A_79 : memref<1x250x40xi32, #tpu.memory_space<hbm>> -> memref<250x40xi32, #tpu.memory_space<hbm>>
    tpu.wait_dma2 semaphore(%arg18 : memref<!tpu.dma_semaphore, #tpu.memory_space<semaphore_mem>>) src(%dma_wait3A_80 : memref<250x40xi32, #tpu.memory_space<hbm>>) dst(%arg9 : memref<250x40xi32, #tpu.memory_space<vmem>>)
    %lt3A_81 = arith.constant 10 : i32
    %lt3A_82 = arith.cmpi slt, %arg1, %lt3A_81 : i32
    %convert_element_type3A_83 = arith.extui %lt3A_82 : i1 to i32
    %cond3A_84 = arith.constant 0 : i32
    %cond3A_85 = arith.cmpi ne, %convert_element_type3A_83, %cond3A_84 : i32
    scf.if %cond3A_85 {
      %mul3A_172 = arith.constant 1000 : i32
      %mul3A_173 = arith.muli %arg1, %mul3A_172 : i32
      %dma_wait3A_174 = arith.constant 0 : i32
      %dma_wait3A_175 = tpu.memref_slice %arg7[%mul3A_173, %dma_wait3A_174] : memref<10000x128xf32, #tpu.memory_space<vmem_shared>> -> memref<1000x128xf32, #tpu.memory_space<vmem_shared>>
      tpu.wait_dma2 semaphore(%arg16 : memref<!tpu.dma_semaphore, #tpu.memory_space<semaphore_mem>>) src(%arg5 : memref<1000x128xf32, #tpu.memory_space<hbm>>) dst(%dma_wait3A_175 : memref<1000x128xf32, #tpu.memory_space<vmem_shared>>)
    } else {
    }
    %barrier3A = arith.constant 0 : index
    tpu.barrier barrier_id(%barrier3A)
    %scan3A = arith.constant 0 : i32
    %scan3A_86 = arith.constant 0 : i32
    %scan3A_87 = arith.constant 50 : i32
    %scan3A_88 = arith.addi %scan3A_86, %scan3A_87 : i32
    %scan3A_89 = arith.constant 1 : i32
    scf.for %scan3A_172 = %scan3A_86 to %scan3A_88 step %scan3A_89  : i32 {
      %mul3A_173 = arith.constant 5 : i32
      %mul3A_174 = arith.muli %scan3A_172, %mul3A_173 : i32
      %add3A_175 = arith.constant 0 : i32
      %add3A_176 = arith.addi %mul3A_174, %add3A_175 : i32
      %add3A_177 = arith.constant 5 : i32
      %add3A_178 = arith.addi %add3A_176, %add3A_177 : i32
      %sub3A = arith.constant 1 : i32
      %sub3A_179 = arith.subi %add3A_178, %sub3A : i32
      %lt3A_180 = arith.constant 250 : i32
      %lt3A_181 = arith.cmpi slt, %sub3A_179, %lt3A_180 : i32
      %convert_element_type3A_182 = arith.extui %lt3A_181 : i1 to i32
      %cond3A_183 = arith.constant 0 : i32
      %cond3A_184 = arith.cmpi ne, %convert_element_type3A_182, %cond3A_183 : i32
      scf.if %cond3A_184 {
        %gt3A = arith.constant 0 : i32
        %gt3A_367 = arith.cmpi sgt, %scan3A_172, %gt3A : i32
        %convert_element_type3A_368 = arith.extui %gt3A_367 : i1 to i32
        %cond3A_369 = arith.constant 0 : i32
        %cond3A_370 = arith.cmpi ne, %convert_element_type3A_368, %cond3A_369 : i32
        scf.if %cond3A_370 {
          %dma_wait3A_382 = arith.constant 4 : i32
          %dma_wait3A_383 = arith.constant 0 : i32
          %dma_wait3A_384 = arith.constant 0 : i32
          %dma_wait3A_385 = tpu.memref_slice %arg10[%dma_wait3A_382, %dma_wait3A_383, %dma_wait3A_384] : memref<5x40x128xf32, #tpu.memory_space<vmem>> -> memref<1x40x128xf32, #tpu.memory_space<vmem>>
          %dma_wait3A_386 = tpu.memref_squeeze %dma_wait3A_385 : memref<1x40x128xf32, #tpu.memory_space<vmem>> -> memref<40x128xf32, #tpu.memory_space<vmem>>
          %dma_wait3A_387 = arith.constant 0 : i32
          %dma_wait3A_388 = arith.constant 0 : i32
          %dma_wait3A_389 = tpu.memref_slice %arg2[%dma_wait3A_387, %dma_wait3A_388] : memref<10000x128xf32, #tpu.memory_space<hbm>> -> memref<40x128xf32, #tpu.memory_space<hbm>>
          %dma_wait3A_390 = arith.constant 0 : i32
          %dma_wait3A_391 = arith.constant 0 : i32
          %dma_wait3A_392 = tpu.memref_slice %arg10[%dma_wait3A_382, %dma_wait3A_390, %dma_wait3A_391] : memref<5x40x128xf32, #tpu.memory_space<vmem>> -> memref<1x40x128xf32, #tpu.memory_space<vmem>>
          %dma_wait3A_393 = tpu.memref_squeeze %dma_wait3A_392 : memref<1x40x128xf32, #tpu.memory_space<vmem>> -> memref<40x128xf32, #tpu.memory_space<vmem>>
          %dma_wait3A_394 = arith.constant 0 : i32
          %dma_wait3A_395 = arith.constant 0 : i32
          %dma_wait3A_396 = tpu.memref_slice %arg2[%dma_wait3A_394, %dma_wait3A_395] : memref<10000x128xf32, #tpu.memory_space<hbm>> -> memref<40x128xf32, #tpu.memory_space<hbm>>
          tpu.wait_dma2 semaphore(%arg20 : memref<!tpu.dma_semaphore, #tpu.memory_space<semaphore_mem>>) src(%dma_wait3A_396 : memref<40x128xf32, #tpu.memory_space<hbm>>) dst(%dma_wait3A_393 : memref<40x128xf32, #tpu.memory_space<vmem>>)
        } else {
        }
        %dma_start3A_371 = arith.constant 4 : i32
        %dma_start3A_372 = arith.constant 0 : i32
        %dma_start3A_373 = arith.constant 0 : i32
        %dma_start3A_374 = tpu.memref_slice %arg10[%dma_start3A_371, %dma_start3A_372, %dma_start3A_373] : memref<5x40x128xf32, #tpu.memory_space<vmem>> -> memref<1x40x128xf32, #tpu.memory_space<vmem>>
        %dma_start3A_375 = tpu.memref_squeeze %dma_start3A_374 : memref<1x40x128xf32, #tpu.memory_space<vmem>> -> memref<40x128xf32, #tpu.memory_space<vmem>>
        %dma_start3A_376 = arith.constant 0 : i32
        %dma_start3A_377 = tpu.memref_slice %arg8[%sub3A_179, %dma_start3A_376] : memref<250x40xi32, #tpu.memory_space<vmem>> -> memref<1x40xi32, #tpu.memory_space<vmem>>
        %dma_start3A_378 = tpu.memref_squeeze %dma_start3A_377 : memref<1x40xi32, #tpu.memory_space<vmem>> -> memref<40xi32, #tpu.memory_space<vmem>>
        %dma_start3A_379 = arith.constant 0 : i32
        %dma_start3A_380 = arith.constant 0 : i32
        %dma_start3A_381 = tpu.memref_slice %arg2[%dma_start3A_379, %dma_start3A_380] : memref<10000x128xf32, #tpu.memory_space<hbm>> -> memref<10000x128xf32, #tpu.memory_space<hbm>>
        tpu.enqueue_indirect_dma source(%dma_start3A_381 : memref<10000x128xf32, #tpu.memory_space<hbm>>) target(%dma_start3A_375 : memref<40x128xf32, #tpu.memory_space<vmem>>) offsets(%dma_start3A_378 : memref<40xi32, #tpu.memory_space<vmem>>) semaphore(%arg15 : memref<!tpu.dma_semaphore, #tpu.memory_space<semaphore_mem>>)
      } else {
      }
      %dma_wait3A_185 = arith.constant 0 : i32
      %dma_wait3A_186 = arith.constant 0 : i32
      %dma_wait3A_187 = arith.constant 0 : i32
      %dma_wait3A_188 = tpu.memref_slice %arg10[%dma_wait3A_185, %dma_wait3A_186, %dma_wait3A_187] : memref<5x40x128xf32, #tpu.memory_space<vmem>> -> memref<1x40x128xf32, #tpu.memory_space<vmem>>
      %dma_wait3A_189 = tpu.memref_squeeze %dma_wait3A_188 : memref<1x40x128xf32, #tpu.memory_space<vmem>> -> memref<40x128xf32, #tpu.memory_space<vmem>>
      %dma_wait3A_190 = arith.constant 0 : i32
      %dma_wait3A_191 = arith.constant 0 : i32
      %dma_wait3A_192 = tpu.memref_slice %arg2[%dma_wait3A_190, %dma_wait3A_191] : memref<10000x128xf32, #tpu.memory_space<hbm>> -> memref<40x128xf32, #tpu.memory_space<hbm>>
      %dma_wait3A_193 = arith.constant 0 : i32
      %dma_wait3A_194 = arith.constant 0 : i32
      %dma_wait3A_195 = tpu.memref_slice %arg10[%dma_wait3A_185, %dma_wait3A_193, %dma_wait3A_194] : memref<5x40x128xf32, #tpu.memory_space<vmem>> -> memref<1x40x128xf32, #tpu.memory_space<vmem>>
      %dma_wait3A_196 = tpu.memref_squeeze %dma_wait3A_195 : memref<1x40x128xf32, #tpu.memory_space<vmem>> -> memref<40x128xf32, #tpu.memory_space<vmem>>
      %dma_wait3A_197 = arith.constant 0 : i32
      %dma_wait3A_198 = arith.constant 0 : i32
      %dma_wait3A_199 = tpu.memref_slice %arg2[%dma_wait3A_197, %dma_wait3A_198] : memref<10000x128xf32, #tpu.memory_space<hbm>> -> memref<40x128xf32, #tpu.memory_space<hbm>>
      tpu.wait_dma2 semaphore(%arg11 : memref<!tpu.dma_semaphore, #tpu.memory_space<semaphore_mem>>) src(%dma_wait3A_199 : memref<40x128xf32, #tpu.memory_space<hbm>>) dst(%dma_wait3A_196 : memref<40x128xf32, #tpu.memory_space<vmem>>)
      %dma_start3A_200 = arith.constant 0 : i32
      %dma_start3A_201 = arith.constant 0 : i32
      %dma_start3A_202 = arith.constant 0 : i32
      %dma_start3A_203 = tpu.memref_slice %arg10[%dma_start3A_200, %dma_start3A_201, %dma_start3A_202] : memref<5x40x128xf32, #tpu.memory_space<vmem>> -> memref<1x40x128xf32, #tpu.memory_space<vmem>>
      %dma_start3A_204 = tpu.memref_squeeze %dma_start3A_203 : memref<1x40x128xf32, #tpu.memory_space<vmem>> -> memref<40x128xf32, #tpu.memory_space<vmem>>
      %dma_start3A_205 = arith.constant 0 : i32
      %dma_start3A_206 = tpu.memref_slice %arg9[%add3A_176, %dma_start3A_205] : memref<250x40xi32, #tpu.memory_space<vmem>> -> memref<1x40xi32, #tpu.memory_space<vmem>>
      %dma_start3A_207 = tpu.memref_squeeze %dma_start3A_206 : memref<1x40xi32, #tpu.memory_space<vmem>> -> memref<40xi32, #tpu.memory_space<vmem>>
      %dma_start3A_208 = arith.constant 0 : i32
      %dma_start3A_209 = arith.constant 0 : i32
      %dma_start3A_210 = tpu.memref_slice %arg7[%dma_start3A_208, %dma_start3A_209] : memref<10000x128xf32, #tpu.memory_space<vmem_shared>> -> memref<10000x128xf32, #tpu.memory_space<vmem_shared>>
      tpu.enqueue_indirect_dma source(%dma_start3A_204 : memref<40x128xf32, #tpu.memory_space<vmem>>) target(%dma_start3A_210 : memref<10000x128xf32, #tpu.memory_space<vmem_shared>>) offsets(%dma_start3A_207 : memref<40xi32, #tpu.memory_space<vmem>>) semaphore(%arg16 : memref<!tpu.dma_semaphore, #tpu.memory_space<semaphore_mem>>) {add = true}
      %mul3A_211 = arith.constant 5 : i32
      %mul3A_212 = arith.muli %scan3A_172, %mul3A_211 : i32
      %add3A_213 = arith.constant 1 : i32
      %add3A_214 = arith.addi %mul3A_212, %add3A_213 : i32
      %add3A_215 = arith.constant 5 : i32
      %add3A_216 = arith.addi %add3A_214, %add3A_215 : i32
      %sub3A_217 = arith.constant 1 : i32
      %sub3A_218 = arith.subi %add3A_216, %sub3A_217 : i32
      %lt3A_219 = arith.constant 250 : i32
      %lt3A_220 = arith.cmpi slt, %sub3A_218, %lt3A_219 : i32
      %convert_element_type3A_221 = arith.extui %lt3A_220 : i1 to i32
      %cond3A_222 = arith.constant 0 : i32
      %cond3A_223 = arith.cmpi ne, %convert_element_type3A_221, %cond3A_222 : i32
      scf.if %cond3A_223 {
        %dma_wait3A_367 = arith.constant 0 : i32
        %dma_wait3A_368 = arith.constant 0 : i32
        %dma_wait3A_369 = arith.constant 0 : i32
        %dma_wait3A_370 = tpu.memref_slice %arg10[%dma_wait3A_367, %dma_wait3A_368, %dma_wait3A_369] : memref<5x40x128xf32, #tpu.memory_space<vmem>> -> memref<1x40x128xf32, #tpu.memory_space<vmem>>
        %dma_wait3A_371 = tpu.memref_squeeze %dma_wait3A_370 : memref<1x40x128xf32, #tpu.memory_space<vmem>> -> memref<40x128xf32, #tpu.memory_space<vmem>>
        %dma_wait3A_372 = arith.constant 0 : i32
        %dma_wait3A_373 = arith.constant 0 : i32
        %dma_wait3A_374 = tpu.memref_slice %arg2[%dma_wait3A_372, %dma_wait3A_373] : memref<10000x128xf32, #tpu.memory_space<hbm>> -> memref<40x128xf32, #tpu.memory_space<hbm>>
        %dma_wait3A_375 = arith.constant 0 : i32
        %dma_wait3A_376 = arith.constant 0 : i32
        %dma_wait3A_377 = tpu.memref_slice %arg10[%dma_wait3A_367, %dma_wait3A_375, %dma_wait3A_376] : memref<5x40x128xf32, #tpu.memory_space<vmem>> -> memref<1x40x128xf32, #tpu.memory_space<vmem>>
        %dma_wait3A_378 = tpu.memref_squeeze %dma_wait3A_377 : memref<1x40x128xf32, #tpu.memory_space<vmem>> -> memref<40x128xf32, #tpu.memory_space<vmem>>
        %dma_wait3A_379 = arith.constant 0 : i32
        %dma_wait3A_380 = arith.constant 0 : i32
        %dma_wait3A_381 = tpu.memref_slice %arg2[%dma_wait3A_379, %dma_wait3A_380] : memref<10000x128xf32, #tpu.memory_space<hbm>> -> memref<40x128xf32, #tpu.memory_space<hbm>>
        tpu.wait_dma2 semaphore(%arg16 : memref<!tpu.dma_semaphore, #tpu.memory_space<semaphore_mem>>) src(%dma_wait3A_381 : memref<40x128xf32, #tpu.memory_space<hbm>>) dst(%dma_wait3A_378 : memref<40x128xf32, #tpu.memory_space<vmem>>)
        %dma_start3A_382 = arith.constant 0 : i32
        %dma_start3A_383 = arith.constant 0 : i32
        %dma_start3A_384 = arith.constant 0 : i32
        %dma_start3A_385 = tpu.memref_slice %arg10[%dma_start3A_382, %dma_start3A_383, %dma_start3A_384] : memref<5x40x128xf32, #tpu.memory_space<vmem>> -> memref<1x40x128xf32, #tpu.memory_space<vmem>>
        %dma_start3A_386 = tpu.memref_squeeze %dma_start3A_385 : memref<1x40x128xf32, #tpu.memory_space<vmem>> -> memref<40x128xf32, #tpu.memory_space<vmem>>
        %dma_start3A_387 = arith.constant 0 : i32
        %dma_start3A_388 = tpu.memref_slice %arg8[%sub3A_218, %dma_start3A_387] : memref<250x40xi32, #tpu.memory_space<vmem>> -> memref<1x40xi32, #tpu.memory_space<vmem>>
        %dma_start3A_389 = tpu.memref_squeeze %dma_start3A_388 : memref<1x40xi32, #tpu.memory_space<vmem>> -> memref<40xi32, #tpu.memory_space<vmem>>
        %dma_start3A_390 = arith.constant 0 : i32
        %dma_start3A_391 = arith.constant 0 : i32
        %dma_start3A_392 = tpu.memref_slice %arg2[%dma_start3A_390, %dma_start3A_391] : memref<10000x128xf32, #tpu.memory_space<hbm>> -> memref<10000x128xf32, #tpu.memory_space<hbm>>
        tpu.enqueue_indirect_dma source(%dma_start3A_392 : memref<10000x128xf32, #tpu.memory_space<hbm>>) target(%dma_start3A_386 : memref<40x128xf32, #tpu.memory_space<vmem>>) offsets(%dma_start3A_389 : memref<40xi32, #tpu.memory_space<vmem>>) semaphore(%arg11 : memref<!tpu.dma_semaphore, #tpu.memory_space<semaphore_mem>>)
      } else {
      }
      %dma_wait3A_224 = arith.constant 1 : i32
      %dma_wait3A_225 = arith.constant 0 : i32
      %dma_wait3A_226 = arith.constant 0 : i32
      %dma_wait3A_227 = tpu.memref_slice %arg10[%dma_wait3A_224, %dma_wait3A_225, %dma_wait3A_226] : memref<5x40x128xf32, #tpu.memory_space<vmem>> -> memref<1x40x128xf32, #tpu.memory_space<vmem>>
      %dma_wait3A_228 = tpu.memref_squeeze %dma_wait3A_227 : memref<1x40x128xf32, #tpu.memory_space<vmem>> -> memref<40x128xf32, #tpu.memory_space<vmem>>
      %dma_wait3A_229 = arith.constant 0 : i32
      %dma_wait3A_230 = arith.constant 0 : i32
      %dma_wait3A_231 = tpu.memref_slice %arg2[%dma_wait3A_229, %dma_wait3A_230] : memref<10000x128xf32, #tpu.memory_space<hbm>> -> memref<40x128xf32, #tpu.memory_space<hbm>>
      %dma_wait3A_232 = arith.constant 0 : i32
      %dma_wait3A_233 = arith.constant 0 : i32
      %dma_wait3A_234 = tpu.memref_slice %arg10[%dma_wait3A_224, %dma_wait3A_232, %dma_wait3A_233] : memref<5x40x128xf32, #tpu.memory_space<vmem>> -> memref<1x40x128xf32, #tpu.memory_space<vmem>>
      %dma_wait3A_235 = tpu.memref_squeeze %dma_wait3A_234 : memref<1x40x128xf32, #tpu.memory_space<vmem>> -> memref<40x128xf32, #tpu.memory_space<vmem>>
      %dma_wait3A_236 = arith.constant 0 : i32
      %dma_wait3A_237 = arith.constant 0 : i32
      %dma_wait3A_238 = tpu.memref_slice %arg2[%dma_wait3A_236, %dma_wait3A_237] : memref<10000x128xf32, #tpu.memory_space<hbm>> -> memref<40x128xf32, #tpu.memory_space<hbm>>
      tpu.wait_dma2 semaphore(%arg12 : memref<!tpu.dma_semaphore, #tpu.memory_space<semaphore_mem>>) src(%dma_wait3A_238 : memref<40x128xf32, #tpu.memory_space<hbm>>) dst(%dma_wait3A_235 : memref<40x128xf32, #tpu.memory_space<vmem>>)
      %dma_start3A_239 = arith.constant 1 : i32
      %dma_start3A_240 = arith.constant 0 : i32
      %dma_start3A_241 = arith.constant 0 : i32
      %dma_start3A_242 = tpu.memref_slice %arg10[%dma_start3A_239, %dma_start3A_240, %dma_start3A_241] : memref<5x40x128xf32, #tpu.memory_space<vmem>> -> memref<1x40x128xf32, #tpu.memory_space<vmem>>
      %dma_start3A_243 = tpu.memref_squeeze %dma_start3A_242 : memref<1x40x128xf32, #tpu.memory_space<vmem>> -> memref<40x128xf32, #tpu.memory_space<vmem>>
      %dma_start3A_244 = arith.constant 0 : i32
      %dma_start3A_245 = tpu.memref_slice %arg9[%add3A_214, %dma_start3A_244] : memref<250x40xi32, #tpu.memory_space<vmem>> -> memref<1x40xi32, #tpu.memory_space<vmem>>
      %dma_start3A_246 = tpu.memref_squeeze %dma_start3A_245 : memref<1x40xi32, #tpu.memory_space<vmem>> -> memref<40xi32, #tpu.memory_space<vmem>>
      %dma_start3A_247 = arith.constant 0 : i32
      %dma_start3A_248 = arith.constant 0 : i32
      %dma_start3A_249 = tpu.memref_slice %arg7[%dma_start3A_247, %dma_start3A_248] : memref<10000x128xf32, #tpu.memory_space<vmem_shared>> -> memref<10000x128xf32, #tpu.memory_space<vmem_shared>>
      tpu.enqueue_indirect_dma source(%dma_start3A_243 : memref<40x128xf32, #tpu.memory_space<vmem>>) target(%dma_start3A_249 : memref<10000x128xf32, #tpu.memory_space<vmem_shared>>) offsets(%dma_start3A_246 : memref<40xi32, #tpu.memory_space<vmem>>) semaphore(%arg17 : memref<!tpu.dma_semaphore, #tpu.memory_space<semaphore_mem>>) {add = true}
      %mul3A_250 = arith.constant 5 : i32
      %mul3A_251 = arith.muli %scan3A_172, %mul3A_250 : i32
      %add3A_252 = arith.constant 2 : i32
      %add3A_253 = arith.addi %mul3A_251, %add3A_252 : i32
      %add3A_254 = arith.constant 5 : i32
      %add3A_255 = arith.addi %add3A_253, %add3A_254 : i32
      %sub3A_256 = arith.constant 1 : i32
      %sub3A_257 = arith.subi %add3A_255, %sub3A_256 : i32
      %lt3A_258 = arith.constant 250 : i32
      %lt3A_259 = arith.cmpi slt, %sub3A_257, %lt3A_258 : i32
      %convert_element_type3A_260 = arith.extui %lt3A_259 : i1 to i32
      %cond3A_261 = arith.constant 0 : i32
      %cond3A_262 = arith.cmpi ne, %convert_element_type3A_260, %cond3A_261 : i32
      scf.if %cond3A_262 {
        %dma_wait3A_367 = arith.constant 1 : i32
        %dma_wait3A_368 = arith.constant 0 : i32
        %dma_wait3A_369 = arith.constant 0 : i32
        %dma_wait3A_370 = tpu.memref_slice %arg10[%dma_wait3A_367, %dma_wait3A_368, %dma_wait3A_369] : memref<5x40x128xf32, #tpu.memory_space<vmem>> -> memref<1x40x128xf32, #tpu.memory_space<vmem>>
        %dma_wait3A_371 = tpu.memref_squeeze %dma_wait3A_370 : memref<1x40x128xf32, #tpu.memory_space<vmem>> -> memref<40x128xf32, #tpu.memory_space<vmem>>
        %dma_wait3A_372 = arith.constant 0 : i32
        %dma_wait3A_373 = arith.constant 0 : i32
        %dma_wait3A_374 = tpu.memref_slice %arg2[%dma_wait3A_372, %dma_wait3A_373] : memref<10000x128xf32, #tpu.memory_space<hbm>> -> memref<40x128xf32, #tpu.memory_space<hbm>>
        %dma_wait3A_375 = arith.constant 0 : i32
        %dma_wait3A_376 = arith.constant 0 : i32
        %dma_wait3A_377 = tpu.memref_slice %arg10[%dma_wait3A_367, %dma_wait3A_375, %dma_wait3A_376] : memref<5x40x128xf32, #tpu.memory_space<vmem>> -> memref<1x40x128xf32, #tpu.memory_space<vmem>>
        %dma_wait3A_378 = tpu.memref_squeeze %dma_wait3A_377 : memref<1x40x128xf32, #tpu.memory_space<vmem>> -> memref<40x128xf32, #tpu.memory_space<vmem>>
        %dma_wait3A_379 = arith.constant 0 : i32
        %dma_wait3A_380 = arith.constant 0 : i32
        %dma_wait3A_381 = tpu.memref_slice %arg2[%dma_wait3A_379, %dma_wait3A_380] : memref<10000x128xf32, #tpu.memory_space<hbm>> -> memref<40x128xf32, #tpu.memory_space<hbm>>
        tpu.wait_dma2 semaphore(%arg17 : memref<!tpu.dma_semaphore, #tpu.memory_space<semaphore_mem>>) src(%dma_wait3A_381 : memref<40x128xf32, #tpu.memory_space<hbm>>) dst(%dma_wait3A_378 : memref<40x128xf32, #tpu.memory_space<vmem>>)
        %dma_start3A_382 = arith.constant 1 : i32
        %dma_start3A_383 = arith.constant 0 : i32
        %dma_start3A_384 = arith.constant 0 : i32
        %dma_start3A_385 = tpu.memref_slice %arg10[%dma_start3A_382, %dma_start3A_383, %dma_start3A_384] : memref<5x40x128xf32, #tpu.memory_space<vmem>> -> memref<1x40x128xf32, #tpu.memory_space<vmem>>
        %dma_start3A_386 = tpu.memref_squeeze %dma_start3A_385 : memref<1x40x128xf32, #tpu.memory_space<vmem>> -> memref<40x128xf32, #tpu.memory_space<vmem>>
        %dma_start3A_387 = arith.constant 0 : i32
        %dma_start3A_388 = tpu.memref_slice %arg8[%sub3A_257, %dma_start3A_387] : memref<250x40xi32, #tpu.memory_space<vmem>> -> memref<1x40xi32, #tpu.memory_space<vmem>>
        %dma_start3A_389 = tpu.memref_squeeze %dma_start3A_388 : memref<1x40xi32, #tpu.memory_space<vmem>> -> memref<40xi32, #tpu.memory_space<vmem>>
        %dma_start3A_390 = arith.constant 0 : i32
        %dma_start3A_391 = arith.constant 0 : i32
        %dma_start3A_392 = tpu.memref_slice %arg2[%dma_start3A_390, %dma_start3A_391] : memref<10000x128xf32, #tpu.memory_space<hbm>> -> memref<10000x128xf32, #tpu.memory_space<hbm>>
        tpu.enqueue_indirect_dma source(%dma_start3A_392 : memref<10000x128xf32, #tpu.memory_space<hbm>>) target(%dma_start3A_386 : memref<40x128xf32, #tpu.memory_space<vmem>>) offsets(%dma_start3A_389 : memref<40xi32, #tpu.memory_space<vmem>>) semaphore(%arg12 : memref<!tpu.dma_semaphore, #tpu.memory_space<semaphore_mem>>)
      } else {
      }
      %dma_wait3A_263 = arith.constant 2 : i32
      %dma_wait3A_264 = arith.constant 0 : i32
      %dma_wait3A_265 = arith.constant 0 : i32
      %dma_wait3A_266 = tpu.memref_slice %arg10[%dma_wait3A_263, %dma_wait3A_264, %dma_wait3A_265] : memref<5x40x128xf32, #tpu.memory_space<vmem>> -> memref<1x40x128xf32, #tpu.memory_space<vmem>>
      %dma_wait3A_267 = tpu.memref_squeeze %dma_wait3A_266 : memref<1x40x128xf32, #tpu.memory_space<vmem>> -> memref<40x128xf32, #tpu.memory_space<vmem>>
      %dma_wait3A_268 = arith.constant 0 : i32
      %dma_wait3A_269 = arith.constant 0 : i32
      %dma_wait3A_270 = tpu.memref_slice %arg2[%dma_wait3A_268, %dma_wait3A_269] : memref<10000x128xf32, #tpu.memory_space<hbm>> -> memref<40x128xf32, #tpu.memory_space<hbm>>
      %dma_wait3A_271 = arith.constant 0 : i32
      %dma_wait3A_272 = arith.constant 0 : i32
      %dma_wait3A_273 = tpu.memref_slice %arg10[%dma_wait3A_263, %dma_wait3A_271, %dma_wait3A_272] : memref<5x40x128xf32, #tpu.memory_space<vmem>> -> memref<1x40x128xf32, #tpu.memory_space<vmem>>
      %dma_wait3A_274 = tpu.memref_squeeze %dma_wait3A_273 : memref<1x40x128xf32, #tpu.memory_space<vmem>> -> memref<40x128xf32, #tpu.memory_space<vmem>>
      %dma_wait3A_275 = arith.constant 0 : i32
      %dma_wait3A_276 = arith.constant 0 : i32
      %dma_wait3A_277 = tpu.memref_slice %arg2[%dma_wait3A_275, %dma_wait3A_276] : memref<10000x128xf32, #tpu.memory_space<hbm>> -> memref<40x128xf32, #tpu.memory_space<hbm>>
      tpu.wait_dma2 semaphore(%arg13 : memref<!tpu.dma_semaphore, #tpu.memory_space<semaphore_mem>>) src(%dma_wait3A_277 : memref<40x128xf32, #tpu.memory_space<hbm>>) dst(%dma_wait3A_274 : memref<40x128xf32, #tpu.memory_space<vmem>>)
      %dma_start3A_278 = arith.constant 2 : i32
      %dma_start3A_279 = arith.constant 0 : i32
      %dma_start3A_280 = arith.constant 0 : i32
      %dma_start3A_281 = tpu.memref_slice %arg10[%dma_start3A_278, %dma_start3A_279, %dma_start3A_280] : memref<5x40x128xf32, #tpu.memory_space<vmem>> -> memref<1x40x128xf32, #tpu.memory_space<vmem>>
      %dma_start3A_282 = tpu.memref_squeeze %dma_start3A_281 : memref<1x40x128xf32, #tpu.memory_space<vmem>> -> memref<40x128xf32, #tpu.memory_space<vmem>>
      %dma_start3A_283 = arith.constant 0 : i32
      %dma_start3A_284 = tpu.memref_slice %arg9[%add3A_253, %dma_start3A_283] : memref<250x40xi32, #tpu.memory_space<vmem>> -> memref<1x40xi32, #tpu.memory_space<vmem>>
      %dma_start3A_285 = tpu.memref_squeeze %dma_start3A_284 : memref<1x40xi32, #tpu.memory_space<vmem>> -> memref<40xi32, #tpu.memory_space<vmem>>
      %dma_start3A_286 = arith.constant 0 : i32
      %dma_start3A_287 = arith.constant 0 : i32
      %dma_start3A_288 = tpu.memref_slice %arg7[%dma_start3A_286, %dma_start3A_287] : memref<10000x128xf32, #tpu.memory_space<vmem_shared>> -> memref<10000x128xf32, #tpu.memory_space<vmem_shared>>
      tpu.enqueue_indirect_dma source(%dma_start3A_282 : memref<40x128xf32, #tpu.memory_space<vmem>>) target(%dma_start3A_288 : memref<10000x128xf32, #tpu.memory_space<vmem_shared>>) offsets(%dma_start3A_285 : memref<40xi32, #tpu.memory_space<vmem>>) semaphore(%arg18 : memref<!tpu.dma_semaphore, #tpu.memory_space<semaphore_mem>>) {add = true}
      %mul3A_289 = arith.constant 5 : i32
      %mul3A_290 = arith.muli %scan3A_172, %mul3A_289 : i32
      %add3A_291 = arith.constant 3 : i32
      %add3A_292 = arith.addi %mul3A_290, %add3A_291 : i32
      %add3A_293 = arith.constant 5 : i32
      %add3A_294 = arith.addi %add3A_292, %add3A_293 : i32
      %sub3A_295 = arith.constant 1 : i32
      %sub3A_296 = arith.subi %add3A_294, %sub3A_295 : i32
      %lt3A_297 = arith.constant 250 : i32
      %lt3A_298 = arith.cmpi slt, %sub3A_296, %lt3A_297 : i32
      %convert_element_type3A_299 = arith.extui %lt3A_298 : i1 to i32
      %cond3A_300 = arith.constant 0 : i32
      %cond3A_301 = arith.cmpi ne, %convert_element_type3A_299, %cond3A_300 : i32
      scf.if %cond3A_301 {
        %dma_wait3A_367 = arith.constant 2 : i32
        %dma_wait3A_368 = arith.constant 0 : i32
        %dma_wait3A_369 = arith.constant 0 : i32
        %dma_wait3A_370 = tpu.memref_slice %arg10[%dma_wait3A_367, %dma_wait3A_368, %dma_wait3A_369] : memref<5x40x128xf32, #tpu.memory_space<vmem>> -> memref<1x40x128xf32, #tpu.memory_space<vmem>>
        %dma_wait3A_371 = tpu.memref_squeeze %dma_wait3A_370 : memref<1x40x128xf32, #tpu.memory_space<vmem>> -> memref<40x128xf32, #tpu.memory_space<vmem>>
        %dma_wait3A_372 = arith.constant 0 : i32
        %dma_wait3A_373 = arith.constant 0 : i32
        %dma_wait3A_374 = tpu.memref_slice %arg2[%dma_wait3A_372, %dma_wait3A_373] : memref<10000x128xf32, #tpu.memory_space<hbm>> -> memref<40x128xf32, #tpu.memory_space<hbm>>
        %dma_wait3A_375 = arith.constant 0 : i32
        %dma_wait3A_376 = arith.constant 0 : i32
        %dma_wait3A_377 = tpu.memref_slice %arg10[%dma_wait3A_367, %dma_wait3A_375, %dma_wait3A_376] : memref<5x40x128xf32, #tpu.memory_space<vmem>> -> memref<1x40x128xf32, #tpu.memory_space<vmem>>
        %dma_wait3A_378 = tpu.memref_squeeze %dma_wait3A_377 : memref<1x40x128xf32, #tpu.memory_space<vmem>> -> memref<40x128xf32, #tpu.memory_space<vmem>>
        %dma_wait3A_379 = arith.constant 0 : i32
        %dma_wait3A_380 = arith.constant 0 : i32
        %dma_wait3A_381 = tpu.memref_slice %arg2[%dma_wait3A_379, %dma_wait3A_380] : memref<10000x128xf32, #tpu.memory_space<hbm>> -> memref<40x128xf32, #tpu.memory_space<hbm>>
        tpu.wait_dma2 semaphore(%arg18 : memref<!tpu.dma_semaphore, #tpu.memory_space<semaphore_mem>>) src(%dma_wait3A_381 : memref<40x128xf32, #tpu.memory_space<hbm>>) dst(%dma_wait3A_378 : memref<40x128xf32, #tpu.memory_space<vmem>>)
        %dma_start3A_382 = arith.constant 2 : i32
        %dma_start3A_383 = arith.constant 0 : i32
        %dma_start3A_384 = arith.constant 0 : i32
        %dma_start3A_385 = tpu.memref_slice %arg10[%dma_start3A_382, %dma_start3A_383, %dma_start3A_384] : memref<5x40x128xf32, #tpu.memory_space<vmem>> -> memref<1x40x128xf32, #tpu.memory_space<vmem>>
        %dma_start3A_386 = tpu.memref_squeeze %dma_start3A_385 : memref<1x40x128xf32, #tpu.memory_space<vmem>> -> memref<40x128xf32, #tpu.memory_space<vmem>>
        %dma_start3A_387 = arith.constant 0 : i32
        %dma_start3A_388 = tpu.memref_slice %arg8[%sub3A_296, %dma_start3A_387] : memref<250x40xi32, #tpu.memory_space<vmem>> -> memref<1x40xi32, #tpu.memory_space<vmem>>
        %dma_start3A_389 = tpu.memref_squeeze %dma_start3A_388 : memref<1x40xi32, #tpu.memory_space<vmem>> -> memref<40xi32, #tpu.memory_space<vmem>>
        %dma_start3A_390 = arith.constant 0 : i32
        %dma_start3A_391 = arith.constant 0 : i32
        %dma_start3A_392 = tpu.memref_slice %arg2[%dma_start3A_390, %dma_start3A_391] : memref<10000x128xf32, #tpu.memory_space<hbm>> -> memref<10000x128xf32, #tpu.memory_space<hbm>>
        tpu.enqueue_indirect_dma source(%dma_start3A_392 : memref<10000x128xf32, #tpu.memory_space<hbm>>) target(%dma_start3A_386 : memref<40x128xf32, #tpu.memory_space<vmem>>) offsets(%dma_start3A_389 : memref<40xi32, #tpu.memory_space<vmem>>) semaphore(%arg13 : memref<!tpu.dma_semaphore, #tpu.memory_space<semaphore_mem>>)
      } else {
      }
      %dma_wait3A_302 = arith.constant 3 : i32
      %dma_wait3A_303 = arith.constant 0 : i32
      %dma_wait3A_304 = arith.constant 0 : i32
      %dma_wait3A_305 = tpu.memref_slice %arg10[%dma_wait3A_302, %dma_wait3A_303, %dma_wait3A_304] : memref<5x40x128xf32, #tpu.memory_space<vmem>> -> memref<1x40x128xf32, #tpu.memory_space<vmem>>
      %dma_wait3A_306 = tpu.memref_squeeze %dma_wait3A_305 : memref<1x40x128xf32, #tpu.memory_space<vmem>> -> memref<40x128xf32, #tpu.memory_space<vmem>>
      %dma_wait3A_307 = arith.constant 0 : i32
      %dma_wait3A_308 = arith.constant 0 : i32
      %dma_wait3A_309 = tpu.memref_slice %arg2[%dma_wait3A_307, %dma_wait3A_308] : memref<10000x128xf32, #tpu.memory_space<hbm>> -> memref<40x128xf32, #tpu.memory_space<hbm>>
      %dma_wait3A_310 = arith.constant 0 : i32
      %dma_wait3A_311 = arith.constant 0 : i32
      %dma_wait3A_312 = tpu.memref_slice %arg10[%dma_wait3A_302, %dma_wait3A_310, %dma_wait3A_311] : memref<5x40x128xf32, #tpu.memory_space<vmem>> -> memref<1x40x128xf32, #tpu.memory_space<vmem>>
      %dma_wait3A_313 = tpu.memref_squeeze %dma_wait3A_312 : memref<1x40x128xf32, #tpu.memory_space<vmem>> -> memref<40x128xf32, #tpu.memory_space<vmem>>
      %dma_wait3A_314 = arith.constant 0 : i32
      %dma_wait3A_315 = arith.constant 0 : i32
      %dma_wait3A_316 = tpu.memref_slice %arg2[%dma_wait3A_314, %dma_wait3A_315] : memref<10000x128xf32, #tpu.memory_space<hbm>> -> memref<40x128xf32, #tpu.memory_space<hbm>>
      tpu.wait_dma2 semaphore(%arg14 : memref<!tpu.dma_semaphore, #tpu.memory_space<semaphore_mem>>) src(%dma_wait3A_316 : memref<40x128xf32, #tpu.memory_space<hbm>>) dst(%dma_wait3A_313 : memref<40x128xf32, #tpu.memory_space<vmem>>)
      %dma_start3A_317 = arith.constant 3 : i32
      %dma_start3A_318 = arith.constant 0 : i32
      %dma_start3A_319 = arith.constant 0 : i32
      %dma_start3A_320 = tpu.memref_slice %arg10[%dma_start3A_317, %dma_start3A_318, %dma_start3A_319] : memref<5x40x128xf32, #tpu.memory_space<vmem>> -> memref<1x40x128xf32, #tpu.memory_space<vmem>>
      %dma_start3A_321 = tpu.memref_squeeze %dma_start3A_320 : memref<1x40x128xf32, #tpu.memory_space<vmem>> -> memref<40x128xf32, #tpu.memory_space<vmem>>
      %dma_start3A_322 = arith.constant 0 : i32
      %dma_start3A_323 = tpu.memref_slice %arg9[%add3A_292, %dma_start3A_322] : memref<250x40xi32, #tpu.memory_space<vmem>> -> memref<1x40xi32, #tpu.memory_space<vmem>>
      %dma_start3A_324 = tpu.memref_squeeze %dma_start3A_323 : memref<1x40xi32, #tpu.memory_space<vmem>> -> memref<40xi32, #tpu.memory_space<vmem>>
      %dma_start3A_325 = arith.constant 0 : i32
      %dma_start3A_326 = arith.constant 0 : i32
      %dma_start3A_327 = tpu.memref_slice %arg7[%dma_start3A_325, %dma_start3A_326] : memref<10000x128xf32, #tpu.memory_space<vmem_shared>> -> memref<10000x128xf32, #tpu.memory_space<vmem_shared>>
      tpu.enqueue_indirect_dma source(%dma_start3A_321 : memref<40x128xf32, #tpu.memory_space<vmem>>) target(%dma_start3A_327 : memref<10000x128xf32, #tpu.memory_space<vmem_shared>>) offsets(%dma_start3A_324 : memref<40xi32, #tpu.memory_space<vmem>>) semaphore(%arg19 : memref<!tpu.dma_semaphore, #tpu.memory_space<semaphore_mem>>) {add = true}
      %mul3A_328 = arith.constant 5 : i32
      %mul3A_329 = arith.muli %scan3A_172, %mul3A_328 : i32
      %add3A_330 = arith.constant 4 : i32
      %add3A_331 = arith.addi %mul3A_329, %add3A_330 : i32
      %add3A_332 = arith.constant 5 : i32
      %add3A_333 = arith.addi %add3A_331, %add3A_332 : i32
      %sub3A_334 = arith.constant 1 : i32
      %sub3A_335 = arith.subi %add3A_333, %sub3A_334 : i32
      %lt3A_336 = arith.constant 250 : i32
      %lt3A_337 = arith.cmpi slt, %sub3A_335, %lt3A_336 : i32
      %convert_element_type3A_338 = arith.extui %lt3A_337 : i1 to i32
      %cond3A_339 = arith.constant 0 : i32
      %cond3A_340 = arith.cmpi ne, %convert_element_type3A_338, %cond3A_339 : i32
      scf.if %cond3A_340 {
        %dma_wait3A_367 = arith.constant 3 : i32
        %dma_wait3A_368 = arith.constant 0 : i32
        %dma_wait3A_369 = arith.constant 0 : i32
        %dma_wait3A_370 = tpu.memref_slice %arg10[%dma_wait3A_367, %dma_wait3A_368, %dma_wait3A_369] : memref<5x40x128xf32, #tpu.memory_space<vmem>> -> memref<1x40x128xf32, #tpu.memory_space<vmem>>
        %dma_wait3A_371 = tpu.memref_squeeze %dma_wait3A_370 : memref<1x40x128xf32, #tpu.memory_space<vmem>> -> memref<40x128xf32, #tpu.memory_space<vmem>>
        %dma_wait3A_372 = arith.constant 0 : i32
        %dma_wait3A_373 = arith.constant 0 : i32
        %dma_wait3A_374 = tpu.memref_slice %arg2[%dma_wait3A_372, %dma_wait3A_373] : memref<10000x128xf32, #tpu.memory_space<hbm>> -> memref<40x128xf32, #tpu.memory_space<hbm>>
        %dma_wait3A_375 = arith.constant 0 : i32
        %dma_wait3A_376 = arith.constant 0 : i32
        %dma_wait3A_377 = tpu.memref_slice %arg10[%dma_wait3A_367, %dma_wait3A_375, %dma_wait3A_376] : memref<5x40x128xf32, #tpu.memory_space<vmem>> -> memref<1x40x128xf32, #tpu.memory_space<vmem>>
        %dma_wait3A_378 = tpu.memref_squeeze %dma_wait3A_377 : memref<1x40x128xf32, #tpu.memory_space<vmem>> -> memref<40x128xf32, #tpu.memory_space<vmem>>
        %dma_wait3A_379 = arith.constant 0 : i32
        %dma_wait3A_380 = arith.constant 0 : i32
        %dma_wait3A_381 = tpu.memref_slice %arg2[%dma_wait3A_379, %dma_wait3A_380] : memref<10000x128xf32, #tpu.memory_space<hbm>> -> memref<40x128xf32, #tpu.memory_space<hbm>>
        tpu.wait_dma2 semaphore(%arg19 : memref<!tpu.dma_semaphore, #tpu.memory_space<semaphore_mem>>) src(%dma_wait3A_381 : memref<40x128xf32, #tpu.memory_space<hbm>>) dst(%dma_wait3A_378 : memref<40x128xf32, #tpu.memory_space<vmem>>)
        %dma_start3A_382 = arith.constant 3 : i32
        %dma_start3A_383 = arith.constant 0 : i32
        %dma_start3A_384 = arith.constant 0 : i32
        %dma_start3A_385 = tpu.memref_slice %arg10[%dma_start3A_382, %dma_start3A_383, %dma_start3A_384] : memref<5x40x128xf32, #tpu.memory_space<vmem>> -> memref<1x40x128xf32, #tpu.memory_space<vmem>>
        %dma_start3A_386 = tpu.memref_squeeze %dma_start3A_385 : memref<1x40x128xf32, #tpu.memory_space<vmem>> -> memref<40x128xf32, #tpu.memory_space<vmem>>
        %dma_start3A_387 = arith.constant 0 : i32
        %dma_start3A_388 = tpu.memref_slice %arg8[%sub3A_335, %dma_start3A_387] : memref<250x40xi32, #tpu.memory_space<vmem>> -> memref<1x40xi32, #tpu.memory_space<vmem>>
        %dma_start3A_389 = tpu.memref_squeeze %dma_start3A_388 : memref<1x40xi32, #tpu.memory_space<vmem>> -> memref<40xi32, #tpu.memory_space<vmem>>
        %dma_start3A_390 = arith.constant 0 : i32
        %dma_start3A_391 = arith.constant 0 : i32
        %dma_start3A_392 = tpu.memref_slice %arg2[%dma_start3A_390, %dma_start3A_391] : memref<10000x128xf32, #tpu.memory_space<hbm>> -> memref<10000x128xf32, #tpu.memory_space<hbm>>
        tpu.enqueue_indirect_dma source(%dma_start3A_392 : memref<10000x128xf32, #tpu.memory_space<hbm>>) target(%dma_start3A_386 : memref<40x128xf32, #tpu.memory_space<vmem>>) offsets(%dma_start3A_389 : memref<40xi32, #tpu.memory_space<vmem>>) semaphore(%arg14 : memref<!tpu.dma_semaphore, #tpu.memory_space<semaphore_mem>>)
      } else {
      }
      %dma_wait3A_341 = arith.constant 4 : i32
      %dma_wait3A_342 = arith.constant 0 : i32
      %dma_wait3A_343 = arith.constant 0 : i32
      %dma_wait3A_344 = tpu.memref_slice %arg10[%dma_wait3A_341, %dma_wait3A_342, %dma_wait3A_343] : memref<5x40x128xf32, #tpu.memory_space<vmem>> -> memref<1x40x128xf32, #tpu.memory_space<vmem>>
      %dma_wait3A_345 = tpu.memref_squeeze %dma_wait3A_344 : memref<1x40x128xf32, #tpu.memory_space<vmem>> -> memref<40x128xf32, #tpu.memory_space<vmem>>
      %dma_wait3A_346 = arith.constant 0 : i32
      %dma_wait3A_347 = arith.constant 0 : i32
      %dma_wait3A_348 = tpu.memref_slice %arg2[%dma_wait3A_346, %dma_wait3A_347] : memref<10000x128xf32, #tpu.memory_space<hbm>> -> memref<40x128xf32, #tpu.memory_space<hbm>>
      %dma_wait3A_349 = arith.constant 0 : i32
      %dma_wait3A_350 = arith.constant 0 : i32
      %dma_wait3A_351 = tpu.memref_slice %arg10[%dma_wait3A_341, %dma_wait3A_349, %dma_wait3A_350] : memref<5x40x128xf32, #tpu.memory_space<vmem>> -> memref<1x40x128xf32, #tpu.memory_space<vmem>>
      %dma_wait3A_352 = tpu.memref_squeeze %dma_wait3A_351 : memref<1x40x128xf32, #tpu.memory_space<vmem>> -> memref<40x128xf32, #tpu.memory_space<vmem>>
      %dma_wait3A_353 = arith.constant 0 : i32
      %dma_wait3A_354 = arith.constant 0 : i32
      %dma_wait3A_355 = tpu.memref_slice %arg2[%dma_wait3A_353, %dma_wait3A_354] : memref<10000x128xf32, #tpu.memory_space<hbm>> -> memref<40x128xf32, #tpu.memory_space<hbm>>
      tpu.wait_dma2 semaphore(%arg15 : memref<!tpu.dma_semaphore, #tpu.memory_space<semaphore_mem>>) src(%dma_wait3A_355 : memref<40x128xf32, #tpu.memory_space<hbm>>) dst(%dma_wait3A_352 : memref<40x128xf32, #tpu.memory_space<vmem>>)
      %dma_start3A_356 = arith.constant 4 : i32
      %dma_start3A_357 = arith.constant 0 : i32
      %dma_start3A_358 = arith.constant 0 : i32
      %dma_start3A_359 = tpu.memref_slice %arg10[%dma_start3A_356, %dma_start3A_357, %dma_start3A_358] : memref<5x40x128xf32, #tpu.memory_space<vmem>> -> memref<1x40x128xf32, #tpu.memory_space<vmem>>
      %dma_start3A_360 = tpu.memref_squeeze %dma_start3A_359 : memref<1x40x128xf32, #tpu.memory_space<vmem>> -> memref<40x128xf32, #tpu.memory_space<vmem>>
      %dma_start3A_361 = arith.constant 0 : i32
      %dma_start3A_362 = tpu.memref_slice %arg9[%add3A_331, %dma_start3A_361] : memref<250x40xi32, #tpu.memory_space<vmem>> -> memref<1x40xi32, #tpu.memory_space<vmem>>
      %dma_start3A_363 = tpu.memref_squeeze %dma_start3A_362 : memref<1x40xi32, #tpu.memory_space<vmem>> -> memref<40xi32, #tpu.memory_space<vmem>>
      %dma_start3A_364 = arith.constant 0 : i32
      %dma_start3A_365 = arith.constant 0 : i32
      %dma_start3A_366 = tpu.memref_slice %arg7[%dma_start3A_364, %dma_start3A_365] : memref<10000x128xf32, #tpu.memory_space<vmem_shared>> -> memref<10000x128xf32, #tpu.memory_space<vmem_shared>>
      tpu.enqueue_indirect_dma source(%dma_start3A_360 : memref<40x128xf32, #tpu.memory_space<vmem>>) target(%dma_start3A_366 : memref<10000x128xf32, #tpu.memory_space<vmem_shared>>) offsets(%dma_start3A_363 : memref<40xi32, #tpu.memory_space<vmem>>) semaphore(%arg20 : memref<!tpu.dma_semaphore, #tpu.memory_space<semaphore_mem>>) {add = true}
    }
    %scan3A_90 = arith.constant 50 : i32
    %dma_wait3A_91 = arith.constant 0 : i32
    %dma_wait3A_92 = arith.constant 0 : i32
    %dma_wait3A_93 = arith.constant 0 : i32
    %dma_wait3A_94 = tpu.memref_slice %arg10[%dma_wait3A_91, %dma_wait3A_92, %dma_wait3A_93] : memref<5x40x128xf32, #tpu.memory_space<vmem>> -> memref<1x40x128xf32, #tpu.memory_space<vmem>>
    %dma_wait3A_95 = tpu.memref_squeeze %dma_wait3A_94 : memref<1x40x128xf32, #tpu.memory_space<vmem>> -> memref<40x128xf32, #tpu.memory_space<vmem>>
    %dma_wait3A_96 = arith.constant 0 : i32
    %dma_wait3A_97 = arith.constant 0 : i32
    %dma_wait3A_98 = tpu.memref_slice %arg2[%dma_wait3A_96, %dma_wait3A_97] : memref<10000x128xf32, #tpu.memory_space<hbm>> -> memref<40x128xf32, #tpu.memory_space<hbm>>
    %dma_wait3A_99 = arith.constant 0 : i32
    %dma_wait3A_100 = arith.constant 0 : i32
    %dma_wait3A_101 = tpu.memref_slice %arg10[%dma_wait3A_91, %dma_wait3A_99, %dma_wait3A_100] : memref<5x40x128xf32, #tpu.memory_space<vmem>> -> memref<1x40x128xf32, #tpu.memory_space<vmem>>
    %dma_wait3A_102 = tpu.memref_squeeze %dma_wait3A_101 : memref<1x40x128xf32, #tpu.memory_space<vmem>> -> memref<40x128xf32, #tpu.memory_space<vmem>>
    %dma_wait3A_103 = arith.constant 0 : i32
    %dma_wait3A_104 = arith.constant 0 : i32
    %dma_wait3A_105 = tpu.memref_slice %arg2[%dma_wait3A_103, %dma_wait3A_104] : memref<10000x128xf32, #tpu.memory_space<hbm>> -> memref<40x128xf32, #tpu.memory_space<hbm>>
    tpu.wait_dma2 semaphore(%arg16 : memref<!tpu.dma_semaphore, #tpu.memory_space<semaphore_mem>>) src(%dma_wait3A_105 : memref<40x128xf32, #tpu.memory_space<hbm>>) dst(%dma_wait3A_102 : memref<40x128xf32, #tpu.memory_space<vmem>>)
    %dma_wait3A_106 = arith.constant 1 : i32
    %dma_wait3A_107 = arith.constant 0 : i32
    %dma_wait3A_108 = arith.constant 0 : i32
    %dma_wait3A_109 = tpu.memref_slice %arg10[%dma_wait3A_106, %dma_wait3A_107, %dma_wait3A_108] : memref<5x40x128xf32, #tpu.memory_space<vmem>> -> memref<1x40x128xf32, #tpu.memory_space<vmem>>
    %dma_wait3A_110 = tpu.memref_squeeze %dma_wait3A_109 : memref<1x40x128xf32, #tpu.memory_space<vmem>> -> memref<40x128xf32, #tpu.memory_space<vmem>>
    %dma_wait3A_111 = arith.constant 0 : i32
    %dma_wait3A_112 = arith.constant 0 : i32
    %dma_wait3A_113 = tpu.memref_slice %arg2[%dma_wait3A_111, %dma_wait3A_112] : memref<10000x128xf32, #tpu.memory_space<hbm>> -> memref<40x128xf32, #tpu.memory_space<hbm>>
    %dma_wait3A_114 = arith.constant 0 : i32
    %dma_wait3A_115 = arith.constant 0 : i32
    %dma_wait3A_116 = tpu.memref_slice %arg10[%dma_wait3A_106, %dma_wait3A_114, %dma_wait3A_115] : memref<5x40x128xf32, #tpu.memory_space<vmem>> -> memref<1x40x128xf32, #tpu.memory_space<vmem>>
    %dma_wait3A_117 = tpu.memref_squeeze %dma_wait3A_116 : memref<1x40x128xf32, #tpu.memory_space<vmem>> -> memref<40x128xf32, #tpu.memory_space<vmem>>
    %dma_wait3A_118 = arith.constant 0 : i32
    %dma_wait3A_119 = arith.constant 0 : i32
    %dma_wait3A_120 = tpu.memref_slice %arg2[%dma_wait3A_118, %dma_wait3A_119] : memref<10000x128xf32, #tpu.memory_space<hbm>> -> memref<40x128xf32, #tpu.memory_space<hbm>>
    tpu.wait_dma2 semaphore(%arg17 : memref<!tpu.dma_semaphore, #tpu.memory_space<semaphore_mem>>) src(%dma_wait3A_120 : memref<40x128xf32, #tpu.memory_space<hbm>>) dst(%dma_wait3A_117 : memref<40x128xf32, #tpu.memory_space<vmem>>)
    %dma_wait3A_121 = arith.constant 2 : i32
    %dma_wait3A_122 = arith.constant 0 : i32
    %dma_wait3A_123 = arith.constant 0 : i32
    %dma_wait3A_124 = tpu.memref_slice %arg10[%dma_wait3A_121, %dma_wait3A_122, %dma_wait3A_123] : memref<5x40x128xf32, #tpu.memory_space<vmem>> -> memref<1x40x128xf32, #tpu.memory_space<vmem>>
    %dma_wait3A_125 = tpu.memref_squeeze %dma_wait3A_124 : memref<1x40x128xf32, #tpu.memory_space<vmem>> -> memref<40x128xf32, #tpu.memory_space<vmem>>
    %dma_wait3A_126 = arith.constant 0 : i32
    %dma_wait3A_127 = arith.constant 0 : i32
    %dma_wait3A_128 = tpu.memref_slice %arg2[%dma_wait3A_126, %dma_wait3A_127] : memref<10000x128xf32, #tpu.memory_space<hbm>> -> memref<40x128xf32, #tpu.memory_space<hbm>>
    %dma_wait3A_129 = arith.constant 0 : i32
    %dma_wait3A_130 = arith.constant 0 : i32
    %dma_wait3A_131 = tpu.memref_slice %arg10[%dma_wait3A_121, %dma_wait3A_129, %dma_wait3A_130] : memref<5x40x128xf32, #tpu.memory_space<vmem>> -> memref<1x40x128xf32, #tpu.memory_space<vmem>>
    %dma_wait3A_132 = tpu.memref_squeeze %dma_wait3A_131 : memref<1x40x128xf32, #tpu.memory_space<vmem>> -> memref<40x128xf32, #tpu.memory_space<vmem>>
    %dma_wait3A_133 = arith.constant 0 : i32
    %dma_wait3A_134 = arith.constant 0 : i32
    %dma_wait3A_135 = tpu.memref_slice %arg2[%dma_wait3A_133, %dma_wait3A_134] : memref<10000x128xf32, #tpu.memory_space<hbm>> -> memref<40x128xf32, #tpu.memory_space<hbm>>
    tpu.wait_dma2 semaphore(%arg18 : memref<!tpu.dma_semaphore, #tpu.memory_space<semaphore_mem>>) src(%dma_wait3A_135 : memref<40x128xf32, #tpu.memory_space<hbm>>) dst(%dma_wait3A_132 : memref<40x128xf32, #tpu.memory_space<vmem>>)
    %dma_wait3A_136 = arith.constant 3 : i32
    %dma_wait3A_137 = arith.constant 0 : i32
    %dma_wait3A_138 = arith.constant 0 : i32
    %dma_wait3A_139 = tpu.memref_slice %arg10[%dma_wait3A_136, %dma_wait3A_137, %dma_wait3A_138] : memref<5x40x128xf32, #tpu.memory_space<vmem>> -> memref<1x40x128xf32, #tpu.memory_space<vmem>>
    %dma_wait3A_140 = tpu.memref_squeeze %dma_wait3A_139 : memref<1x40x128xf32, #tpu.memory_space<vmem>> -> memref<40x128xf32, #tpu.memory_space<vmem>>
    %dma_wait3A_141 = arith.constant 0 : i32
    %dma_wait3A_142 = arith.constant 0 : i32
    %dma_wait3A_143 = tpu.memref_slice %arg2[%dma_wait3A_141, %dma_wait3A_142] : memref<10000x128xf32, #tpu.memory_space<hbm>> -> memref<40x128xf32, #tpu.memory_space<hbm>>
    %dma_wait3A_144 = arith.constant 0 : i32
    %dma_wait3A_145 = arith.constant 0 : i32
    %dma_wait3A_146 = tpu.memref_slice %arg10[%dma_wait3A_136, %dma_wait3A_144, %dma_wait3A_145] : memref<5x40x128xf32, #tpu.memory_space<vmem>> -> memref<1x40x128xf32, #tpu.memory_space<vmem>>
    %dma_wait3A_147 = tpu.memref_squeeze %dma_wait3A_146 : memref<1x40x128xf32, #tpu.memory_space<vmem>> -> memref<40x128xf32, #tpu.memory_space<vmem>>
    %dma_wait3A_148 = arith.constant 0 : i32
    %dma_wait3A_149 = arith.constant 0 : i32
    %dma_wait3A_150 = tpu.memref_slice %arg2[%dma_wait3A_148, %dma_wait3A_149] : memref<10000x128xf32, #tpu.memory_space<hbm>> -> memref<40x128xf32, #tpu.memory_space<hbm>>
    tpu.wait_dma2 semaphore(%arg19 : memref<!tpu.dma_semaphore, #tpu.memory_space<semaphore_mem>>) src(%dma_wait3A_150 : memref<40x128xf32, #tpu.memory_space<hbm>>) dst(%dma_wait3A_147 : memref<40x128xf32, #tpu.memory_space<vmem>>)
    %dma_wait3A_151 = arith.constant 4 : i32
    %dma_wait3A_152 = arith.constant 0 : i32
    %dma_wait3A_153 = arith.constant 0 : i32
    %dma_wait3A_154 = tpu.memref_slice %arg10[%dma_wait3A_151, %dma_wait3A_152, %dma_wait3A_153] : memref<5x40x128xf32, #tpu.memory_space<vmem>> -> memref<1x40x128xf32, #tpu.memory_space<vmem>>
    %dma_wait3A_155 = tpu.memref_squeeze %dma_wait3A_154 : memref<1x40x128xf32, #tpu.memory_space<vmem>> -> memref<40x128xf32, #tpu.memory_space<vmem>>
    %dma_wait3A_156 = arith.constant 0 : i32
    %dma_wait3A_157 = arith.constant 0 : i32
    %dma_wait3A_158 = tpu.memref_slice %arg2[%dma_wait3A_156, %dma_wait3A_157] : memref<10000x128xf32, #tpu.memory_space<hbm>> -> memref<40x128xf32, #tpu.memory_space<hbm>>
    %dma_wait3A_159 = arith.constant 0 : i32
    %dma_wait3A_160 = arith.constant 0 : i32
    %dma_wait3A_161 = tpu.memref_slice %arg10[%dma_wait3A_151, %dma_wait3A_159, %dma_wait3A_160] : memref<5x40x128xf32, #tpu.memory_space<vmem>> -> memref<1x40x128xf32, #tpu.memory_space<vmem>>
    %dma_wait3A_162 = tpu.memref_squeeze %dma_wait3A_161 : memref<1x40x128xf32, #tpu.memory_space<vmem>> -> memref<40x128xf32, #tpu.memory_space<vmem>>
    %dma_wait3A_163 = arith.constant 0 : i32
    %dma_wait3A_164 = arith.constant 0 : i32
    %dma_wait3A_165 = tpu.memref_slice %arg2[%dma_wait3A_163, %dma_wait3A_164] : memref<10000x128xf32, #tpu.memory_space<hbm>> -> memref<40x128xf32, #tpu.memory_space<hbm>>
    tpu.wait_dma2 semaphore(%arg20 : memref<!tpu.dma_semaphore, #tpu.memory_space<semaphore_mem>>) src(%dma_wait3A_165 : memref<40x128xf32, #tpu.memory_space<hbm>>) dst(%dma_wait3A_162 : memref<40x128xf32, #tpu.memory_space<vmem>>)
    %barrier3A_166 = arith.constant 0 : index
    tpu.barrier barrier_id(%barrier3A_166)
    %lt3A_167 = arith.constant 10 : i32
    %lt3A_168 = arith.cmpi slt, %arg1, %lt3A_167 : i32
    %convert_element_type3A_169 = arith.extui %lt3A_168 : i1 to i32
    %cond3A_170 = arith.constant 0 : i32
    %cond3A_171 = arith.cmpi ne, %convert_element_type3A_169, %cond3A_170 : i32
    scf.if %cond3A_171 {
      %mul3A_172 = arith.constant 1000 : i32
      %mul3A_173 = arith.muli %arg1, %mul3A_172 : i32
      %mul3A_174 = arith.constant 1000 : i32
      %mul3A_175 = arith.muli %arg1, %mul3A_174 : i32
      "tpu.region"() ({
        %run_scoped3A = tpu.sem_alloc : memref<!tpu.dma_semaphore, #tpu.memory_space<semaphore_mem>>
        %dma_start3A_176 = arith.constant 0 : i32
        %dma_start3A_177 = tpu.memref_slice %arg6[%arg0, %mul3A_175, %dma_start3A_176] : memref<2x10000x128xf32, #tpu.memory_space<hbm>> -> memref<1x1000x128xf32, #tpu.memory_space<hbm>>
        %dma_start3A_178 = tpu.memref_squeeze %dma_start3A_177 : memref<1x1000x128xf32, #tpu.memory_space<hbm>> -> memref<1000x128xf32, #tpu.memory_space<hbm>>
        %dma_start3A_179 = arith.constant 0 : i32
        %dma_start3A_180 = tpu.memref_slice %arg7[%mul3A_173, %dma_start3A_179] : memref<10000x128xf32, #tpu.memory_space<vmem_shared>> -> memref<1000x128xf32, #tpu.memory_space<vmem_shared>>
        tpu.enqueue_dma source(%dma_start3A_180 : memref<1000x128xf32, #tpu.memory_space<vmem_shared>>) target(%dma_start3A_178 : memref<1000x128xf32, #tpu.memory_space<hbm>>) target_semaphore(%run_scoped3A : memref<!tpu.dma_semaphore, #tpu.memory_space<semaphore_mem>>)
        %dma_wait3A_181 = arith.constant 0 : i32
        %dma_wait3A_182 = tpu.memref_slice %arg6[%arg0, %mul3A_175, %dma_wait3A_181] : memref<2x10000x128xf32, #tpu.memory_space<hbm>> -> memref<1x1000x128xf32, #tpu.memory_space<hbm>>
        %dma_wait3A_183 = tpu.memref_squeeze %dma_wait3A_182 : memref<1x1000x128xf32, #tpu.memory_space<hbm>> -> memref<1000x128xf32, #tpu.memory_space<hbm>>
        %dma_wait3A_184 = arith.constant 0 : i32
        %dma_wait3A_185 = tpu.memref_slice %arg7[%mul3A_173, %dma_wait3A_184] : memref<10000x128xf32, #tpu.memory_space<vmem_shared>> -> memref<1000x128xf32, #tpu.memory_space<vmem_shared>>
        tpu.wait_dma2 semaphore(%run_scoped3A : memref<!tpu.dma_semaphore, #tpu.memory_space<semaphore_mem>>) src(%dma_wait3A_185 : memref<1000x128xf32, #tpu.memory_space<vmem_shared>>) dst(%dma_wait3A_183 : memref<1000x128xf32, #tpu.memory_space<hbm>>)
        tpu.yield
      }) : () -> ()
    } else {
    }
    return
  }
}

#map = affine_map<(d0, d1) -> (0, 0, 0)>
#map1 = affine_map<(d0, d1) -> (0, 0)>
module attributes {stable_mosaic.version = 14 : i64} {
  func.func @_deg_body(%arg0: i32, %arg1: i32, %arg2: memref<32x250x40xi32, #tpu.memory_space<hbm>>, %arg3: memref<40x16xf32, #tpu.memory_space<hbm>>, %arg4: memref<1000x16xf32, #tpu.memory_space<hbm>>, %arg5: memref<2x10000x16xf32, #tpu.memory_space<hbm>>, %arg6: memref<10000x16xf32, #tpu.memory_space<vmem_shared>>, %arg7: memref<250x40xi32, #tpu.memory_space<vmem>>, %arg8: memref<40x16xf32, #tpu.memory_space<vmem>>, %arg9: memref<!tpu.dma_semaphore, #tpu.memory_space<semaphore_mem>>, %arg10: memref<!tpu.dma_semaphore, #tpu.memory_space<semaphore_mem>>, %arg11: memref<!tpu.dma_semaphore, #tpu.memory_space<semaphore_mem>>, %arg12: memref<!tpu.dma_semaphore, #tpu.memory_space<semaphore_mem>>, %arg13: memref<!tpu.dma_semaphore, #tpu.memory_space<semaphore_mem>>) attributes {dimension_semantics = [#tpu.dimension_semantics<core_parallel>, #tpu.dimension_semantics<subcore_parallel>], iteration_bounds = array<i64: 2, 16>, scalar_prefetch = 0 : i64, scratch_operands = 8 : i64, tpu.core_type = #tpu.core_type<sc_vector_subcore>, window_params = [{transform_indices = #map}, {transform_indices = #map1}, {transform_indices = #map1}, {transform_indices = #map}]} {
    %mul3A = arith.constant 2 : i32
    %mul3A_0 = arith.muli %arg1, %mul3A : i32
    %add3A = arith.addi %mul3A_0, %arg0 : i32
    %lt3A = arith.constant 10 : i32
    %lt3A_1 = arith.cmpi slt, %arg1, %lt3A : i32
    %convert_element_type3A = arith.extui %lt3A_1 : i1 to i32
    %cond3A = arith.constant 0 : i32
    %cond3A_2 = arith.cmpi ne, %convert_element_type3A, %cond3A : i32
    scf.if %cond3A_2 {
      %mul3A_33 = arith.constant 1000 : i32
      %mul3A_34 = arith.muli %arg1, %mul3A_33 : i32
      %dma_start3A_35 = arith.constant 0 : i32
      %dma_start3A_36 = tpu.memref_slice %arg6[%mul3A_34, %dma_start3A_35] : memref<10000x16xf32, #tpu.memory_space<vmem_shared>> -> memref<1000x16xf32, #tpu.memory_space<vmem_shared>>
      tpu.enqueue_dma source(%arg4 : memref<1000x16xf32, #tpu.memory_space<hbm>>) target(%dma_start3A_36 : memref<1000x16xf32, #tpu.memory_space<vmem_shared>>) target_semaphore(%arg9 : memref<!tpu.dma_semaphore, #tpu.memory_space<semaphore_mem>>)
    } else {
    }
    %dma_start3A = arith.constant 0 : i32
    %dma_start3A_3 = arith.constant 0 : i32
    %dma_start3A_4 = tpu.memref_slice %arg2[%add3A, %dma_start3A, %dma_start3A_3] : memref<32x250x40xi32, #tpu.memory_space<hbm>> -> memref<1x250x40xi32, #tpu.memory_space<hbm>>
    %dma_start3A_5 = tpu.memref_squeeze %dma_start3A_4 : memref<1x250x40xi32, #tpu.memory_space<hbm>> -> memref<250x40xi32, #tpu.memory_space<hbm>>
    %dma_start3A_6 = arith.constant 0 : i32
    %dma_start3A_7 = arith.constant 0 : i32
    %dma_start3A_8 = tpu.memref_slice %arg2[%add3A, %dma_start3A_6, %dma_start3A_7] : memref<32x250x40xi32, #tpu.memory_space<hbm>> -> memref<1x250x40xi32, #tpu.memory_space<hbm>>
    %dma_start3A_9 = tpu.memref_squeeze %dma_start3A_8 : memref<1x250x40xi32, #tpu.memory_space<hbm>> -> memref<250x40xi32, #tpu.memory_space<hbm>>
    tpu.enqueue_dma source(%dma_start3A_9 : memref<250x40xi32, #tpu.memory_space<hbm>>) target(%arg7 : memref<250x40xi32, #tpu.memory_space<vmem>>) target_semaphore(%arg10 : memref<!tpu.dma_semaphore, #tpu.memory_space<semaphore_mem>>)
    "tpu.region"() ({
      %run_scoped3A = tpu.sem_alloc : memref<!tpu.dma_semaphore, #tpu.memory_space<semaphore_mem>>
      tpu.enqueue_dma source(%arg3 : memref<40x16xf32, #tpu.memory_space<hbm>>) target(%arg8 : memref<40x16xf32, #tpu.memory_space<vmem>>) target_semaphore(%run_scoped3A : memref<!tpu.dma_semaphore, #tpu.memory_space<semaphore_mem>>)
      tpu.wait_dma2 semaphore(%run_scoped3A : memref<!tpu.dma_semaphore, #tpu.memory_space<semaphore_mem>>) src(%arg3 : memref<40x16xf32, #tpu.memory_space<hbm>>) dst(%arg8 : memref<40x16xf32, #tpu.memory_space<vmem>>)
      tpu.yield
    }) : () -> ()
    %dma_wait3A = arith.constant 0 : i32
    %dma_wait3A_10 = arith.constant 0 : i32
    %dma_wait3A_11 = tpu.memref_slice %arg2[%add3A, %dma_wait3A, %dma_wait3A_10] : memref<32x250x40xi32, #tpu.memory_space<hbm>> -> memref<1x250x40xi32, #tpu.memory_space<hbm>>
    %dma_wait3A_12 = tpu.memref_squeeze %dma_wait3A_11 : memref<1x250x40xi32, #tpu.memory_space<hbm>> -> memref<250x40xi32, #tpu.memory_space<hbm>>
    %dma_wait3A_13 = arith.constant 0 : i32
    %dma_wait3A_14 = arith.constant 0 : i32
    %dma_wait3A_15 = tpu.memref_slice %arg2[%add3A, %dma_wait3A_13, %dma_wait3A_14] : memref<32x250x40xi32, #tpu.memory_space<hbm>> -> memref<1x250x40xi32, #tpu.memory_space<hbm>>
    %dma_wait3A_16 = tpu.memref_squeeze %dma_wait3A_15 : memref<1x250x40xi32, #tpu.memory_space<hbm>> -> memref<250x40xi32, #tpu.memory_space<hbm>>
    tpu.wait_dma2 semaphore(%arg10 : memref<!tpu.dma_semaphore, #tpu.memory_space<semaphore_mem>>) src(%dma_wait3A_16 : memref<250x40xi32, #tpu.memory_space<hbm>>) dst(%arg7 : memref<250x40xi32, #tpu.memory_space<vmem>>)
    %lt3A_17 = arith.constant 10 : i32
    %lt3A_18 = arith.cmpi slt, %arg1, %lt3A_17 : i32
    %convert_element_type3A_19 = arith.extui %lt3A_18 : i1 to i32
    %cond3A_20 = arith.constant 0 : i32
    %cond3A_21 = arith.cmpi ne, %convert_element_type3A_19, %cond3A_20 : i32
    scf.if %cond3A_21 {
      %mul3A_33 = arith.constant 1000 : i32
      %mul3A_34 = arith.muli %arg1, %mul3A_33 : i32
      %dma_wait3A_35 = arith.constant 0 : i32
      %dma_wait3A_36 = tpu.memref_slice %arg6[%mul3A_34, %dma_wait3A_35] : memref<10000x16xf32, #tpu.memory_space<vmem_shared>> -> memref<1000x16xf32, #tpu.memory_space<vmem_shared>>
      tpu.wait_dma2 semaphore(%arg9 : memref<!tpu.dma_semaphore, #tpu.memory_space<semaphore_mem>>) src(%arg4 : memref<1000x16xf32, #tpu.memory_space<hbm>>) dst(%dma_wait3A_36 : memref<1000x16xf32, #tpu.memory_space<vmem_shared>>)
    } else {
    }
    %barrier3A = arith.constant 0 : index
    tpu.barrier barrier_id(%barrier3A)
    %scan3A = arith.constant 0 : i32
    %scan3A_22 = arith.constant 0 : i32
    %scan3A_23 = arith.constant 50 : i32
    %scan3A_24 = arith.addi %scan3A_22, %scan3A_23 : i32
    %scan3A_25 = arith.constant 1 : i32
    scf.for %scan3A_33 = %scan3A_22 to %scan3A_24 step %scan3A_25  : i32 {
      %mul3A_34 = arith.constant 5 : i32
      %mul3A_35 = arith.muli %scan3A_33, %mul3A_34 : i32
      %add3A_36 = arith.constant 0 : i32
      %add3A_37 = arith.addi %mul3A_35, %add3A_36 : i32
      %gt3A = arith.constant 0 : i32
      %gt3A_38 = arith.cmpi sgt, %scan3A_33, %gt3A : i32
      %convert_element_type3A_39 = arith.extui %gt3A_38 : i1 to i32
      %cond3A_40 = arith.constant 0 : i32
      %cond3A_41 = arith.cmpi ne, %convert_element_type3A_39, %cond3A_40 : i32
      scf.if %cond3A_41 {
        tpu.wait_dma2 semaphore(%arg9 : memref<!tpu.dma_semaphore, #tpu.memory_space<semaphore_mem>>) src(%arg3 : memref<40x16xf32, #tpu.memory_space<hbm>>) dst(%arg8 : memref<40x16xf32, #tpu.memory_space<vmem>>)
      } else {
      }
      %dma_start3A_42 = arith.constant 0 : i32
      %dma_start3A_43 = tpu.memref_slice %arg7[%add3A_37, %dma_start3A_42] : memref<250x40xi32, #tpu.memory_space<vmem>> -> memref<1x40xi32, #tpu.memory_space<vmem>>
      %dma_start3A_44 = tpu.memref_squeeze %dma_start3A_43 : memref<1x40xi32, #tpu.memory_space<vmem>> -> memref<40xi32, #tpu.memory_space<vmem>>
      %dma_start3A_45 = arith.constant 0 : i32
      %dma_start3A_46 = arith.constant 0 : i32
      %dma_start3A_47 = tpu.memref_slice %arg6[%dma_start3A_45, %dma_start3A_46] : memref<10000x16xf32, #tpu.memory_space<vmem_shared>> -> memref<10000x16xf32, #tpu.memory_space<vmem_shared>>
      tpu.enqueue_indirect_dma source(%arg8 : memref<40x16xf32, #tpu.memory_space<vmem>>) target(%dma_start3A_47 : memref<10000x16xf32, #tpu.memory_space<vmem_shared>>) offsets(%dma_start3A_44 : memref<40xi32, #tpu.memory_space<vmem>>) semaphore(%arg9 : memref<!tpu.dma_semaphore, #tpu.memory_space<semaphore_mem>>) {add = true}
      %mul3A_48 = arith.constant 5 : i32
      %mul3A_49 = arith.muli %scan3A_33, %mul3A_48 : i32
      %add3A_50 = arith.constant 1 : i32
      %add3A_51 = arith.addi %mul3A_49, %add3A_50 : i32
      %gt3A_52 = arith.constant 0 : i32
      %gt3A_53 = arith.cmpi sgt, %scan3A_33, %gt3A_52 : i32
      %convert_element_type3A_54 = arith.extui %gt3A_53 : i1 to i32
      %cond3A_55 = arith.constant 0 : i32
      %cond3A_56 = arith.cmpi ne, %convert_element_type3A_54, %cond3A_55 : i32
      scf.if %cond3A_56 {
        tpu.wait_dma2 semaphore(%arg10 : memref<!tpu.dma_semaphore, #tpu.memory_space<semaphore_mem>>) src(%arg3 : memref<40x16xf32, #tpu.memory_space<hbm>>) dst(%arg8 : memref<40x16xf32, #tpu.memory_space<vmem>>)
      } else {
      }
      %dma_start3A_57 = arith.constant 0 : i32
      %dma_start3A_58 = tpu.memref_slice %arg7[%add3A_51, %dma_start3A_57] : memref<250x40xi32, #tpu.memory_space<vmem>> -> memref<1x40xi32, #tpu.memory_space<vmem>>
      %dma_start3A_59 = tpu.memref_squeeze %dma_start3A_58 : memref<1x40xi32, #tpu.memory_space<vmem>> -> memref<40xi32, #tpu.memory_space<vmem>>
      %dma_start3A_60 = arith.constant 0 : i32
      %dma_start3A_61 = arith.constant 0 : i32
      %dma_start3A_62 = tpu.memref_slice %arg6[%dma_start3A_60, %dma_start3A_61] : memref<10000x16xf32, #tpu.memory_space<vmem_shared>> -> memref<10000x16xf32, #tpu.memory_space<vmem_shared>>
      tpu.enqueue_indirect_dma source(%arg8 : memref<40x16xf32, #tpu.memory_space<vmem>>) target(%dma_start3A_62 : memref<10000x16xf32, #tpu.memory_space<vmem_shared>>) offsets(%dma_start3A_59 : memref<40xi32, #tpu.memory_space<vmem>>) semaphore(%arg10 : memref<!tpu.dma_semaphore, #tpu.memory_space<semaphore_mem>>) {add = true}
      %mul3A_63 = arith.constant 5 : i32
      %mul3A_64 = arith.muli %scan3A_33, %mul3A_63 : i32
      %add3A_65 = arith.constant 2 : i32
      %add3A_66 = arith.addi %mul3A_64, %add3A_65 : i32
      %gt3A_67 = arith.constant 0 : i32
      %gt3A_68 = arith.cmpi sgt, %scan3A_33, %gt3A_67 : i32
      %convert_element_type3A_69 = arith.extui %gt3A_68 : i1 to i32
      %cond3A_70 = arith.constant 0 : i32
      %cond3A_71 = arith.cmpi ne, %convert_element_type3A_69, %cond3A_70 : i32
      scf.if %cond3A_71 {
        tpu.wait_dma2 semaphore(%arg11 : memref<!tpu.dma_semaphore, #tpu.memory_space<semaphore_mem>>) src(%arg3 : memref<40x16xf32, #tpu.memory_space<hbm>>) dst(%arg8 : memref<40x16xf32, #tpu.memory_space<vmem>>)
      } else {
      }
      %dma_start3A_72 = arith.constant 0 : i32
      %dma_start3A_73 = tpu.memref_slice %arg7[%add3A_66, %dma_start3A_72] : memref<250x40xi32, #tpu.memory_space<vmem>> -> memref<1x40xi32, #tpu.memory_space<vmem>>
      %dma_start3A_74 = tpu.memref_squeeze %dma_start3A_73 : memref<1x40xi32, #tpu.memory_space<vmem>> -> memref<40xi32, #tpu.memory_space<vmem>>
      %dma_start3A_75 = arith.constant 0 : i32
      %dma_start3A_76 = arith.constant 0 : i32
      %dma_start3A_77 = tpu.memref_slice %arg6[%dma_start3A_75, %dma_start3A_76] : memref<10000x16xf32, #tpu.memory_space<vmem_shared>> -> memref<10000x16xf32, #tpu.memory_space<vmem_shared>>
      tpu.enqueue_indirect_dma source(%arg8 : memref<40x16xf32, #tpu.memory_space<vmem>>) target(%dma_start3A_77 : memref<10000x16xf32, #tpu.memory_space<vmem_shared>>) offsets(%dma_start3A_74 : memref<40xi32, #tpu.memory_space<vmem>>) semaphore(%arg11 : memref<!tpu.dma_semaphore, #tpu.memory_space<semaphore_mem>>) {add = true}
      %mul3A_78 = arith.constant 5 : i32
      %mul3A_79 = arith.muli %scan3A_33, %mul3A_78 : i32
      %add3A_80 = arith.constant 3 : i32
      %add3A_81 = arith.addi %mul3A_79, %add3A_80 : i32
      %gt3A_82 = arith.constant 0 : i32
      %gt3A_83 = arith.cmpi sgt, %scan3A_33, %gt3A_82 : i32
      %convert_element_type3A_84 = arith.extui %gt3A_83 : i1 to i32
      %cond3A_85 = arith.constant 0 : i32
      %cond3A_86 = arith.cmpi ne, %convert_element_type3A_84, %cond3A_85 : i32
      scf.if %cond3A_86 {
        tpu.wait_dma2 semaphore(%arg12 : memref<!tpu.dma_semaphore, #tpu.memory_space<semaphore_mem>>) src(%arg3 : memref<40x16xf32, #tpu.memory_space<hbm>>) dst(%arg8 : memref<40x16xf32, #tpu.memory_space<vmem>>)
      } else {
      }
      %dma_start3A_87 = arith.constant 0 : i32
      %dma_start3A_88 = tpu.memref_slice %arg7[%add3A_81, %dma_start3A_87] : memref<250x40xi32, #tpu.memory_space<vmem>> -> memref<1x40xi32, #tpu.memory_space<vmem>>
      %dma_start3A_89 = tpu.memref_squeeze %dma_start3A_88 : memref<1x40xi32, #tpu.memory_space<vmem>> -> memref<40xi32, #tpu.memory_space<vmem>>
      %dma_start3A_90 = arith.constant 0 : i32
      %dma_start3A_91 = arith.constant 0 : i32
      %dma_start3A_92 = tpu.memref_slice %arg6[%dma_start3A_90, %dma_start3A_91] : memref<10000x16xf32, #tpu.memory_space<vmem_shared>> -> memref<10000x16xf32, #tpu.memory_space<vmem_shared>>
      tpu.enqueue_indirect_dma source(%arg8 : memref<40x16xf32, #tpu.memory_space<vmem>>) target(%dma_start3A_92 : memref<10000x16xf32, #tpu.memory_space<vmem_shared>>) offsets(%dma_start3A_89 : memref<40xi32, #tpu.memory_space<vmem>>) semaphore(%arg12 : memref<!tpu.dma_semaphore, #tpu.memory_space<semaphore_mem>>) {add = true}
      %mul3A_93 = arith.constant 5 : i32
      %mul3A_94 = arith.muli %scan3A_33, %mul3A_93 : i32
      %add3A_95 = arith.constant 4 : i32
      %add3A_96 = arith.addi %mul3A_94, %add3A_95 : i32
      %gt3A_97 = arith.constant 0 : i32
      %gt3A_98 = arith.cmpi sgt, %scan3A_33, %gt3A_97 : i32
      %convert_element_type3A_99 = arith.extui %gt3A_98 : i1 to i32
      %cond3A_100 = arith.constant 0 : i32
      %cond3A_101 = arith.cmpi ne, %convert_element_type3A_99, %cond3A_100 : i32
      scf.if %cond3A_101 {
        tpu.wait_dma2 semaphore(%arg13 : memref<!tpu.dma_semaphore, #tpu.memory_space<semaphore_mem>>) src(%arg3 : memref<40x16xf32, #tpu.memory_space<hbm>>) dst(%arg8 : memref<40x16xf32, #tpu.memory_space<vmem>>)
      } else {
      }
      %dma_start3A_102 = arith.constant 0 : i32
      %dma_start3A_103 = tpu.memref_slice %arg7[%add3A_96, %dma_start3A_102] : memref<250x40xi32, #tpu.memory_space<vmem>> -> memref<1x40xi32, #tpu.memory_space<vmem>>
      %dma_start3A_104 = tpu.memref_squeeze %dma_start3A_103 : memref<1x40xi32, #tpu.memory_space<vmem>> -> memref<40xi32, #tpu.memory_space<vmem>>
      %dma_start3A_105 = arith.constant 0 : i32
      %dma_start3A_106 = arith.constant 0 : i32
      %dma_start3A_107 = tpu.memref_slice %arg6[%dma_start3A_105, %dma_start3A_106] : memref<10000x16xf32, #tpu.memory_space<vmem_shared>> -> memref<10000x16xf32, #tpu.memory_space<vmem_shared>>
      tpu.enqueue_indirect_dma source(%arg8 : memref<40x16xf32, #tpu.memory_space<vmem>>) target(%dma_start3A_107 : memref<10000x16xf32, #tpu.memory_space<vmem_shared>>) offsets(%dma_start3A_104 : memref<40xi32, #tpu.memory_space<vmem>>) semaphore(%arg13 : memref<!tpu.dma_semaphore, #tpu.memory_space<semaphore_mem>>) {add = true}
    }
    %scan3A_26 = arith.constant 50 : i32
    tpu.wait_dma2 semaphore(%arg9 : memref<!tpu.dma_semaphore, #tpu.memory_space<semaphore_mem>>) src(%arg3 : memref<40x16xf32, #tpu.memory_space<hbm>>) dst(%arg8 : memref<40x16xf32, #tpu.memory_space<vmem>>)
    tpu.wait_dma2 semaphore(%arg10 : memref<!tpu.dma_semaphore, #tpu.memory_space<semaphore_mem>>) src(%arg3 : memref<40x16xf32, #tpu.memory_space<hbm>>) dst(%arg8 : memref<40x16xf32, #tpu.memory_space<vmem>>)
    tpu.wait_dma2 semaphore(%arg11 : memref<!tpu.dma_semaphore, #tpu.memory_space<semaphore_mem>>) src(%arg3 : memref<40x16xf32, #tpu.memory_space<hbm>>) dst(%arg8 : memref<40x16xf32, #tpu.memory_space<vmem>>)
    tpu.wait_dma2 semaphore(%arg12 : memref<!tpu.dma_semaphore, #tpu.memory_space<semaphore_mem>>) src(%arg3 : memref<40x16xf32, #tpu.memory_space<hbm>>) dst(%arg8 : memref<40x16xf32, #tpu.memory_space<vmem>>)
    tpu.wait_dma2 semaphore(%arg13 : memref<!tpu.dma_semaphore, #tpu.memory_space<semaphore_mem>>) src(%arg3 : memref<40x16xf32, #tpu.memory_space<hbm>>) dst(%arg8 : memref<40x16xf32, #tpu.memory_space<vmem>>)
    %barrier3A_27 = arith.constant 0 : index
    tpu.barrier barrier_id(%barrier3A_27)
    %lt3A_28 = arith.constant 10 : i32
    %lt3A_29 = arith.cmpi slt, %arg1, %lt3A_28 : i32
    %convert_element_type3A_30 = arith.extui %lt3A_29 : i1 to i32
    %cond3A_31 = arith.constant 0 : i32
    %cond3A_32 = arith.cmpi ne, %convert_element_type3A_30, %cond3A_31 : i32
    scf.if %cond3A_32 {
      %mul3A_33 = arith.constant 1000 : i32
      %mul3A_34 = arith.muli %arg1, %mul3A_33 : i32
      %mul3A_35 = arith.constant 1000 : i32
      %mul3A_36 = arith.muli %arg1, %mul3A_35 : i32
      "tpu.region"() ({
        %run_scoped3A = tpu.sem_alloc : memref<!tpu.dma_semaphore, #tpu.memory_space<semaphore_mem>>
        %dma_start3A_37 = arith.constant 0 : i32
        %dma_start3A_38 = tpu.memref_slice %arg5[%arg0, %mul3A_36, %dma_start3A_37] : memref<2x10000x16xf32, #tpu.memory_space<hbm>> -> memref<1x1000x16xf32, #tpu.memory_space<hbm>>
        %dma_start3A_39 = tpu.memref_squeeze %dma_start3A_38 : memref<1x1000x16xf32, #tpu.memory_space<hbm>> -> memref<1000x16xf32, #tpu.memory_space<hbm>>
        %dma_start3A_40 = arith.constant 0 : i32
        %dma_start3A_41 = tpu.memref_slice %arg6[%mul3A_34, %dma_start3A_40] : memref<10000x16xf32, #tpu.memory_space<vmem_shared>> -> memref<1000x16xf32, #tpu.memory_space<vmem_shared>>
        tpu.enqueue_dma source(%dma_start3A_41 : memref<1000x16xf32, #tpu.memory_space<vmem_shared>>) target(%dma_start3A_39 : memref<1000x16xf32, #tpu.memory_space<hbm>>) target_semaphore(%run_scoped3A : memref<!tpu.dma_semaphore, #tpu.memory_space<semaphore_mem>>)
        %dma_wait3A_42 = arith.constant 0 : i32
        %dma_wait3A_43 = tpu.memref_slice %arg5[%arg0, %mul3A_36, %dma_wait3A_42] : memref<2x10000x16xf32, #tpu.memory_space<hbm>> -> memref<1x1000x16xf32, #tpu.memory_space<hbm>>
        %dma_wait3A_44 = tpu.memref_squeeze %dma_wait3A_43 : memref<1x1000x16xf32, #tpu.memory_space<hbm>> -> memref<1000x16xf32, #tpu.memory_space<hbm>>
        %dma_wait3A_45 = arith.constant 0 : i32
        %dma_wait3A_46 = tpu.memref_slice %arg6[%mul3A_34, %dma_wait3A_45] : memref<10000x16xf32, #tpu.memory_space<vmem_shared>> -> memref<1000x16xf32, #tpu.memory_space<vmem_shared>>
        tpu.wait_dma2 semaphore(%run_scoped3A : memref<!tpu.dma_semaphore, #tpu.memory_space<semaphore_mem>>) src(%dma_wait3A_46 : memref<1000x16xf32, #tpu.memory_space<vmem_shared>>) dst(%dma_wait3A_44 : memref<1000x16xf32, #tpu.memory_space<hbm>>)
        tpu.yield
      }) : () -> ()
    } else {
    }
    return
  }
}

#map = affine_map<(d0, d1) -> (0, 0)>
#map1 = affine_map<(d0, d1) -> (0, 0, 0)>
module attributes {stable_mosaic.version = 14 : i64} {
  func.func @_spmm_body(%arg0: i32, %arg1: i32, %arg2: memref<10000x128xf32, #tpu.memory_space<hbm>>, %arg3: memref<32x250x40xi32, #tpu.memory_space<hbm>>, %arg4: memref<32x250x40xi32, #tpu.memory_space<hbm>>, %arg5: memref<1000x128xf32, #tpu.memory_space<hbm>>, %arg6: memref<2x10000x128xf32, #tpu.memory_space<hbm>>, %arg7: memref<10000x128xf32, #tpu.memory_space<vmem_shared>>, %arg8: memref<250x40xi32, #tpu.memory_space<vmem>>, %arg9: memref<250x40xi32, #tpu.memory_space<vmem>>, %arg10: memref<5x40x128xf32, #tpu.memory_space<vmem>>, %arg11: memref<!tpu.dma_semaphore, #tpu.memory_space<semaphore_mem>>, %arg12: memref<!tpu.dma_semaphore, #tpu.memory_space<semaphore_mem>>, %arg13: memref<!tpu.dma_semaphore, #tpu.memory_space<semaphore_mem>>, %arg14: memref<!tpu.dma_semaphore, #tpu.memory_space<semaphore_mem>>, %arg15: memref<!tpu.dma_semaphore, #tpu.memory_space<semaphore_mem>>, %arg16: memref<!tpu.dma_semaphore, #tpu.memory_space<semaphore_mem>>, %arg17: memref<!tpu.dma_semaphore, #tpu.memory_space<semaphore_mem>>, %arg18: memref<!tpu.dma_semaphore, #tpu.memory_space<semaphore_mem>>, %arg19: memref<!tpu.dma_semaphore, #tpu.memory_space<semaphore_mem>>, %arg20: memref<!tpu.dma_semaphore, #tpu.memory_space<semaphore_mem>>) attributes {dimension_semantics = [#tpu.dimension_semantics<core_parallel>, #tpu.dimension_semantics<subcore_parallel>], iteration_bounds = array<i64: 2, 16>, scalar_prefetch = 0 : i64, scratch_operands = 14 : i64, tpu.core_type = #tpu.core_type<sc_vector_subcore>, window_params = [{transform_indices = #map}, {transform_indices = #map1}, {transform_indices = #map1}, {transform_indices = #map}, {transform_indices = #map1}]} {
    %mul3A = arith.constant 2 : i32
    %mul3A_0 = arith.muli %arg1, %mul3A : i32
    %add3A = arith.addi %mul3A_0, %arg0 : i32
    %lt3A = arith.constant 10 : i32
    %lt3A_1 = arith.cmpi slt, %arg1, %lt3A : i32
    %convert_element_type3A = arith.extui %lt3A_1 : i1 to i32
    %cond3A = arith.constant 0 : i32
    %cond3A_2 = arith.cmpi ne, %convert_element_type3A, %cond3A : i32
    scf.if %cond3A_2 {
      %mul3A_172 = arith.constant 1000 : i32
      %mul3A_173 = arith.muli %arg1, %mul3A_172 : i32
      %dma_start3A_174 = arith.constant 0 : i32
      %dma_start3A_175 = tpu.memref_slice %arg7[%mul3A_173, %dma_start3A_174] : memref<10000x128xf32, #tpu.memory_space<vmem_shared>> -> memref<1000x128xf32, #tpu.memory_space<vmem_shared>>
      tpu.enqueue_dma source(%arg5 : memref<1000x128xf32, #tpu.memory_space<hbm>>) target(%dma_start3A_175 : memref<1000x128xf32, #tpu.memory_space<vmem_shared>>) target_semaphore(%arg16 : memref<!tpu.dma_semaphore, #tpu.memory_space<semaphore_mem>>)
    } else {
    }
    %dma_start3A = arith.constant 0 : i32
    %dma_start3A_3 = arith.constant 0 : i32
    %dma_start3A_4 = tpu.memref_slice %arg4[%add3A, %dma_start3A, %dma_start3A_3] : memref<32x250x40xi32, #tpu.memory_space<hbm>> -> memref<1x250x40xi32, #tpu.memory_space<hbm>>
    %dma_start3A_5 = tpu.memref_squeeze %dma_start3A_4 : memref<1x250x40xi32, #tpu.memory_space<hbm>> -> memref<250x40xi32, #tpu.memory_space<hbm>>
    %dma_start3A_6 = arith.constant 0 : i32
    %dma_start3A_7 = arith.constant 0 : i32
    %dma_start3A_8 = tpu.memref_slice %arg4[%add3A, %dma_start3A_6, %dma_start3A_7] : memref<32x250x40xi32, #tpu.memory_space<hbm>> -> memref<1x250x40xi32, #tpu.memory_space<hbm>>
    %dma_start3A_9 = tpu.memref_squeeze %dma_start3A_8 : memref<1x250x40xi32, #tpu.memory_space<hbm>> -> memref<250x40xi32, #tpu.memory_space<hbm>>
    tpu.enqueue_dma source(%dma_start3A_9 : memref<250x40xi32, #tpu.memory_space<hbm>>) target(%arg8 : memref<250x40xi32, #tpu.memory_space<vmem>>) target_semaphore(%arg17 : memref<!tpu.dma_semaphore, #tpu.memory_space<semaphore_mem>>)
    %dma_start3A_10 = arith.constant 0 : i32
    %dma_start3A_11 = arith.constant 0 : i32
    %dma_start3A_12 = tpu.memref_slice %arg3[%add3A, %dma_start3A_10, %dma_start3A_11] : memref<32x250x40xi32, #tpu.memory_space<hbm>> -> memref<1x250x40xi32, #tpu.memory_space<hbm>>
    %dma_start3A_13 = tpu.memref_squeeze %dma_start3A_12 : memref<1x250x40xi32, #tpu.memory_space<hbm>> -> memref<250x40xi32, #tpu.memory_space<hbm>>
    %dma_start3A_14 = arith.constant 0 : i32
    %dma_start3A_15 = arith.constant 0 : i32
    %dma_start3A_16 = tpu.memref_slice %arg3[%add3A, %dma_start3A_14, %dma_start3A_15] : memref<32x250x40xi32, #tpu.memory_space<hbm>> -> memref<1x250x40xi32, #tpu.memory_space<hbm>>
    %dma_start3A_17 = tpu.memref_squeeze %dma_start3A_16 : memref<1x250x40xi32, #tpu.memory_space<hbm>> -> memref<250x40xi32, #tpu.memory_space<hbm>>
    tpu.enqueue_dma source(%dma_start3A_17 : memref<250x40xi32, #tpu.memory_space<hbm>>) target(%arg9 : memref<250x40xi32, #tpu.memory_space<vmem>>) target_semaphore(%arg18 : memref<!tpu.dma_semaphore, #tpu.memory_space<semaphore_mem>>)
    %dma_wait3A = arith.constant 0 : i32
    %dma_wait3A_18 = arith.constant 0 : i32
    %dma_wait3A_19 = tpu.memref_slice %arg4[%add3A, %dma_wait3A, %dma_wait3A_18] : memref<32x250x40xi32, #tpu.memory_space<hbm>> -> memref<1x250x40xi32, #tpu.memory_space<hbm>>
    %dma_wait3A_20 = tpu.memref_squeeze %dma_wait3A_19 : memref<1x250x40xi32, #tpu.memory_space<hbm>> -> memref<250x40xi32, #tpu.memory_space<hbm>>
    %dma_wait3A_21 = arith.constant 0 : i32
    %dma_wait3A_22 = arith.constant 0 : i32
    %dma_wait3A_23 = tpu.memref_slice %arg4[%add3A, %dma_wait3A_21, %dma_wait3A_22] : memref<32x250x40xi32, #tpu.memory_space<hbm>> -> memref<1x250x40xi32, #tpu.memory_space<hbm>>
    %dma_wait3A_24 = tpu.memref_squeeze %dma_wait3A_23 : memref<1x250x40xi32, #tpu.memory_space<hbm>> -> memref<250x40xi32, #tpu.memory_space<hbm>>
    tpu.wait_dma2 semaphore(%arg17 : memref<!tpu.dma_semaphore, #tpu.memory_space<semaphore_mem>>) src(%dma_wait3A_24 : memref<250x40xi32, #tpu.memory_space<hbm>>) dst(%arg8 : memref<250x40xi32, #tpu.memory_space<vmem>>)
    %dma_start3A_25 = arith.constant 0 : i32
    %dma_start3A_26 = arith.constant 0 : i32
    %dma_start3A_27 = arith.constant 0 : i32
    %dma_start3A_28 = arith.constant 0 : i32
    %dma_start3A_29 = tpu.memref_slice %arg10[%dma_start3A_26, %dma_start3A_27, %dma_start3A_28] : memref<5x40x128xf32, #tpu.memory_space<vmem>> -> memref<1x40x128xf32, #tpu.memory_space<vmem>>
    %dma_start3A_30 = tpu.memref_squeeze %dma_start3A_29 : memref<1x40x128xf32, #tpu.memory_space<vmem>> -> memref<40x128xf32, #tpu.memory_space<vmem>>
    %dma_start3A_31 = arith.constant 0 : i32
    %dma_start3A_32 = tpu.memref_slice %arg8[%dma_start3A_25, %dma_start3A_31] : memref<250x40xi32, #tpu.memory_space<vmem>> -> memref<1x40xi32, #tpu.memory_space<vmem>>
    %dma_start3A_33 = tpu.memref_squeeze %dma_start3A_32 : memref<1x40xi32, #tpu.memory_space<vmem>> -> memref<40xi32, #tpu.memory_space<vmem>>
    %dma_start3A_34 = arith.constant 0 : i32
    %dma_start3A_35 = arith.constant 0 : i32
    %dma_start3A_36 = tpu.memref_slice %arg2[%dma_start3A_34, %dma_start3A_35] : memref<10000x128xf32, #tpu.memory_space<hbm>> -> memref<10000x128xf32, #tpu.memory_space<hbm>>
    tpu.enqueue_indirect_dma source(%dma_start3A_36 : memref<10000x128xf32, #tpu.memory_space<hbm>>) target(%dma_start3A_30 : memref<40x128xf32, #tpu.memory_space<vmem>>) offsets(%dma_start3A_33 : memref<40xi32, #tpu.memory_space<vmem>>) semaphore(%arg11 : memref<!tpu.dma_semaphore, #tpu.memory_space<semaphore_mem>>)
    %dma_start3A_37 = arith.constant 1 : i32
    %dma_start3A_38 = arith.constant 1 : i32
    %dma_start3A_39 = arith.constant 0 : i32
    %dma_start3A_40 = arith.constant 0 : i32
    %dma_start3A_41 = tpu.memref_slice %arg10[%dma_start3A_38, %dma_start3A_39, %dma_start3A_40] : memref<5x40x128xf32, #tpu.memory_space<vmem>> -> memref<1x40x128xf32, #tpu.memory_space<vmem>>
    %dma_start3A_42 = tpu.memref_squeeze %dma_start3A_41 : memref<1x40x128xf32, #tpu.memory_space<vmem>> -> memref<40x128xf32, #tpu.memory_space<vmem>>
    %dma_start3A_43 = arith.constant 0 : i32
    %dma_start3A_44 = tpu.memref_slice %arg8[%dma_start3A_37, %dma_start3A_43] : memref<250x40xi32, #tpu.memory_space<vmem>> -> memref<1x40xi32, #tpu.memory_space<vmem>>
    %dma_start3A_45 = tpu.memref_squeeze %dma_start3A_44 : memref<1x40xi32, #tpu.memory_space<vmem>> -> memref<40xi32, #tpu.memory_space<vmem>>
    %dma_start3A_46 = arith.constant 0 : i32
    %dma_start3A_47 = arith.constant 0 : i32
    %dma_start3A_48 = tpu.memref_slice %arg2[%dma_start3A_46, %dma_start3A_47] : memref<10000x128xf32, #tpu.memory_space<hbm>> -> memref<10000x128xf32, #tpu.memory_space<hbm>>
    tpu.enqueue_indirect_dma source(%dma_start3A_48 : memref<10000x128xf32, #tpu.memory_space<hbm>>) target(%dma_start3A_42 : memref<40x128xf32, #tpu.memory_space<vmem>>) offsets(%dma_start3A_45 : memref<40xi32, #tpu.memory_space<vmem>>) semaphore(%arg12 : memref<!tpu.dma_semaphore, #tpu.memory_space<semaphore_mem>>)
    %dma_start3A_49 = arith.constant 2 : i32
    %dma_start3A_50 = arith.constant 2 : i32
    %dma_start3A_51 = arith.constant 0 : i32
    %dma_start3A_52 = arith.constant 0 : i32
    %dma_start3A_53 = tpu.memref_slice %arg10[%dma_start3A_50, %dma_start3A_51, %dma_start3A_52] : memref<5x40x128xf32, #tpu.memory_space<vmem>> -> memref<1x40x128xf32, #tpu.memory_space<vmem>>
    %dma_start3A_54 = tpu.memref_squeeze %dma_start3A_53 : memref<1x40x128xf32, #tpu.memory_space<vmem>> -> memref<40x128xf32, #tpu.memory_space<vmem>>
    %dma_start3A_55 = arith.constant 0 : i32
    %dma_start3A_56 = tpu.memref_slice %arg8[%dma_start3A_49, %dma_start3A_55] : memref<250x40xi32, #tpu.memory_space<vmem>> -> memref<1x40xi32, #tpu.memory_space<vmem>>
    %dma_start3A_57 = tpu.memref_squeeze %dma_start3A_56 : memref<1x40xi32, #tpu.memory_space<vmem>> -> memref<40xi32, #tpu.memory_space<vmem>>
    %dma_start3A_58 = arith.constant 0 : i32
    %dma_start3A_59 = arith.constant 0 : i32
    %dma_start3A_60 = tpu.memref_slice %arg2[%dma_start3A_58, %dma_start3A_59] : memref<10000x128xf32, #tpu.memory_space<hbm>> -> memref<10000x128xf32, #tpu.memory_space<hbm>>
    tpu.enqueue_indirect_dma source(%dma_start3A_60 : memref<10000x128xf32, #tpu.memory_space<hbm>>) target(%dma_start3A_54 : memref<40x128xf32, #tpu.memory_space<vmem>>) offsets(%dma_start3A_57 : memref<40xi32, #tpu.memory_space<vmem>>) semaphore(%arg13 : memref<!tpu.dma_semaphore, #tpu.memory_space<semaphore_mem>>)
    %dma_start3A_61 = arith.constant 3 : i32
    %dma_start3A_62 = arith.constant 3 : i32
    %dma_start3A_63 = arith.constant 0 : i32
    %dma_start3A_64 = arith.constant 0 : i32
    %dma_start3A_65 = tpu.memref_slice %arg10[%dma_start3A_62, %dma_start3A_63, %dma_start3A_64] : memref<5x40x128xf32, #tpu.memory_space<vmem>> -> memref<1x40x128xf32, #tpu.memory_space<vmem>>
    %dma_start3A_66 = tpu.memref_squeeze %dma_start3A_65 : memref<1x40x128xf32, #tpu.memory_space<vmem>> -> memref<40x128xf32, #tpu.memory_space<vmem>>
    %dma_start3A_67 = arith.constant 0 : i32
    %dma_start3A_68 = tpu.memref_slice %arg8[%dma_start3A_61, %dma_start3A_67] : memref<250x40xi32, #tpu.memory_space<vmem>> -> memref<1x40xi32, #tpu.memory_space<vmem>>
    %dma_start3A_69 = tpu.memref_squeeze %dma_start3A_68 : memref<1x40xi32, #tpu.memory_space<vmem>> -> memref<40xi32, #tpu.memory_space<vmem>>
    %dma_start3A_70 = arith.constant 0 : i32
    %dma_start3A_71 = arith.constant 0 : i32
    %dma_start3A_72 = tpu.memref_slice %arg2[%dma_start3A_70, %dma_start3A_71] : memref<10000x128xf32, #tpu.memory_space<hbm>> -> memref<10000x128xf32, #tpu.memory_space<hbm>>
    tpu.enqueue_indirect_dma source(%dma_start3A_72 : memref<10000x128xf32, #tpu.memory_space<hbm>>) target(%dma_start3A_66 : memref<40x128xf32, #tpu.memory_space<vmem>>) offsets(%dma_start3A_69 : memref<40xi32, #tpu.memory_space<vmem>>) semaphore(%arg14 : memref<!tpu.dma_semaphore, #tpu.memory_space<semaphore_mem>>)
    %dma_wait3A_73 = arith.constant 0 : i32
    %dma_wait3A_74 = arith.constant 0 : i32
    %dma_wait3A_75 = tpu.memref_slice %arg3[%add3A, %dma_wait3A_73, %dma_wait3A_74] : memref<32x250x40xi32, #tpu.memory_space<hbm>> -> memref<1x250x40xi32, #tpu.memory_space<hbm>>
    %dma_wait3A_76 = tpu.memref_squeeze %dma_wait3A_75 : memref<1x250x40xi32, #tpu.memory_space<hbm>> -> memref<250x40xi32, #tpu.memory_space<hbm>>
    %dma_wait3A_77 = arith.constant 0 : i32
    %dma_wait3A_78 = arith.constant 0 : i32
    %dma_wait3A_79 = tpu.memref_slice %arg3[%add3A, %dma_wait3A_77, %dma_wait3A_78] : memref<32x250x40xi32, #tpu.memory_space<hbm>> -> memref<1x250x40xi32, #tpu.memory_space<hbm>>
    %dma_wait3A_80 = tpu.memref_squeeze %dma_wait3A_79 : memref<1x250x40xi32, #tpu.memory_space<hbm>> -> memref<250x40xi32, #tpu.memory_space<hbm>>
    tpu.wait_dma2 semaphore(%arg18 : memref<!tpu.dma_semaphore, #tpu.memory_space<semaphore_mem>>) src(%dma_wait3A_80 : memref<250x40xi32, #tpu.memory_space<hbm>>) dst(%arg9 : memref<250x40xi32, #tpu.memory_space<vmem>>)
    %lt3A_81 = arith.constant 10 : i32
    %lt3A_82 = arith.cmpi slt, %arg1, %lt3A_81 : i32
    %convert_element_type3A_83 = arith.extui %lt3A_82 : i1 to i32
    %cond3A_84 = arith.constant 0 : i32
    %cond3A_85 = arith.cmpi ne, %convert_element_type3A_83, %cond3A_84 : i32
    scf.if %cond3A_85 {
      %mul3A_172 = arith.constant 1000 : i32
      %mul3A_173 = arith.muli %arg1, %mul3A_172 : i32
      %dma_wait3A_174 = arith.constant 0 : i32
      %dma_wait3A_175 = tpu.memref_slice %arg7[%mul3A_173, %dma_wait3A_174] : memref<10000x128xf32, #tpu.memory_space<vmem_shared>> -> memref<1000x128xf32, #tpu.memory_space<vmem_shared>>
      tpu.wait_dma2 semaphore(%arg16 : memref<!tpu.dma_semaphore, #tpu.memory_space<semaphore_mem>>) src(%arg5 : memref<1000x128xf32, #tpu.memory_space<hbm>>) dst(%dma_wait3A_175 : memref<1000x128xf32, #tpu.memory_space<vmem_shared>>)
    } else {
    }
    %barrier3A = arith.constant 0 : index
    tpu.barrier barrier_id(%barrier3A)
    %scan3A = arith.constant 0 : i32
    %scan3A_86 = arith.constant 0 : i32
    %scan3A_87 = arith.constant 50 : i32
    %scan3A_88 = arith.addi %scan3A_86, %scan3A_87 : i32
    %scan3A_89 = arith.constant 1 : i32
    scf.for %scan3A_172 = %scan3A_86 to %scan3A_88 step %scan3A_89  : i32 {
      %mul3A_173 = arith.constant 5 : i32
      %mul3A_174 = arith.muli %scan3A_172, %mul3A_173 : i32
      %add3A_175 = arith.constant 0 : i32
      %add3A_176 = arith.addi %mul3A_174, %add3A_175 : i32
      %add3A_177 = arith.constant 5 : i32
      %add3A_178 = arith.addi %add3A_176, %add3A_177 : i32
      %sub3A = arith.constant 1 : i32
      %sub3A_179 = arith.subi %add3A_178, %sub3A : i32
      %lt3A_180 = arith.constant 250 : i32
      %lt3A_181 = arith.cmpi slt, %sub3A_179, %lt3A_180 : i32
      %convert_element_type3A_182 = arith.extui %lt3A_181 : i1 to i32
      %cond3A_183 = arith.constant 0 : i32
      %cond3A_184 = arith.cmpi ne, %convert_element_type3A_182, %cond3A_183 : i32
      scf.if %cond3A_184 {
        %gt3A = arith.constant 0 : i32
        %gt3A_367 = arith.cmpi sgt, %scan3A_172, %gt3A : i32
        %convert_element_type3A_368 = arith.extui %gt3A_367 : i1 to i32
        %cond3A_369 = arith.constant 0 : i32
        %cond3A_370 = arith.cmpi ne, %convert_element_type3A_368, %cond3A_369 : i32
        scf.if %cond3A_370 {
          %dma_wait3A_382 = arith.constant 4 : i32
          %dma_wait3A_383 = arith.constant 0 : i32
          %dma_wait3A_384 = arith.constant 0 : i32
          %dma_wait3A_385 = tpu.memref_slice %arg10[%dma_wait3A_382, %dma_wait3A_383, %dma_wait3A_384] : memref<5x40x128xf32, #tpu.memory_space<vmem>> -> memref<1x40x128xf32, #tpu.memory_space<vmem>>
          %dma_wait3A_386 = tpu.memref_squeeze %dma_wait3A_385 : memref<1x40x128xf32, #tpu.memory_space<vmem>> -> memref<40x128xf32, #tpu.memory_space<vmem>>
          %dma_wait3A_387 = arith.constant 0 : i32
          %dma_wait3A_388 = arith.constant 0 : i32
          %dma_wait3A_389 = tpu.memref_slice %arg2[%dma_wait3A_387, %dma_wait3A_388] : memref<10000x128xf32, #tpu.memory_space<hbm>> -> memref<40x128xf32, #tpu.memory_space<hbm>>
          %dma_wait3A_390 = arith.constant 0 : i32
          %dma_wait3A_391 = arith.constant 0 : i32
          %dma_wait3A_392 = tpu.memref_slice %arg10[%dma_wait3A_382, %dma_wait3A_390, %dma_wait3A_391] : memref<5x40x128xf32, #tpu.memory_space<vmem>> -> memref<1x40x128xf32, #tpu.memory_space<vmem>>
          %dma_wait3A_393 = tpu.memref_squeeze %dma_wait3A_392 : memref<1x40x128xf32, #tpu.memory_space<vmem>> -> memref<40x128xf32, #tpu.memory_space<vmem>>
          %dma_wait3A_394 = arith.constant 0 : i32
          %dma_wait3A_395 = arith.constant 0 : i32
          %dma_wait3A_396 = tpu.memref_slice %arg2[%dma_wait3A_394, %dma_wait3A_395] : memref<10000x128xf32, #tpu.memory_space<hbm>> -> memref<40x128xf32, #tpu.memory_space<hbm>>
          tpu.wait_dma2 semaphore(%arg20 : memref<!tpu.dma_semaphore, #tpu.memory_space<semaphore_mem>>) src(%dma_wait3A_396 : memref<40x128xf32, #tpu.memory_space<hbm>>) dst(%dma_wait3A_393 : memref<40x128xf32, #tpu.memory_space<vmem>>)
        } else {
        }
        %dma_start3A_371 = arith.constant 4 : i32
        %dma_start3A_372 = arith.constant 0 : i32
        %dma_start3A_373 = arith.constant 0 : i32
        %dma_start3A_374 = tpu.memref_slice %arg10[%dma_start3A_371, %dma_start3A_372, %dma_start3A_373] : memref<5x40x128xf32, #tpu.memory_space<vmem>> -> memref<1x40x128xf32, #tpu.memory_space<vmem>>
        %dma_start3A_375 = tpu.memref_squeeze %dma_start3A_374 : memref<1x40x128xf32, #tpu.memory_space<vmem>> -> memref<40x128xf32, #tpu.memory_space<vmem>>
        %dma_start3A_376 = arith.constant 0 : i32
        %dma_start3A_377 = tpu.memref_slice %arg8[%sub3A_179, %dma_start3A_376] : memref<250x40xi32, #tpu.memory_space<vmem>> -> memref<1x40xi32, #tpu.memory_space<vmem>>
        %dma_start3A_378 = tpu.memref_squeeze %dma_start3A_377 : memref<1x40xi32, #tpu.memory_space<vmem>> -> memref<40xi32, #tpu.memory_space<vmem>>
        %dma_start3A_379 = arith.constant 0 : i32
        %dma_start3A_380 = arith.constant 0 : i32
        %dma_start3A_381 = tpu.memref_slice %arg2[%dma_start3A_379, %dma_start3A_380] : memref<10000x128xf32, #tpu.memory_space<hbm>> -> memref<10000x128xf32, #tpu.memory_space<hbm>>
        tpu.enqueue_indirect_dma source(%dma_start3A_381 : memref<10000x128xf32, #tpu.memory_space<hbm>>) target(%dma_start3A_375 : memref<40x128xf32, #tpu.memory_space<vmem>>) offsets(%dma_start3A_378 : memref<40xi32, #tpu.memory_space<vmem>>) semaphore(%arg15 : memref<!tpu.dma_semaphore, #tpu.memory_space<semaphore_mem>>)
      } else {
      }
      %dma_wait3A_185 = arith.constant 0 : i32
      %dma_wait3A_186 = arith.constant 0 : i32
      %dma_wait3A_187 = arith.constant 0 : i32
      %dma_wait3A_188 = tpu.memref_slice %arg10[%dma_wait3A_185, %dma_wait3A_186, %dma_wait3A_187] : memref<5x40x128xf32, #tpu.memory_space<vmem>> -> memref<1x40x128xf32, #tpu.memory_space<vmem>>
      %dma_wait3A_189 = tpu.memref_squeeze %dma_wait3A_188 : memref<1x40x128xf32, #tpu.memory_space<vmem>> -> memref<40x128xf32, #tpu.memory_space<vmem>>
      %dma_wait3A_190 = arith.constant 0 : i32
      %dma_wait3A_191 = arith.constant 0 : i32
      %dma_wait3A_192 = tpu.memref_slice %arg2[%dma_wait3A_190, %dma_wait3A_191] : memref<10000x128xf32, #tpu.memory_space<hbm>> -> memref<40x128xf32, #tpu.memory_space<hbm>>
      %dma_wait3A_193 = arith.constant 0 : i32
      %dma_wait3A_194 = arith.constant 0 : i32
      %dma_wait3A_195 = tpu.memref_slice %arg10[%dma_wait3A_185, %dma_wait3A_193, %dma_wait3A_194] : memref<5x40x128xf32, #tpu.memory_space<vmem>> -> memref<1x40x128xf32, #tpu.memory_space<vmem>>
      %dma_wait3A_196 = tpu.memref_squeeze %dma_wait3A_195 : memref<1x40x128xf32, #tpu.memory_space<vmem>> -> memref<40x128xf32, #tpu.memory_space<vmem>>
      %dma_wait3A_197 = arith.constant 0 : i32
      %dma_wait3A_198 = arith.constant 0 : i32
      %dma_wait3A_199 = tpu.memref_slice %arg2[%dma_wait3A_197, %dma_wait3A_198] : memref<10000x128xf32, #tpu.memory_space<hbm>> -> memref<40x128xf32, #tpu.memory_space<hbm>>
      tpu.wait_dma2 semaphore(%arg11 : memref<!tpu.dma_semaphore, #tpu.memory_space<semaphore_mem>>) src(%dma_wait3A_199 : memref<40x128xf32, #tpu.memory_space<hbm>>) dst(%dma_wait3A_196 : memref<40x128xf32, #tpu.memory_space<vmem>>)
      %dma_start3A_200 = arith.constant 0 : i32
      %dma_start3A_201 = arith.constant 0 : i32
      %dma_start3A_202 = arith.constant 0 : i32
      %dma_start3A_203 = tpu.memref_slice %arg10[%dma_start3A_200, %dma_start3A_201, %dma_start3A_202] : memref<5x40x128xf32, #tpu.memory_space<vmem>> -> memref<1x40x128xf32, #tpu.memory_space<vmem>>
      %dma_start3A_204 = tpu.memref_squeeze %dma_start3A_203 : memref<1x40x128xf32, #tpu.memory_space<vmem>> -> memref<40x128xf32, #tpu.memory_space<vmem>>
      %dma_start3A_205 = arith.constant 0 : i32
      %dma_start3A_206 = tpu.memref_slice %arg9[%add3A_176, %dma_start3A_205] : memref<250x40xi32, #tpu.memory_space<vmem>> -> memref<1x40xi32, #tpu.memory_space<vmem>>
      %dma_start3A_207 = tpu.memref_squeeze %dma_start3A_206 : memref<1x40xi32, #tpu.memory_space<vmem>> -> memref<40xi32, #tpu.memory_space<vmem>>
      %dma_start3A_208 = arith.constant 0 : i32
      %dma_start3A_209 = arith.constant 0 : i32
      %dma_start3A_210 = tpu.memref_slice %arg7[%dma_start3A_208, %dma_start3A_209] : memref<10000x128xf32, #tpu.memory_space<vmem_shared>> -> memref<10000x128xf32, #tpu.memory_space<vmem_shared>>
      tpu.enqueue_indirect_dma source(%dma_start3A_204 : memref<40x128xf32, #tpu.memory_space<vmem>>) target(%dma_start3A_210 : memref<10000x128xf32, #tpu.memory_space<vmem_shared>>) offsets(%dma_start3A_207 : memref<40xi32, #tpu.memory_space<vmem>>) semaphore(%arg16 : memref<!tpu.dma_semaphore, #tpu.memory_space<semaphore_mem>>) {add = true}
      %mul3A_211 = arith.constant 5 : i32
      %mul3A_212 = arith.muli %scan3A_172, %mul3A_211 : i32
      %add3A_213 = arith.constant 1 : i32
      %add3A_214 = arith.addi %mul3A_212, %add3A_213 : i32
      %add3A_215 = arith.constant 5 : i32
      %add3A_216 = arith.addi %add3A_214, %add3A_215 : i32
      %sub3A_217 = arith.constant 1 : i32
      %sub3A_218 = arith.subi %add3A_216, %sub3A_217 : i32
      %lt3A_219 = arith.constant 250 : i32
      %lt3A_220 = arith.cmpi slt, %sub3A_218, %lt3A_219 : i32
      %convert_element_type3A_221 = arith.extui %lt3A_220 : i1 to i32
      %cond3A_222 = arith.constant 0 : i32
      %cond3A_223 = arith.cmpi ne, %convert_element_type3A_221, %cond3A_222 : i32
      scf.if %cond3A_223 {
        %dma_wait3A_367 = arith.constant 0 : i32
        %dma_wait3A_368 = arith.constant 0 : i32
        %dma_wait3A_369 = arith.constant 0 : i32
        %dma_wait3A_370 = tpu.memref_slice %arg10[%dma_wait3A_367, %dma_wait3A_368, %dma_wait3A_369] : memref<5x40x128xf32, #tpu.memory_space<vmem>> -> memref<1x40x128xf32, #tpu.memory_space<vmem>>
        %dma_wait3A_371 = tpu.memref_squeeze %dma_wait3A_370 : memref<1x40x128xf32, #tpu.memory_space<vmem>> -> memref<40x128xf32, #tpu.memory_space<vmem>>
        %dma_wait3A_372 = arith.constant 0 : i32
        %dma_wait3A_373 = arith.constant 0 : i32
        %dma_wait3A_374 = tpu.memref_slice %arg2[%dma_wait3A_372, %dma_wait3A_373] : memref<10000x128xf32, #tpu.memory_space<hbm>> -> memref<40x128xf32, #tpu.memory_space<hbm>>
        %dma_wait3A_375 = arith.constant 0 : i32
        %dma_wait3A_376 = arith.constant 0 : i32
        %dma_wait3A_377 = tpu.memref_slice %arg10[%dma_wait3A_367, %dma_wait3A_375, %dma_wait3A_376] : memref<5x40x128xf32, #tpu.memory_space<vmem>> -> memref<1x40x128xf32, #tpu.memory_space<vmem>>
        %dma_wait3A_378 = tpu.memref_squeeze %dma_wait3A_377 : memref<1x40x128xf32, #tpu.memory_space<vmem>> -> memref<40x128xf32, #tpu.memory_space<vmem>>
        %dma_wait3A_379 = arith.constant 0 : i32
        %dma_wait3A_380 = arith.constant 0 : i32
        %dma_wait3A_381 = tpu.memref_slice %arg2[%dma_wait3A_379, %dma_wait3A_380] : memref<10000x128xf32, #tpu.memory_space<hbm>> -> memref<40x128xf32, #tpu.memory_space<hbm>>
        tpu.wait_dma2 semaphore(%arg16 : memref<!tpu.dma_semaphore, #tpu.memory_space<semaphore_mem>>) src(%dma_wait3A_381 : memref<40x128xf32, #tpu.memory_space<hbm>>) dst(%dma_wait3A_378 : memref<40x128xf32, #tpu.memory_space<vmem>>)
        %dma_start3A_382 = arith.constant 0 : i32
        %dma_start3A_383 = arith.constant 0 : i32
        %dma_start3A_384 = arith.constant 0 : i32
        %dma_start3A_385 = tpu.memref_slice %arg10[%dma_start3A_382, %dma_start3A_383, %dma_start3A_384] : memref<5x40x128xf32, #tpu.memory_space<vmem>> -> memref<1x40x128xf32, #tpu.memory_space<vmem>>
        %dma_start3A_386 = tpu.memref_squeeze %dma_start3A_385 : memref<1x40x128xf32, #tpu.memory_space<vmem>> -> memref<40x128xf32, #tpu.memory_space<vmem>>
        %dma_start3A_387 = arith.constant 0 : i32
        %dma_start3A_388 = tpu.memref_slice %arg8[%sub3A_218, %dma_start3A_387] : memref<250x40xi32, #tpu.memory_space<vmem>> -> memref<1x40xi32, #tpu.memory_space<vmem>>
        %dma_start3A_389 = tpu.memref_squeeze %dma_start3A_388 : memref<1x40xi32, #tpu.memory_space<vmem>> -> memref<40xi32, #tpu.memory_space<vmem>>
        %dma_start3A_390 = arith.constant 0 : i32
        %dma_start3A_391 = arith.constant 0 : i32
        %dma_start3A_392 = tpu.memref_slice %arg2[%dma_start3A_390, %dma_start3A_391] : memref<10000x128xf32, #tpu.memory_space<hbm>> -> memref<10000x128xf32, #tpu.memory_space<hbm>>
        tpu.enqueue_indirect_dma source(%dma_start3A_392 : memref<10000x128xf32, #tpu.memory_space<hbm>>) target(%dma_start3A_386 : memref<40x128xf32, #tpu.memory_space<vmem>>) offsets(%dma_start3A_389 : memref<40xi32, #tpu.memory_space<vmem>>) semaphore(%arg11 : memref<!tpu.dma_semaphore, #tpu.memory_space<semaphore_mem>>)
      } else {
      }
      %dma_wait3A_224 = arith.constant 1 : i32
      %dma_wait3A_225 = arith.constant 0 : i32
      %dma_wait3A_226 = arith.constant 0 : i32
      %dma_wait3A_227 = tpu.memref_slice %arg10[%dma_wait3A_224, %dma_wait3A_225, %dma_wait3A_226] : memref<5x40x128xf32, #tpu.memory_space<vmem>> -> memref<1x40x128xf32, #tpu.memory_space<vmem>>
      %dma_wait3A_228 = tpu.memref_squeeze %dma_wait3A_227 : memref<1x40x128xf32, #tpu.memory_space<vmem>> -> memref<40x128xf32, #tpu.memory_space<vmem>>
      %dma_wait3A_229 = arith.constant 0 : i32
      %dma_wait3A_230 = arith.constant 0 : i32
      %dma_wait3A_231 = tpu.memref_slice %arg2[%dma_wait3A_229, %dma_wait3A_230] : memref<10000x128xf32, #tpu.memory_space<hbm>> -> memref<40x128xf32, #tpu.memory_space<hbm>>
      %dma_wait3A_232 = arith.constant 0 : i32
      %dma_wait3A_233 = arith.constant 0 : i32
      %dma_wait3A_234 = tpu.memref_slice %arg10[%dma_wait3A_224, %dma_wait3A_232, %dma_wait3A_233] : memref<5x40x128xf32, #tpu.memory_space<vmem>> -> memref<1x40x128xf32, #tpu.memory_space<vmem>>
      %dma_wait3A_235 = tpu.memref_squeeze %dma_wait3A_234 : memref<1x40x128xf32, #tpu.memory_space<vmem>> -> memref<40x128xf32, #tpu.memory_space<vmem>>
      %dma_wait3A_236 = arith.constant 0 : i32
      %dma_wait3A_237 = arith.constant 0 : i32
      %dma_wait3A_238 = tpu.memref_slice %arg2[%dma_wait3A_236, %dma_wait3A_237] : memref<10000x128xf32, #tpu.memory_space<hbm>> -> memref<40x128xf32, #tpu.memory_space<hbm>>
      tpu.wait_dma2 semaphore(%arg12 : memref<!tpu.dma_semaphore, #tpu.memory_space<semaphore_mem>>) src(%dma_wait3A_238 : memref<40x128xf32, #tpu.memory_space<hbm>>) dst(%dma_wait3A_235 : memref<40x128xf32, #tpu.memory_space<vmem>>)
      %dma_start3A_239 = arith.constant 1 : i32
      %dma_start3A_240 = arith.constant 0 : i32
      %dma_start3A_241 = arith.constant 0 : i32
      %dma_start3A_242 = tpu.memref_slice %arg10[%dma_start3A_239, %dma_start3A_240, %dma_start3A_241] : memref<5x40x128xf32, #tpu.memory_space<vmem>> -> memref<1x40x128xf32, #tpu.memory_space<vmem>>
      %dma_start3A_243 = tpu.memref_squeeze %dma_start3A_242 : memref<1x40x128xf32, #tpu.memory_space<vmem>> -> memref<40x128xf32, #tpu.memory_space<vmem>>
      %dma_start3A_244 = arith.constant 0 : i32
      %dma_start3A_245 = tpu.memref_slice %arg9[%add3A_214, %dma_start3A_244] : memref<250x40xi32, #tpu.memory_space<vmem>> -> memref<1x40xi32, #tpu.memory_space<vmem>>
      %dma_start3A_246 = tpu.memref_squeeze %dma_start3A_245 : memref<1x40xi32, #tpu.memory_space<vmem>> -> memref<40xi32, #tpu.memory_space<vmem>>
      %dma_start3A_247 = arith.constant 0 : i32
      %dma_start3A_248 = arith.constant 0 : i32
      %dma_start3A_249 = tpu.memref_slice %arg7[%dma_start3A_247, %dma_start3A_248] : memref<10000x128xf32, #tpu.memory_space<vmem_shared>> -> memref<10000x128xf32, #tpu.memory_space<vmem_shared>>
      tpu.enqueue_indirect_dma source(%dma_start3A_243 : memref<40x128xf32, #tpu.memory_space<vmem>>) target(%dma_start3A_249 : memref<10000x128xf32, #tpu.memory_space<vmem_shared>>) offsets(%dma_start3A_246 : memref<40xi32, #tpu.memory_space<vmem>>) semaphore(%arg17 : memref<!tpu.dma_semaphore, #tpu.memory_space<semaphore_mem>>) {add = true}
      %mul3A_250 = arith.constant 5 : i32
      %mul3A_251 = arith.muli %scan3A_172, %mul3A_250 : i32
      %add3A_252 = arith.constant 2 : i32
      %add3A_253 = arith.addi %mul3A_251, %add3A_252 : i32
      %add3A_254 = arith.constant 5 : i32
      %add3A_255 = arith.addi %add3A_253, %add3A_254 : i32
      %sub3A_256 = arith.constant 1 : i32
      %sub3A_257 = arith.subi %add3A_255, %sub3A_256 : i32
      %lt3A_258 = arith.constant 250 : i32
      %lt3A_259 = arith.cmpi slt, %sub3A_257, %lt3A_258 : i32
      %convert_element_type3A_260 = arith.extui %lt3A_259 : i1 to i32
      %cond3A_261 = arith.constant 0 : i32
      %cond3A_262 = arith.cmpi ne, %convert_element_type3A_260, %cond3A_261 : i32
      scf.if %cond3A_262 {
        %dma_wait3A_367 = arith.constant 1 : i32
        %dma_wait3A_368 = arith.constant 0 : i32
        %dma_wait3A_369 = arith.constant 0 : i32
        %dma_wait3A_370 = tpu.memref_slice %arg10[%dma_wait3A_367, %dma_wait3A_368, %dma_wait3A_369] : memref<5x40x128xf32, #tpu.memory_space<vmem>> -> memref<1x40x128xf32, #tpu.memory_space<vmem>>
        %dma_wait3A_371 = tpu.memref_squeeze %dma_wait3A_370 : memref<1x40x128xf32, #tpu.memory_space<vmem>> -> memref<40x128xf32, #tpu.memory_space<vmem>>
        %dma_wait3A_372 = arith.constant 0 : i32
        %dma_wait3A_373 = arith.constant 0 : i32
        %dma_wait3A_374 = tpu.memref_slice %arg2[%dma_wait3A_372, %dma_wait3A_373] : memref<10000x128xf32, #tpu.memory_space<hbm>> -> memref<40x128xf32, #tpu.memory_space<hbm>>
        %dma_wait3A_375 = arith.constant 0 : i32
        %dma_wait3A_376 = arith.constant 0 : i32
        %dma_wait3A_377 = tpu.memref_slice %arg10[%dma_wait3A_367, %dma_wait3A_375, %dma_wait3A_376] : memref<5x40x128xf32, #tpu.memory_space<vmem>> -> memref<1x40x128xf32, #tpu.memory_space<vmem>>
        %dma_wait3A_378 = tpu.memref_squeeze %dma_wait3A_377 : memref<1x40x128xf32, #tpu.memory_space<vmem>> -> memref<40x128xf32, #tpu.memory_space<vmem>>
        %dma_wait3A_379 = arith.constant 0 : i32
        %dma_wait3A_380 = arith.constant 0 : i32
        %dma_wait3A_381 = tpu.memref_slice %arg2[%dma_wait3A_379, %dma_wait3A_380] : memref<10000x128xf32, #tpu.memory_space<hbm>> -> memref<40x128xf32, #tpu.memory_space<hbm>>
        tpu.wait_dma2 semaphore(%arg17 : memref<!tpu.dma_semaphore, #tpu.memory_space<semaphore_mem>>) src(%dma_wait3A_381 : memref<40x128xf32, #tpu.memory_space<hbm>>) dst(%dma_wait3A_378 : memref<40x128xf32, #tpu.memory_space<vmem>>)
        %dma_start3A_382 = arith.constant 1 : i32
        %dma_start3A_383 = arith.constant 0 : i32
        %dma_start3A_384 = arith.constant 0 : i32
        %dma_start3A_385 = tpu.memref_slice %arg10[%dma_start3A_382, %dma_start3A_383, %dma_start3A_384] : memref<5x40x128xf32, #tpu.memory_space<vmem>> -> memref<1x40x128xf32, #tpu.memory_space<vmem>>
        %dma_start3A_386 = tpu.memref_squeeze %dma_start3A_385 : memref<1x40x128xf32, #tpu.memory_space<vmem>> -> memref<40x128xf32, #tpu.memory_space<vmem>>
        %dma_start3A_387 = arith.constant 0 : i32
        %dma_start3A_388 = tpu.memref_slice %arg8[%sub3A_257, %dma_start3A_387] : memref<250x40xi32, #tpu.memory_space<vmem>> -> memref<1x40xi32, #tpu.memory_space<vmem>>
        %dma_start3A_389 = tpu.memref_squeeze %dma_start3A_388 : memref<1x40xi32, #tpu.memory_space<vmem>> -> memref<40xi32, #tpu.memory_space<vmem>>
        %dma_start3A_390 = arith.constant 0 : i32
        %dma_start3A_391 = arith.constant 0 : i32
        %dma_start3A_392 = tpu.memref_slice %arg2[%dma_start3A_390, %dma_start3A_391] : memref<10000x128xf32, #tpu.memory_space<hbm>> -> memref<10000x128xf32, #tpu.memory_space<hbm>>
        tpu.enqueue_indirect_dma source(%dma_start3A_392 : memref<10000x128xf32, #tpu.memory_space<hbm>>) target(%dma_start3A_386 : memref<40x128xf32, #tpu.memory_space<vmem>>) offsets(%dma_start3A_389 : memref<40xi32, #tpu.memory_space<vmem>>) semaphore(%arg12 : memref<!tpu.dma_semaphore, #tpu.memory_space<semaphore_mem>>)
      } else {
      }
      %dma_wait3A_263 = arith.constant 2 : i32
      %dma_wait3A_264 = arith.constant 0 : i32
      %dma_wait3A_265 = arith.constant 0 : i32
      %dma_wait3A_266 = tpu.memref_slice %arg10[%dma_wait3A_263, %dma_wait3A_264, %dma_wait3A_265] : memref<5x40x128xf32, #tpu.memory_space<vmem>> -> memref<1x40x128xf32, #tpu.memory_space<vmem>>
      %dma_wait3A_267 = tpu.memref_squeeze %dma_wait3A_266 : memref<1x40x128xf32, #tpu.memory_space<vmem>> -> memref<40x128xf32, #tpu.memory_space<vmem>>
      %dma_wait3A_268 = arith.constant 0 : i32
      %dma_wait3A_269 = arith.constant 0 : i32
      %dma_wait3A_270 = tpu.memref_slice %arg2[%dma_wait3A_268, %dma_wait3A_269] : memref<10000x128xf32, #tpu.memory_space<hbm>> -> memref<40x128xf32, #tpu.memory_space<hbm>>
      %dma_wait3A_271 = arith.constant 0 : i32
      %dma_wait3A_272 = arith.constant 0 : i32
      %dma_wait3A_273 = tpu.memref_slice %arg10[%dma_wait3A_263, %dma_wait3A_271, %dma_wait3A_272] : memref<5x40x128xf32, #tpu.memory_space<vmem>> -> memref<1x40x128xf32, #tpu.memory_space<vmem>>
      %dma_wait3A_274 = tpu.memref_squeeze %dma_wait3A_273 : memref<1x40x128xf32, #tpu.memory_space<vmem>> -> memref<40x128xf32, #tpu.memory_space<vmem>>
      %dma_wait3A_275 = arith.constant 0 : i32
      %dma_wait3A_276 = arith.constant 0 : i32
      %dma_wait3A_277 = tpu.memref_slice %arg2[%dma_wait3A_275, %dma_wait3A_276] : memref<10000x128xf32, #tpu.memory_space<hbm>> -> memref<40x128xf32, #tpu.memory_space<hbm>>
      tpu.wait_dma2 semaphore(%arg13 : memref<!tpu.dma_semaphore, #tpu.memory_space<semaphore_mem>>) src(%dma_wait3A_277 : memref<40x128xf32, #tpu.memory_space<hbm>>) dst(%dma_wait3A_274 : memref<40x128xf32, #tpu.memory_space<vmem>>)
      %dma_start3A_278 = arith.constant 2 : i32
      %dma_start3A_279 = arith.constant 0 : i32
      %dma_start3A_280 = arith.constant 0 : i32
      %dma_start3A_281 = tpu.memref_slice %arg10[%dma_start3A_278, %dma_start3A_279, %dma_start3A_280] : memref<5x40x128xf32, #tpu.memory_space<vmem>> -> memref<1x40x128xf32, #tpu.memory_space<vmem>>
      %dma_start3A_282 = tpu.memref_squeeze %dma_start3A_281 : memref<1x40x128xf32, #tpu.memory_space<vmem>> -> memref<40x128xf32, #tpu.memory_space<vmem>>
      %dma_start3A_283 = arith.constant 0 : i32
      %dma_start3A_284 = tpu.memref_slice %arg9[%add3A_253, %dma_start3A_283] : memref<250x40xi32, #tpu.memory_space<vmem>> -> memref<1x40xi32, #tpu.memory_space<vmem>>
      %dma_start3A_285 = tpu.memref_squeeze %dma_start3A_284 : memref<1x40xi32, #tpu.memory_space<vmem>> -> memref<40xi32, #tpu.memory_space<vmem>>
      %dma_start3A_286 = arith.constant 0 : i32
      %dma_start3A_287 = arith.constant 0 : i32
      %dma_start3A_288 = tpu.memref_slice %arg7[%dma_start3A_286, %dma_start3A_287] : memref<10000x128xf32, #tpu.memory_space<vmem_shared>> -> memref<10000x128xf32, #tpu.memory_space<vmem_shared>>
      tpu.enqueue_indirect_dma source(%dma_start3A_282 : memref<40x128xf32, #tpu.memory_space<vmem>>) target(%dma_start3A_288 : memref<10000x128xf32, #tpu.memory_space<vmem_shared>>) offsets(%dma_start3A_285 : memref<40xi32, #tpu.memory_space<vmem>>) semaphore(%arg18 : memref<!tpu.dma_semaphore, #tpu.memory_space<semaphore_mem>>) {add = true}
      %mul3A_289 = arith.constant 5 : i32
      %mul3A_290 = arith.muli %scan3A_172, %mul3A_289 : i32
      %add3A_291 = arith.constant 3 : i32
      %add3A_292 = arith.addi %mul3A_290, %add3A_291 : i32
      %add3A_293 = arith.constant 5 : i32
      %add3A_294 = arith.addi %add3A_292, %add3A_293 : i32
      %sub3A_295 = arith.constant 1 : i32
      %sub3A_296 = arith.subi %add3A_294, %sub3A_295 : i32
      %lt3A_297 = arith.constant 250 : i32
      %lt3A_298 = arith.cmpi slt, %sub3A_296, %lt3A_297 : i32
      %convert_element_type3A_299 = arith.extui %lt3A_298 : i1 to i32
      %cond3A_300 = arith.constant 0 : i32
      %cond3A_301 = arith.cmpi ne, %convert_element_type3A_299, %cond3A_300 : i32
      scf.if %cond3A_301 {
        %dma_wait3A_367 = arith.constant 2 : i32
        %dma_wait3A_368 = arith.constant 0 : i32
        %dma_wait3A_369 = arith.constant 0 : i32
        %dma_wait3A_370 = tpu.memref_slice %arg10[%dma_wait3A_367, %dma_wait3A_368, %dma_wait3A_369] : memref<5x40x128xf32, #tpu.memory_space<vmem>> -> memref<1x40x128xf32, #tpu.memory_space<vmem>>
        %dma_wait3A_371 = tpu.memref_squeeze %dma_wait3A_370 : memref<1x40x128xf32, #tpu.memory_space<vmem>> -> memref<40x128xf32, #tpu.memory_space<vmem>>
        %dma_wait3A_372 = arith.constant 0 : i32
        %dma_wait3A_373 = arith.constant 0 : i32
        %dma_wait3A_374 = tpu.memref_slice %arg2[%dma_wait3A_372, %dma_wait3A_373] : memref<10000x128xf32, #tpu.memory_space<hbm>> -> memref<40x128xf32, #tpu.memory_space<hbm>>
        %dma_wait3A_375 = arith.constant 0 : i32
        %dma_wait3A_376 = arith.constant 0 : i32
        %dma_wait3A_377 = tpu.memref_slice %arg10[%dma_wait3A_367, %dma_wait3A_375, %dma_wait3A_376] : memref<5x40x128xf32, #tpu.memory_space<vmem>> -> memref<1x40x128xf32, #tpu.memory_space<vmem>>
        %dma_wait3A_378 = tpu.memref_squeeze %dma_wait3A_377 : memref<1x40x128xf32, #tpu.memory_space<vmem>> -> memref<40x128xf32, #tpu.memory_space<vmem>>
        %dma_wait3A_379 = arith.constant 0 : i32
        %dma_wait3A_380 = arith.constant 0 : i32
        %dma_wait3A_381 = tpu.memref_slice %arg2[%dma_wait3A_379, %dma_wait3A_380] : memref<10000x128xf32, #tpu.memory_space<hbm>> -> memref<40x128xf32, #tpu.memory_space<hbm>>
        tpu.wait_dma2 semaphore(%arg18 : memref<!tpu.dma_semaphore, #tpu.memory_space<semaphore_mem>>) src(%dma_wait3A_381 : memref<40x128xf32, #tpu.memory_space<hbm>>) dst(%dma_wait3A_378 : memref<40x128xf32, #tpu.memory_space<vmem>>)
        %dma_start3A_382 = arith.constant 2 : i32
        %dma_start3A_383 = arith.constant 0 : i32
        %dma_start3A_384 = arith.constant 0 : i32
        %dma_start3A_385 = tpu.memref_slice %arg10[%dma_start3A_382, %dma_start3A_383, %dma_start3A_384] : memref<5x40x128xf32, #tpu.memory_space<vmem>> -> memref<1x40x128xf32, #tpu.memory_space<vmem>>
        %dma_start3A_386 = tpu.memref_squeeze %dma_start3A_385 : memref<1x40x128xf32, #tpu.memory_space<vmem>> -> memref<40x128xf32, #tpu.memory_space<vmem>>
        %dma_start3A_387 = arith.constant 0 : i32
        %dma_start3A_388 = tpu.memref_slice %arg8[%sub3A_296, %dma_start3A_387] : memref<250x40xi32, #tpu.memory_space<vmem>> -> memref<1x40xi32, #tpu.memory_space<vmem>>
        %dma_start3A_389 = tpu.memref_squeeze %dma_start3A_388 : memref<1x40xi32, #tpu.memory_space<vmem>> -> memref<40xi32, #tpu.memory_space<vmem>>
        %dma_start3A_390 = arith.constant 0 : i32
        %dma_start3A_391 = arith.constant 0 : i32
        %dma_start3A_392 = tpu.memref_slice %arg2[%dma_start3A_390, %dma_start3A_391] : memref<10000x128xf32, #tpu.memory_space<hbm>> -> memref<10000x128xf32, #tpu.memory_space<hbm>>
        tpu.enqueue_indirect_dma source(%dma_start3A_392 : memref<10000x128xf32, #tpu.memory_space<hbm>>) target(%dma_start3A_386 : memref<40x128xf32, #tpu.memory_space<vmem>>) offsets(%dma_start3A_389 : memref<40xi32, #tpu.memory_space<vmem>>) semaphore(%arg13 : memref<!tpu.dma_semaphore, #tpu.memory_space<semaphore_mem>>)
      } else {
      }
      %dma_wait3A_302 = arith.constant 3 : i32
      %dma_wait3A_303 = arith.constant 0 : i32
      %dma_wait3A_304 = arith.constant 0 : i32
      %dma_wait3A_305 = tpu.memref_slice %arg10[%dma_wait3A_302, %dma_wait3A_303, %dma_wait3A_304] : memref<5x40x128xf32, #tpu.memory_space<vmem>> -> memref<1x40x128xf32, #tpu.memory_space<vmem>>
      %dma_wait3A_306 = tpu.memref_squeeze %dma_wait3A_305 : memref<1x40x128xf32, #tpu.memory_space<vmem>> -> memref<40x128xf32, #tpu.memory_space<vmem>>
      %dma_wait3A_307 = arith.constant 0 : i32
      %dma_wait3A_308 = arith.constant 0 : i32
      %dma_wait3A_309 = tpu.memref_slice %arg2[%dma_wait3A_307, %dma_wait3A_308] : memref<10000x128xf32, #tpu.memory_space<hbm>> -> memref<40x128xf32, #tpu.memory_space<hbm>>
      %dma_wait3A_310 = arith.constant 0 : i32
      %dma_wait3A_311 = arith.constant 0 : i32
      %dma_wait3A_312 = tpu.memref_slice %arg10[%dma_wait3A_302, %dma_wait3A_310, %dma_wait3A_311] : memref<5x40x128xf32, #tpu.memory_space<vmem>> -> memref<1x40x128xf32, #tpu.memory_space<vmem>>
      %dma_wait3A_313 = tpu.memref_squeeze %dma_wait3A_312 : memref<1x40x128xf32, #tpu.memory_space<vmem>> -> memref<40x128xf32, #tpu.memory_space<vmem>>
      %dma_wait3A_314 = arith.constant 0 : i32
      %dma_wait3A_315 = arith.constant 0 : i32
      %dma_wait3A_316 = tpu.memref_slice %arg2[%dma_wait3A_314, %dma_wait3A_315] : memref<10000x128xf32, #tpu.memory_space<hbm>> -> memref<40x128xf32, #tpu.memory_space<hbm>>
      tpu.wait_dma2 semaphore(%arg14 : memref<!tpu.dma_semaphore, #tpu.memory_space<semaphore_mem>>) src(%dma_wait3A_316 : memref<40x128xf32, #tpu.memory_space<hbm>>) dst(%dma_wait3A_313 : memref<40x128xf32, #tpu.memory_space<vmem>>)
      %dma_start3A_317 = arith.constant 3 : i32
      %dma_start3A_318 = arith.constant 0 : i32
      %dma_start3A_319 = arith.constant 0 : i32
      %dma_start3A_320 = tpu.memref_slice %arg10[%dma_start3A_317, %dma_start3A_318, %dma_start3A_319] : memref<5x40x128xf32, #tpu.memory_space<vmem>> -> memref<1x40x128xf32, #tpu.memory_space<vmem>>
      %dma_start3A_321 = tpu.memref_squeeze %dma_start3A_320 : memref<1x40x128xf32, #tpu.memory_space<vmem>> -> memref<40x128xf32, #tpu.memory_space<vmem>>
      %dma_start3A_322 = arith.constant 0 : i32
      %dma_start3A_323 = tpu.memref_slice %arg9[%add3A_292, %dma_start3A_322] : memref<250x40xi32, #tpu.memory_space<vmem>> -> memref<1x40xi32, #tpu.memory_space<vmem>>
      %dma_start3A_324 = tpu.memref_squeeze %dma_start3A_323 : memref<1x40xi32, #tpu.memory_space<vmem>> -> memref<40xi32, #tpu.memory_space<vmem>>
      %dma_start3A_325 = arith.constant 0 : i32
      %dma_start3A_326 = arith.constant 0 : i32
      %dma_start3A_327 = tpu.memref_slice %arg7[%dma_start3A_325, %dma_start3A_326] : memref<10000x128xf32, #tpu.memory_space<vmem_shared>> -> memref<10000x128xf32, #tpu.memory_space<vmem_shared>>
      tpu.enqueue_indirect_dma source(%dma_start3A_321 : memref<40x128xf32, #tpu.memory_space<vmem>>) target(%dma_start3A_327 : memref<10000x128xf32, #tpu.memory_space<vmem_shared>>) offsets(%dma_start3A_324 : memref<40xi32, #tpu.memory_space<vmem>>) semaphore(%arg19 : memref<!tpu.dma_semaphore, #tpu.memory_space<semaphore_mem>>) {add = true}
      %mul3A_328 = arith.constant 5 : i32
      %mul3A_329 = arith.muli %scan3A_172, %mul3A_328 : i32
      %add3A_330 = arith.constant 4 : i32
      %add3A_331 = arith.addi %mul3A_329, %add3A_330 : i32
      %add3A_332 = arith.constant 5 : i32
      %add3A_333 = arith.addi %add3A_331, %add3A_332 : i32
      %sub3A_334 = arith.constant 1 : i32
      %sub3A_335 = arith.subi %add3A_333, %sub3A_334 : i32
      %lt3A_336 = arith.constant 250 : i32
      %lt3A_337 = arith.cmpi slt, %sub3A_335, %lt3A_336 : i32
      %convert_element_type3A_338 = arith.extui %lt3A_337 : i1 to i32
      %cond3A_339 = arith.constant 0 : i32
      %cond3A_340 = arith.cmpi ne, %convert_element_type3A_338, %cond3A_339 : i32
      scf.if %cond3A_340 {
        %dma_wait3A_367 = arith.constant 3 : i32
        %dma_wait3A_368 = arith.constant 0 : i32
        %dma_wait3A_369 = arith.constant 0 : i32
        %dma_wait3A_370 = tpu.memref_slice %arg10[%dma_wait3A_367, %dma_wait3A_368, %dma_wait3A_369] : memref<5x40x128xf32, #tpu.memory_space<vmem>> -> memref<1x40x128xf32, #tpu.memory_space<vmem>>
        %dma_wait3A_371 = tpu.memref_squeeze %dma_wait3A_370 : memref<1x40x128xf32, #tpu.memory_space<vmem>> -> memref<40x128xf32, #tpu.memory_space<vmem>>
        %dma_wait3A_372 = arith.constant 0 : i32
        %dma_wait3A_373 = arith.constant 0 : i32
        %dma_wait3A_374 = tpu.memref_slice %arg2[%dma_wait3A_372, %dma_wait3A_373] : memref<10000x128xf32, #tpu.memory_space<hbm>> -> memref<40x128xf32, #tpu.memory_space<hbm>>
        %dma_wait3A_375 = arith.constant 0 : i32
        %dma_wait3A_376 = arith.constant 0 : i32
        %dma_wait3A_377 = tpu.memref_slice %arg10[%dma_wait3A_367, %dma_wait3A_375, %dma_wait3A_376] : memref<5x40x128xf32, #tpu.memory_space<vmem>> -> memref<1x40x128xf32, #tpu.memory_space<vmem>>
        %dma_wait3A_378 = tpu.memref_squeeze %dma_wait3A_377 : memref<1x40x128xf32, #tpu.memory_space<vmem>> -> memref<40x128xf32, #tpu.memory_space<vmem>>
        %dma_wait3A_379 = arith.constant 0 : i32
        %dma_wait3A_380 = arith.constant 0 : i32
        %dma_wait3A_381 = tpu.memref_slice %arg2[%dma_wait3A_379, %dma_wait3A_380] : memref<10000x128xf32, #tpu.memory_space<hbm>> -> memref<40x128xf32, #tpu.memory_space<hbm>>
        tpu.wait_dma2 semaphore(%arg19 : memref<!tpu.dma_semaphore, #tpu.memory_space<semaphore_mem>>) src(%dma_wait3A_381 : memref<40x128xf32, #tpu.memory_space<hbm>>) dst(%dma_wait3A_378 : memref<40x128xf32, #tpu.memory_space<vmem>>)
        %dma_start3A_382 = arith.constant 3 : i32
        %dma_start3A_383 = arith.constant 0 : i32
        %dma_start3A_384 = arith.constant 0 : i32
        %dma_start3A_385 = tpu.memref_slice %arg10[%dma_start3A_382, %dma_start3A_383, %dma_start3A_384] : memref<5x40x128xf32, #tpu.memory_space<vmem>> -> memref<1x40x128xf32, #tpu.memory_space<vmem>>
        %dma_start3A_386 = tpu.memref_squeeze %dma_start3A_385 : memref<1x40x128xf32, #tpu.memory_space<vmem>> -> memref<40x128xf32, #tpu.memory_space<vmem>>
        %dma_start3A_387 = arith.constant 0 : i32
        %dma_start3A_388 = tpu.memref_slice %arg8[%sub3A_335, %dma_start3A_387] : memref<250x40xi32, #tpu.memory_space<vmem>> -> memref<1x40xi32, #tpu.memory_space<vmem>>
        %dma_start3A_389 = tpu.memref_squeeze %dma_start3A_388 : memref<1x40xi32, #tpu.memory_space<vmem>> -> memref<40xi32, #tpu.memory_space<vmem>>
        %dma_start3A_390 = arith.constant 0 : i32
        %dma_start3A_391 = arith.constant 0 : i32
        %dma_start3A_392 = tpu.memref_slice %arg2[%dma_start3A_390, %dma_start3A_391] : memref<10000x128xf32, #tpu.memory_space<hbm>> -> memref<10000x128xf32, #tpu.memory_space<hbm>>
        tpu.enqueue_indirect_dma source(%dma_start3A_392 : memref<10000x128xf32, #tpu.memory_space<hbm>>) target(%dma_start3A_386 : memref<40x128xf32, #tpu.memory_space<vmem>>) offsets(%dma_start3A_389 : memref<40xi32, #tpu.memory_space<vmem>>) semaphore(%arg14 : memref<!tpu.dma_semaphore, #tpu.memory_space<semaphore_mem>>)
      } else {
      }
      %dma_wait3A_341 = arith.constant 4 : i32
      %dma_wait3A_342 = arith.constant 0 : i32
      %dma_wait3A_343 = arith.constant 0 : i32
      %dma_wait3A_344 = tpu.memref_slice %arg10[%dma_wait3A_341, %dma_wait3A_342, %dma_wait3A_343] : memref<5x40x128xf32, #tpu.memory_space<vmem>> -> memref<1x40x128xf32, #tpu.memory_space<vmem>>
      %dma_wait3A_345 = tpu.memref_squeeze %dma_wait3A_344 : memref<1x40x128xf32, #tpu.memory_space<vmem>> -> memref<40x128xf32, #tpu.memory_space<vmem>>
      %dma_wait3A_346 = arith.constant 0 : i32
      %dma_wait3A_347 = arith.constant 0 : i32
      %dma_wait3A_348 = tpu.memref_slice %arg2[%dma_wait3A_346, %dma_wait3A_347] : memref<10000x128xf32, #tpu.memory_space<hbm>> -> memref<40x128xf32, #tpu.memory_space<hbm>>
      %dma_wait3A_349 = arith.constant 0 : i32
      %dma_wait3A_350 = arith.constant 0 : i32
      %dma_wait3A_351 = tpu.memref_slice %arg10[%dma_wait3A_341, %dma_wait3A_349, %dma_wait3A_350] : memref<5x40x128xf32, #tpu.memory_space<vmem>> -> memref<1x40x128xf32, #tpu.memory_space<vmem>>
      %dma_wait3A_352 = tpu.memref_squeeze %dma_wait3A_351 : memref<1x40x128xf32, #tpu.memory_space<vmem>> -> memref<40x128xf32, #tpu.memory_space<vmem>>
      %dma_wait3A_353 = arith.constant 0 : i32
      %dma_wait3A_354 = arith.constant 0 : i32
      %dma_wait3A_355 = tpu.memref_slice %arg2[%dma_wait3A_353, %dma_wait3A_354] : memref<10000x128xf32, #tpu.memory_space<hbm>> -> memref<40x128xf32, #tpu.memory_space<hbm>>
      tpu.wait_dma2 semaphore(%arg15 : memref<!tpu.dma_semaphore, #tpu.memory_space<semaphore_mem>>) src(%dma_wait3A_355 : memref<40x128xf32, #tpu.memory_space<hbm>>) dst(%dma_wait3A_352 : memref<40x128xf32, #tpu.memory_space<vmem>>)
      %dma_start3A_356 = arith.constant 4 : i32
      %dma_start3A_357 = arith.constant 0 : i32
      %dma_start3A_358 = arith.constant 0 : i32
      %dma_start3A_359 = tpu.memref_slice %arg10[%dma_start3A_356, %dma_start3A_357, %dma_start3A_358] : memref<5x40x128xf32, #tpu.memory_space<vmem>> -> memref<1x40x128xf32, #tpu.memory_space<vmem>>
      %dma_start3A_360 = tpu.memref_squeeze %dma_start3A_359 : memref<1x40x128xf32, #tpu.memory_space<vmem>> -> memref<40x128xf32, #tpu.memory_space<vmem>>
      %dma_start3A_361 = arith.constant 0 : i32
      %dma_start3A_362 = tpu.memref_slice %arg9[%add3A_331, %dma_start3A_361] : memref<250x40xi32, #tpu.memory_space<vmem>> -> memref<1x40xi32, #tpu.memory_space<vmem>>
      %dma_start3A_363 = tpu.memref_squeeze %dma_start3A_362 : memref<1x40xi32, #tpu.memory_space<vmem>> -> memref<40xi32, #tpu.memory_space<vmem>>
      %dma_start3A_364 = arith.constant 0 : i32
      %dma_start3A_365 = arith.constant 0 : i32
      %dma_start3A_366 = tpu.memref_slice %arg7[%dma_start3A_364, %dma_start3A_365] : memref<10000x128xf32, #tpu.memory_space<vmem_shared>> -> memref<10000x128xf32, #tpu.memory_space<vmem_shared>>
      tpu.enqueue_indirect_dma source(%dma_start3A_360 : memref<40x128xf32, #tpu.memory_space<vmem>>) target(%dma_start3A_366 : memref<10000x128xf32, #tpu.memory_space<vmem_shared>>) offsets(%dma_start3A_363 : memref<40xi32, #tpu.memory_space<vmem>>) semaphore(%arg20 : memref<!tpu.dma_semaphore, #tpu.memory_space<semaphore_mem>>) {add = true}
    }
    %scan3A_90 = arith.constant 50 : i32
    %dma_wait3A_91 = arith.constant 0 : i32
    %dma_wait3A_92 = arith.constant 0 : i32
    %dma_wait3A_93 = arith.constant 0 : i32
    %dma_wait3A_94 = tpu.memref_slice %arg10[%dma_wait3A_91, %dma_wait3A_92, %dma_wait3A_93] : memref<5x40x128xf32, #tpu.memory_space<vmem>> -> memref<1x40x128xf32, #tpu.memory_space<vmem>>
    %dma_wait3A_95 = tpu.memref_squeeze %dma_wait3A_94 : memref<1x40x128xf32, #tpu.memory_space<vmem>> -> memref<40x128xf32, #tpu.memory_space<vmem>>
    %dma_wait3A_96 = arith.constant 0 : i32
    %dma_wait3A_97 = arith.constant 0 : i32
    %dma_wait3A_98 = tpu.memref_slice %arg2[%dma_wait3A_96, %dma_wait3A_97] : memref<10000x128xf32, #tpu.memory_space<hbm>> -> memref<40x128xf32, #tpu.memory_space<hbm>>
    %dma_wait3A_99 = arith.constant 0 : i32
    %dma_wait3A_100 = arith.constant 0 : i32
    %dma_wait3A_101 = tpu.memref_slice %arg10[%dma_wait3A_91, %dma_wait3A_99, %dma_wait3A_100] : memref<5x40x128xf32, #tpu.memory_space<vmem>> -> memref<1x40x128xf32, #tpu.memory_space<vmem>>
    %dma_wait3A_102 = tpu.memref_squeeze %dma_wait3A_101 : memref<1x40x128xf32, #tpu.memory_space<vmem>> -> memref<40x128xf32, #tpu.memory_space<vmem>>
    %dma_wait3A_103 = arith.constant 0 : i32
    %dma_wait3A_104 = arith.constant 0 : i32
    %dma_wait3A_105 = tpu.memref_slice %arg2[%dma_wait3A_103, %dma_wait3A_104] : memref<10000x128xf32, #tpu.memory_space<hbm>> -> memref<40x128xf32, #tpu.memory_space<hbm>>
    tpu.wait_dma2 semaphore(%arg16 : memref<!tpu.dma_semaphore, #tpu.memory_space<semaphore_mem>>) src(%dma_wait3A_105 : memref<40x128xf32, #tpu.memory_space<hbm>>) dst(%dma_wait3A_102 : memref<40x128xf32, #tpu.memory_space<vmem>>)
    %dma_wait3A_106 = arith.constant 1 : i32
    %dma_wait3A_107 = arith.constant 0 : i32
    %dma_wait3A_108 = arith.constant 0 : i32
    %dma_wait3A_109 = tpu.memref_slice %arg10[%dma_wait3A_106, %dma_wait3A_107, %dma_wait3A_108] : memref<5x40x128xf32, #tpu.memory_space<vmem>> -> memref<1x40x128xf32, #tpu.memory_space<vmem>>
    %dma_wait3A_110 = tpu.memref_squeeze %dma_wait3A_109 : memref<1x40x128xf32, #tpu.memory_space<vmem>> -> memref<40x128xf32, #tpu.memory_space<vmem>>
    %dma_wait3A_111 = arith.constant 0 : i32
    %dma_wait3A_112 = arith.constant 0 : i32
    %dma_wait3A_113 = tpu.memref_slice %arg2[%dma_wait3A_111, %dma_wait3A_112] : memref<10000x128xf32, #tpu.memory_space<hbm>> -> memref<40x128xf32, #tpu.memory_space<hbm>>
    %dma_wait3A_114 = arith.constant 0 : i32
    %dma_wait3A_115 = arith.constant 0 : i32
    %dma_wait3A_116 = tpu.memref_slice %arg10[%dma_wait3A_106, %dma_wait3A_114, %dma_wait3A_115] : memref<5x40x128xf32, #tpu.memory_space<vmem>> -> memref<1x40x128xf32, #tpu.memory_space<vmem>>
    %dma_wait3A_117 = tpu.memref_squeeze %dma_wait3A_116 : memref<1x40x128xf32, #tpu.memory_space<vmem>> -> memref<40x128xf32, #tpu.memory_space<vmem>>
    %dma_wait3A_118 = arith.constant 0 : i32
    %dma_wait3A_119 = arith.constant 0 : i32
    %dma_wait3A_120 = tpu.memref_slice %arg2[%dma_wait3A_118, %dma_wait3A_119] : memref<10000x128xf32, #tpu.memory_space<hbm>> -> memref<40x128xf32, #tpu.memory_space<hbm>>
    tpu.wait_dma2 semaphore(%arg17 : memref<!tpu.dma_semaphore, #tpu.memory_space<semaphore_mem>>) src(%dma_wait3A_120 : memref<40x128xf32, #tpu.memory_space<hbm>>) dst(%dma_wait3A_117 : memref<40x128xf32, #tpu.memory_space<vmem>>)
    %dma_wait3A_121 = arith.constant 2 : i32
    %dma_wait3A_122 = arith.constant 0 : i32
    %dma_wait3A_123 = arith.constant 0 : i32
    %dma_wait3A_124 = tpu.memref_slice %arg10[%dma_wait3A_121, %dma_wait3A_122, %dma_wait3A_123] : memref<5x40x128xf32, #tpu.memory_space<vmem>> -> memref<1x40x128xf32, #tpu.memory_space<vmem>>
    %dma_wait3A_125 = tpu.memref_squeeze %dma_wait3A_124 : memref<1x40x128xf32, #tpu.memory_space<vmem>> -> memref<40x128xf32, #tpu.memory_space<vmem>>
    %dma_wait3A_126 = arith.constant 0 : i32
    %dma_wait3A_127 = arith.constant 0 : i32
    %dma_wait3A_128 = tpu.memref_slice %arg2[%dma_wait3A_126, %dma_wait3A_127] : memref<10000x128xf32, #tpu.memory_space<hbm>> -> memref<40x128xf32, #tpu.memory_space<hbm>>
    %dma_wait3A_129 = arith.constant 0 : i32
    %dma_wait3A_130 = arith.constant 0 : i32
    %dma_wait3A_131 = tpu.memref_slice %arg10[%dma_wait3A_121, %dma_wait3A_129, %dma_wait3A_130] : memref<5x40x128xf32, #tpu.memory_space<vmem>> -> memref<1x40x128xf32, #tpu.memory_space<vmem>>
    %dma_wait3A_132 = tpu.memref_squeeze %dma_wait3A_131 : memref<1x40x128xf32, #tpu.memory_space<vmem>> -> memref<40x128xf32, #tpu.memory_space<vmem>>
    %dma_wait3A_133 = arith.constant 0 : i32
    %dma_wait3A_134 = arith.constant 0 : i32
    %dma_wait3A_135 = tpu.memref_slice %arg2[%dma_wait3A_133, %dma_wait3A_134] : memref<10000x128xf32, #tpu.memory_space<hbm>> -> memref<40x128xf32, #tpu.memory_space<hbm>>
    tpu.wait_dma2 semaphore(%arg18 : memref<!tpu.dma_semaphore, #tpu.memory_space<semaphore_mem>>) src(%dma_wait3A_135 : memref<40x128xf32, #tpu.memory_space<hbm>>) dst(%dma_wait3A_132 : memref<40x128xf32, #tpu.memory_space<vmem>>)
    %dma_wait3A_136 = arith.constant 3 : i32
    %dma_wait3A_137 = arith.constant 0 : i32
    %dma_wait3A_138 = arith.constant 0 : i32
    %dma_wait3A_139 = tpu.memref_slice %arg10[%dma_wait3A_136, %dma_wait3A_137, %dma_wait3A_138] : memref<5x40x128xf32, #tpu.memory_space<vmem>> -> memref<1x40x128xf32, #tpu.memory_space<vmem>>
    %dma_wait3A_140 = tpu.memref_squeeze %dma_wait3A_139 : memref<1x40x128xf32, #tpu.memory_space<vmem>> -> memref<40x128xf32, #tpu.memory_space<vmem>>
    %dma_wait3A_141 = arith.constant 0 : i32
    %dma_wait3A_142 = arith.constant 0 : i32
    %dma_wait3A_143 = tpu.memref_slice %arg2[%dma_wait3A_141, %dma_wait3A_142] : memref<10000x128xf32, #tpu.memory_space<hbm>> -> memref<40x128xf32, #tpu.memory_space<hbm>>
    %dma_wait3A_144 = arith.constant 0 : i32
    %dma_wait3A_145 = arith.constant 0 : i32
    %dma_wait3A_146 = tpu.memref_slice %arg10[%dma_wait3A_136, %dma_wait3A_144, %dma_wait3A_145] : memref<5x40x128xf32, #tpu.memory_space<vmem>> -> memref<1x40x128xf32, #tpu.memory_space<vmem>>
    %dma_wait3A_147 = tpu.memref_squeeze %dma_wait3A_146 : memref<1x40x128xf32, #tpu.memory_space<vmem>> -> memref<40x128xf32, #tpu.memory_space<vmem>>
    %dma_wait3A_148 = arith.constant 0 : i32
    %dma_wait3A_149 = arith.constant 0 : i32
    %dma_wait3A_150 = tpu.memref_slice %arg2[%dma_wait3A_148, %dma_wait3A_149] : memref<10000x128xf32, #tpu.memory_space<hbm>> -> memref<40x128xf32, #tpu.memory_space<hbm>>
    tpu.wait_dma2 semaphore(%arg19 : memref<!tpu.dma_semaphore, #tpu.memory_space<semaphore_mem>>) src(%dma_wait3A_150 : memref<40x128xf32, #tpu.memory_space<hbm>>) dst(%dma_wait3A_147 : memref<40x128xf32, #tpu.memory_space<vmem>>)
    %dma_wait3A_151 = arith.constant 4 : i32
    %dma_wait3A_152 = arith.constant 0 : i32
    %dma_wait3A_153 = arith.constant 0 : i32
    %dma_wait3A_154 = tpu.memref_slice %arg10[%dma_wait3A_151, %dma_wait3A_152, %dma_wait3A_153] : memref<5x40x128xf32, #tpu.memory_space<vmem>> -> memref<1x40x128xf32, #tpu.memory_space<vmem>>
    %dma_wait3A_155 = tpu.memref_squeeze %dma_wait3A_154 : memref<1x40x128xf32, #tpu.memory_space<vmem>> -> memref<40x128xf32, #tpu.memory_space<vmem>>
    %dma_wait3A_156 = arith.constant 0 : i32
    %dma_wait3A_157 = arith.constant 0 : i32
    %dma_wait3A_158 = tpu.memref_slice %arg2[%dma_wait3A_156, %dma_wait3A_157] : memref<10000x128xf32, #tpu.memory_space<hbm>> -> memref<40x128xf32, #tpu.memory_space<hbm>>
    %dma_wait3A_159 = arith.constant 0 : i32
    %dma_wait3A_160 = arith.constant 0 : i32
    %dma_wait3A_161 = tpu.memref_slice %arg10[%dma_wait3A_151, %dma_wait3A_159, %dma_wait3A_160] : memref<5x40x128xf32, #tpu.memory_space<vmem>> -> memref<1x40x128xf32, #tpu.memory_space<vmem>>
    %dma_wait3A_162 = tpu.memref_squeeze %dma_wait3A_161 : memref<1x40x128xf32, #tpu.memory_space<vmem>> -> memref<40x128xf32, #tpu.memory_space<vmem>>
    %dma_wait3A_163 = arith.constant 0 : i32
    %dma_wait3A_164 = arith.constant 0 : i32
    %dma_wait3A_165 = tpu.memref_slice %arg2[%dma_wait3A_163, %dma_wait3A_164] : memref<10000x128xf32, #tpu.memory_space<hbm>> -> memref<40x128xf32, #tpu.memory_space<hbm>>
    tpu.wait_dma2 semaphore(%arg20 : memref<!tpu.dma_semaphore, #tpu.memory_space<semaphore_mem>>) src(%dma_wait3A_165 : memref<40x128xf32, #tpu.memory_space<hbm>>) dst(%dma_wait3A_162 : memref<40x128xf32, #tpu.memory_space<vmem>>)
    %barrier3A_166 = arith.constant 0 : index
    tpu.barrier barrier_id(%barrier3A_166)
    %lt3A_167 = arith.constant 10 : i32
    %lt3A_168 = arith.cmpi slt, %arg1, %lt3A_167 : i32
    %convert_element_type3A_169 = arith.extui %lt3A_168 : i1 to i32
    %cond3A_170 = arith.constant 0 : i32
    %cond3A_171 = arith.cmpi ne, %convert_element_type3A_169, %cond3A_170 : i32
    scf.if %cond3A_171 {
      %mul3A_172 = arith.constant 1000 : i32
      %mul3A_173 = arith.muli %arg1, %mul3A_172 : i32
      %mul3A_174 = arith.constant 1000 : i32
      %mul3A_175 = arith.muli %arg1, %mul3A_174 : i32
      "tpu.region"() ({
        %run_scoped3A = tpu.sem_alloc : memref<!tpu.dma_semaphore, #tpu.memory_space<semaphore_mem>>
        %dma_start3A_176 = arith.constant 0 : i32
        %dma_start3A_177 = tpu.memref_slice %arg6[%arg0, %mul3A_175, %dma_start3A_176] : memref<2x10000x128xf32, #tpu.memory_space<hbm>> -> memref<1x1000x128xf32, #tpu.memory_space<hbm>>
        %dma_start3A_178 = tpu.memref_squeeze %dma_start3A_177 : memref<1x1000x128xf32, #tpu.memory_space<hbm>> -> memref<1000x128xf32, #tpu.memory_space<hbm>>
        %dma_start3A_179 = arith.constant 0 : i32
        %dma_start3A_180 = tpu.memref_slice %arg7[%mul3A_173, %dma_start3A_179] : memref<10000x128xf32, #tpu.memory_space<vmem_shared>> -> memref<1000x128xf32, #tpu.memory_space<vmem_shared>>
        tpu.enqueue_dma source(%dma_start3A_180 : memref<1000x128xf32, #tpu.memory_space<vmem_shared>>) target(%dma_start3A_178 : memref<1000x128xf32, #tpu.memory_space<hbm>>) target_semaphore(%run_scoped3A : memref<!tpu.dma_semaphore, #tpu.memory_space<semaphore_mem>>)
        %dma_wait3A_181 = arith.constant 0 : i32
        %dma_wait3A_182 = tpu.memref_slice %arg6[%arg0, %mul3A_175, %dma_wait3A_181] : memref<2x10000x128xf32, #tpu.memory_space<hbm>> -> memref<1x1000x128xf32, #tpu.memory_space<hbm>>
        %dma_wait3A_183 = tpu.memref_squeeze %dma_wait3A_182 : memref<1x1000x128xf32, #tpu.memory_space<hbm>> -> memref<1000x128xf32, #tpu.memory_space<hbm>>
        %dma_wait3A_184 = arith.constant 0 : i32
        %dma_wait3A_185 = tpu.memref_slice %arg7[%mul3A_173, %dma_wait3A_184] : memref<10000x128xf32, #tpu.memory_space<vmem_shared>> -> memref<1000x128xf32, #tpu.memory_space<vmem_shared>>
        tpu.wait_dma2 semaphore(%run_scoped3A : memref<!tpu.dma_semaphore, #tpu.memory_space<semaphore_mem>>) src(%dma_wait3A_185 : memref<1000x128xf32, #tpu.memory_space<vmem_shared>>) dst(%dma_wait3A_183 : memref<1000x128xf32, #tpu.memory_space<hbm>>)
        tpu.yield
      }) : () -> ()
    } else {
    }
    return
  }
}

module attributes {stable_mosaic.version = 14 : i64} {
  func.func @_mida_body(%arg0: i32, %arg1: memref<2x1000x128xf32, #tpu.memory_space<vmem>>, %arg2: memref<2x1000x16xf32, #tpu.memory_space<vmem>>, %arg3: memref<1000x128xf32, #tpu.memory_space<vmem>>) attributes {dimension_semantics = [#tpu.dimension_semantics<arbitrary>], iteration_bounds = array<i64: 10>, scalar_prefetch = 0 : i64, scratch_operands = 0 : i64, tpu.core_type = #tpu.core_type<tc>, window_params = [{transform_indices = @transform_0, window_bounds = array<i64: 2, 1000, 128>}, {transform_indices = @transform_1, window_bounds = array<i64: 2, 1000, 16>}, {transform_indices = @transform_2, window_bounds = array<i64: 1000, 128>}]} {
    %get3A = arith.constant 0 : index
    %get3A_0 = arith.constant 0 : index
    %get3A_1 = arith.constant 0 : index
    %get3A_2 = vector.load %arg2[%get3A, %get3A_0, %get3A_1] : memref<2x1000x16xf32, #tpu.memory_space<vmem>>, vector<2x1000x16xf32>
    %slice3A = vector.extract_strided_slice %get3A_2 {offsets = [0, 0, 0], sizes = [1, 1000, 16], strides = [1, 1, 1]} : vector<2x1000x16xf32> to vector<1x1000x16xf32>
    %squeeze3A = vector.shape_cast %slice3A : vector<1x1000x16xf32> to vector<1000x16xf32>
    %slice3A_3 = vector.extract_strided_slice %get3A_2 {offsets = [1, 0, 0], sizes = [1, 1000, 16], strides = [1, 1, 1]} : vector<2x1000x16xf32> to vector<1x1000x16xf32>
    %squeeze3A_4 = vector.shape_cast %slice3A_3 : vector<1x1000x16xf32> to vector<1000x16xf32>
    %add3A = arith.addf %squeeze3A, %squeeze3A_4 : vector<1000x16xf32>
    %gt3A = arith.constant 0.000000e+00 : f32
    %gt3A_5 = vector.broadcast %gt3A : f32 to vector<1000x16xf32>
    %gt3A_6 = arith.cmpf ogt, %add3A, %gt3A_5 : vector<1000x16xf32>
    %rsqrt3A = math.rsqrt %add3A : vector<1000x16xf32>
    %jit3A = arith.constant 0.000000e+00 : f32
    %broadcast_in_dim3A = vector.broadcast %jit3A : f32 to vector<1000x16xf32>
    %select_n3A = arith.select %gt3A_6, %rsqrt3A, %broadcast_in_dim3A : vector<1000x16xi1>, vector<1000x16xf32>
    %slice3A_7 = vector.extract_strided_slice %select_n3A {offsets = [0, 0], sizes = [1000, 1], strides = [1, 1]} : vector<1000x16xf32> to vector<1000x1xf32>
    %neg3A = arith.constant 0.000000e+00 : f32
    %neg3A_8 = vector.broadcast %neg3A : f32 to vector<1000x1xf32>
    %neg3A_9 = arith.subf %neg3A_8, %slice3A_7 : vector<1000x1xf32>
    %mul3A = arith.mulf %neg3A_9, %slice3A_7 : vector<1000x1xf32>
    %get3A_10 = arith.constant 0 : index
    %get3A_11 = arith.constant 0 : index
    %get3A_12 = arith.constant 0 : index
    %get3A_13 = vector.load %arg1[%get3A_10, %get3A_11, %get3A_12] : memref<2x1000x128xf32, #tpu.memory_space<vmem>>, vector<1x1000x128xf32>
    %get3A_14 = vector.shape_cast %get3A_13 : vector<1x1000x128xf32> to vector<1000x128xf32>
    %get3A_15 = arith.constant 1 : index
    %get3A_16 = arith.constant 0 : index
    %get3A_17 = arith.constant 0 : index
    %get3A_18 = vector.load %arg1[%get3A_15, %get3A_16, %get3A_17] : memref<2x1000x128xf32, #tpu.memory_space<vmem>>, vector<1x1000x128xf32>
    %get3A_19 = vector.shape_cast %get3A_18 : vector<1x1000x128xf32> to vector<1000x128xf32>
    %add3A_20 = arith.addf %get3A_14, %get3A_19 : vector<1000x128xf32>
    %mul3A_21 = vector.broadcast %mul3A : vector<1000x1xf32> to vector<1000x128xf32>
    %mul3A_22 = arith.mulf %mul3A_21, %add3A_20 : vector<1000x128xf32>
    %swap3A = arith.constant 0 : index
    %swap3A_23 = arith.constant 0 : index
    %swap3A_24 = vector.load %arg3[%swap3A, %swap3A_23] : memref<1000x128xf32, #tpu.memory_space<vmem>>, vector<1000x128xf32>
    tpu.vector_store %arg3[%swap3A, %swap3A_23], %mul3A_22 {strides = array<i32>} : memref<1000x128xf32, #tpu.memory_space<vmem>>, vector<1000x128xf32>,
    return
  }
  func.func @transform_0(%arg0: i32) -> (i32, i32, i32) {
    %c0_i32 = arith.constant 0 : i32
    %c0_i32_0 = arith.constant 0 : i32
    %c0_i32_1 = arith.constant 0 : i32
    return %c0_i32, %arg0, %c0_i32_0 : i32, i32, i32
  }
  func.func @transform_1(%arg0: i32) -> (i32, i32, i32) {
    %c0_i32 = arith.constant 0 : i32
    %c0_i32_0 = arith.constant 0 : i32
    %c0_i32_1 = arith.constant 0 : i32
    return %c0_i32, %arg0, %c0_i32_0 : i32, i32, i32
  }
  func.func @transform_2(%arg0: i32) -> (i32, i32) {
    %c0_i32 = arith.constant 0 : i32
    %c0_i32_0 = arith.constant 0 : i32
    return %arg0, %c0_i32 : i32, i32
  }
}

module attributes {stable_mosaic.version = 14 : i64} {
  func.func @_prep_body(%arg0: i32, %arg1: memref<1000x128xf32, #tpu.memory_space<vmem>>, %arg2: memref<2x1000x16xf32, #tpu.memory_space<vmem>>, %arg3: memref<1000x128xf32, #tpu.memory_space<vmem>>) attributes {dimension_semantics = [#tpu.dimension_semantics<arbitrary>], iteration_bounds = array<i64: 10>, scalar_prefetch = 0 : i64, scratch_operands = 0 : i64, tpu.core_type = #tpu.core_type<tc>, window_params = [{transform_indices = @transform_0, window_bounds = array<i64: 1000, 128>}, {transform_indices = @transform_1, window_bounds = array<i64: 2, 1000, 16>}, {transform_indices = @transform_2, window_bounds = array<i64: 1000, 128>}]} {
    %get3A = arith.constant 0 : index
    %get3A_0 = arith.constant 0 : index
    %get3A_1 = vector.load %arg1[%get3A, %get3A_0] : memref<1000x128xf32, #tpu.memory_space<vmem>>, vector<1000x128xf32>
    %get3A_2 = arith.constant 0 : index
    %get3A_3 = arith.constant 0 : index
    %get3A_4 = arith.constant 0 : index
    %get3A_5 = vector.load %arg2[%get3A_2, %get3A_3, %get3A_4] : memref<2x1000x16xf32, #tpu.memory_space<vmem>>, vector<2x1000x16xf32>
    %slice3A = vector.extract_strided_slice %get3A_5 {offsets = [0, 0, 0], sizes = [1, 1000, 16], strides = [1, 1, 1]} : vector<2x1000x16xf32> to vector<1x1000x16xf32>
    %squeeze3A = vector.shape_cast %slice3A : vector<1x1000x16xf32> to vector<1000x16xf32>
    %slice3A_6 = vector.extract_strided_slice %get3A_5 {offsets = [1, 0, 0], sizes = [1, 1000, 16], strides = [1, 1, 1]} : vector<2x1000x16xf32> to vector<1x1000x16xf32>
    %squeeze3A_7 = vector.shape_cast %slice3A_6 : vector<1x1000x16xf32> to vector<1000x16xf32>
    %add3A = arith.addf %squeeze3A, %squeeze3A_7 : vector<1000x16xf32>
    %gt3A = arith.constant 0.000000e+00 : f32
    %gt3A_8 = vector.broadcast %gt3A : f32 to vector<1000x16xf32>
    %gt3A_9 = arith.cmpf ogt, %add3A, %gt3A_8 : vector<1000x16xf32>
    %rsqrt3A = math.rsqrt %add3A : vector<1000x16xf32>
    %jit3A = arith.constant 0.000000e+00 : f32
    %broadcast_in_dim3A = vector.broadcast %jit3A : f32 to vector<1000x16xf32>
    %select_n3A = arith.select %gt3A_9, %rsqrt3A, %broadcast_in_dim3A : vector<1000x16xi1>, vector<1000x16xf32>
    %slice3A_10 = vector.extract_strided_slice %select_n3A {offsets = [0, 0], sizes = [1000, 1], strides = [1, 1]} : vector<1000x16xf32> to vector<1000x1xf32>
    %mul3A = vector.broadcast %slice3A_10 : vector<1000x1xf32> to vector<1000x128xf32>
    %mul3A_11 = arith.mulf %get3A_1, %mul3A : vector<1000x128xf32>
    %swap3A = arith.constant 0 : index
    %swap3A_12 = arith.constant 0 : index
    %swap3A_13 = vector.load %arg3[%swap3A, %swap3A_12] : memref<1000x128xf32, #tpu.memory_space<vmem>>, vector<1000x128xf32>
    tpu.vector_store %arg3[%swap3A, %swap3A_12], %mul3A_11 {strides = array<i32>} : memref<1000x128xf32, #tpu.memory_space<vmem>>, vector<1000x128xf32>,
    return
  }
  func.func @transform_0(%arg0: i32) -> (i32, i32) {
    %c0_i32 = arith.constant 0 : i32
    %c0_i32_0 = arith.constant 0 : i32
    return %arg0, %c0_i32 : i32, i32
  }
  func.func @transform_1(%arg0: i32) -> (i32, i32, i32) {
    %c0_i32 = arith.constant 0 : i32
    %c0_i32_0 = arith.constant 0 : i32
    %c0_i32_1 = arith.constant 0 : i32
    return %c0_i32, %arg0, %c0_i32_0 : i32, i32, i32
  }
  func.func @transform_2(%arg0: i32) -> (i32, i32) {
    %c0_i32 = arith.constant 0 : i32
    %c0_i32_0 = arith.constant 0 : i32
    return %arg0, %c0_i32 : i32, i32
  }
}

module attributes {stable_mosaic.version = 14 : i64} {
  func.func @_w0_body(%arg0: i32, %arg1: memref<1000x128xf32, #tpu.memory_space<vmem>>, %arg2: memref<3x128x128xf32, #tpu.memory_space<vmem>>, %arg3: memref<1x128xf32, #tpu.memory_space<vmem>>, %arg4: memref<1000x128xf32, #tpu.memory_space<vmem>>) attributes {dimension_semantics = [#tpu.dimension_semantics<arbitrary>], iteration_bounds = array<i64: 10>, scalar_prefetch = 0 : i64, scratch_operands = 0 : i64, tpu.core_type = #tpu.core_type<tc>, window_params = [{transform_indices = @transform_0, window_bounds = array<i64: 1000, 128>}, {pipeline_mode = #tpu.pipeline_mode<synchronous>, transform_indices = @transform_1, window_bounds = array<i64: 3, 128, 128>}, {pipeline_mode = #tpu.pipeline_mode<synchronous>, transform_indices = @transform_2, window_bounds = array<i64: 1, 128>}, {transform_indices = @transform_3, window_bounds = array<i64: 1000, 128>}]} {
    %get3A = arith.constant 0 : index
    %get3A_0 = arith.constant 0 : index
    %get3A_1 = vector.load %arg1[%get3A, %get3A_0] : memref<1000x128xf32, #tpu.memory_space<vmem>>, vector<1000x128xf32>
    %get3A_2 = arith.constant 0 : index
    %get3A_3 = arith.constant 0 : index
    %get3A_4 = arith.constant 0 : index
    %get3A_5 = vector.load %arg2[%get3A_2, %get3A_3, %get3A_4] : memref<3x128x128xf32, #tpu.memory_space<vmem>>, vector<1x128x128xf32>
    %get3A_6 = vector.shape_cast %get3A_5 : vector<1x128x128xf32> to vector<128x128xf32>
    %dot_general3A = arith.constant dense<0.000000e+00> : vector<1000x128xf32>
    %dot_general3A_7 = tpu.matmul %get3A_1, %get3A_6, %dot_general3A {dimension_numbers = #tpu.dot_dimension_numbers<[1], [0], [0], [1], [0, 0, 1, 1], [], []>, precision = #tpu.contract_precision<fp32>, transpose_lhs_hint = false} : vector<1000x128xf32>, vector<128x128xf32>, vector<1000x128xf32> -> vector<1000x128xf32>
    %get3A_8 = arith.constant 0 : index
    %get3A_9 = arith.constant 0 : index
    %get3A_10 = vector.load %arg3[%get3A_8, %get3A_9] : memref<1x128xf32, #tpu.memory_space<vmem>>, vector<1x128xf32>
    %add3A = vector.broadcast %get3A_10 : vector<1x128xf32> to vector<1000x128xf32>
    %add3A_11 = arith.addf %dot_general3A_7, %add3A : vector<1000x128xf32>
    %swap3A = arith.constant 0 : index
    %swap3A_12 = arith.constant 0 : index
    %swap3A_13 = vector.load %arg4[%swap3A, %swap3A_12] : memref<1000x128xf32, #tpu.memory_space<vmem>>, vector<1000x128xf32>
    tpu.vector_store %arg4[%swap3A, %swap3A_12], %add3A_11 {strides = array<i32>} : memref<1000x128xf32, #tpu.memory_space<vmem>>, vector<1000x128xf32>,
    return
  }
  func.func @transform_0(%arg0: i32) -> (i32, i32) {
    %c0_i32 = arith.constant 0 : i32
    %c0_i32_0 = arith.constant 0 : i32
    return %arg0, %c0_i32 : i32, i32
  }
  func.func @transform_1(%arg0: i32) -> (i32, i32, i32) {
    %c0_i32 = arith.constant 0 : i32
    %c0_i32_0 = arith.constant 0 : i32
    %c0_i32_1 = arith.constant 0 : i32
    %c0_i32_2 = arith.constant 0 : i32
    return %c0_i32, %c0_i32_0, %c0_i32_1 : i32, i32, i32
  }
  func.func @transform_2(%arg0: i32) -> (i32, i32) {
    %c0_i32 = arith.constant 0 : i32
    %c0_i32_0 = arith.constant 0 : i32
    %c0_i32_1 = arith.constant 0 : i32
    return %c0_i32, %c0_i32_0 : i32, i32
  }
  func.func @transform_3(%arg0: i32) -> (i32, i32) {
    %c0_i32 = arith.constant 0 : i32
    %c0_i32_0 = arith.constant 0 : i32
    return %arg0, %c0_i32 : i32, i32
  }
}

module attributes {stable_mosaic.version = 14 : i64} {
  func.func @_midb_body(%arg0: i32, %arg1: memref<2x1000x128xf32, #tpu.memory_space<vmem>>, %arg2: memref<2x1000x16xf32, #tpu.memory_space<vmem>>, %arg3: memref<1000x128xf32, #tpu.memory_space<vmem>>, %arg4: memref<3x128x128xf32, #tpu.memory_space<vmem>>, %arg5: memref<1000x128xf32, #tpu.memory_space<vmem>>) attributes {dimension_semantics = [#tpu.dimension_semantics<arbitrary>], iteration_bounds = array<i64: 10>, scalar_prefetch = 0 : i64, scratch_operands = 0 : i64, tpu.core_type = #tpu.core_type<tc>, window_params = [{transform_indices = @transform_0, window_bounds = array<i64: 2, 1000, 128>}, {transform_indices = @transform_1, window_bounds = array<i64: 2, 1000, 16>}, {transform_indices = @transform_2, window_bounds = array<i64: 1000, 128>}, {pipeline_mode = #tpu.pipeline_mode<synchronous>, transform_indices = @transform_3, window_bounds = array<i64: 3, 128, 128>}, {transform_indices = @transform_4, window_bounds = array<i64: 1000, 128>}]} {
    %get3A = arith.constant 0 : index
    %get3A_0 = arith.constant 0 : index
    %get3A_1 = arith.constant 0 : index
    %get3A_2 = vector.load %arg2[%get3A, %get3A_0, %get3A_1] : memref<2x1000x16xf32, #tpu.memory_space<vmem>>, vector<2x1000x16xf32>
    %slice3A = vector.extract_strided_slice %get3A_2 {offsets = [0, 0, 0], sizes = [1, 1000, 16], strides = [1, 1, 1]} : vector<2x1000x16xf32> to vector<1x1000x16xf32>
    %squeeze3A = vector.shape_cast %slice3A : vector<1x1000x16xf32> to vector<1000x16xf32>
    %slice3A_3 = vector.extract_strided_slice %get3A_2 {offsets = [1, 0, 0], sizes = [1, 1000, 16], strides = [1, 1, 1]} : vector<2x1000x16xf32> to vector<1x1000x16xf32>
    %squeeze3A_4 = vector.shape_cast %slice3A_3 : vector<1x1000x16xf32> to vector<1000x16xf32>
    %add3A = arith.addf %squeeze3A, %squeeze3A_4 : vector<1000x16xf32>
    %gt3A = arith.constant 0.000000e+00 : f32
    %gt3A_5 = vector.broadcast %gt3A : f32 to vector<1000x16xf32>
    %gt3A_6 = arith.cmpf ogt, %add3A, %gt3A_5 : vector<1000x16xf32>
    %rsqrt3A = math.rsqrt %add3A : vector<1000x16xf32>
    %jit3A = arith.constant 0.000000e+00 : f32
    %broadcast_in_dim3A = vector.broadcast %jit3A : f32 to vector<1000x16xf32>
    %select_n3A = arith.select %gt3A_6, %rsqrt3A, %broadcast_in_dim3A : vector<1000x16xi1>, vector<1000x16xf32>
    %slice3A_7 = vector.extract_strided_slice %select_n3A {offsets = [0, 0], sizes = [1000, 1], strides = [1, 1]} : vector<1000x16xf32> to vector<1000x1xf32>
    %neg3A = arith.constant 0.000000e+00 : f32
    %neg3A_8 = vector.broadcast %neg3A : f32 to vector<1000x1xf32>
    %neg3A_9 = arith.subf %neg3A_8, %slice3A_7 : vector<1000x1xf32>
    %get3A_10 = arith.constant 0 : index
    %get3A_11 = arith.constant 0 : index
    %get3A_12 = arith.constant 0 : index
    %get3A_13 = vector.load %arg1[%get3A_10, %get3A_11, %get3A_12] : memref<2x1000x128xf32, #tpu.memory_space<vmem>>, vector<1x1000x128xf32>
    %get3A_14 = vector.shape_cast %get3A_13 : vector<1x1000x128xf32> to vector<1000x128xf32>
    %get3A_15 = arith.constant 1 : index
    %get3A_16 = arith.constant 0 : index
    %get3A_17 = arith.constant 0 : index
    %get3A_18 = vector.load %arg1[%get3A_15, %get3A_16, %get3A_17] : memref<2x1000x128xf32, #tpu.memory_space<vmem>>, vector<1x1000x128xf32>
    %get3A_19 = vector.shape_cast %get3A_18 : vector<1x1000x128xf32> to vector<1000x128xf32>
    %add3A_20 = arith.addf %get3A_14, %get3A_19 : vector<1000x128xf32>
    %mul3A = vector.broadcast %neg3A_9 : vector<1000x1xf32> to vector<1000x128xf32>
    %mul3A_21 = arith.mulf %mul3A, %add3A_20 : vector<1000x128xf32>
    %get3A_22 = arith.constant 0 : index
    %get3A_23 = arith.constant 0 : index
    %get3A_24 = vector.load %arg3[%get3A_22, %get3A_23] : memref<1000x128xf32, #tpu.memory_space<vmem>>, vector<1000x128xf32>
    %get3A_25 = arith.constant 1 : index
    %get3A_26 = arith.constant 0 : index
    %get3A_27 = arith.constant 0 : index
    %get3A_28 = vector.load %arg4[%get3A_25, %get3A_26, %get3A_27] : memref<3x128x128xf32, #tpu.memory_space<vmem>>, vector<1x128x128xf32>
    %get3A_29 = vector.shape_cast %get3A_28 : vector<1x128x128xf32> to vector<128x128xf32>
    %dot_general3A = arith.constant dense<0.000000e+00> : vector<1000x128xf32>
    %dot_general3A_30 = tpu.matmul %mul3A_21, %get3A_29, %dot_general3A {dimension_numbers = #tpu.dot_dimension_numbers<[1], [0], [0], [1], [0, 0, 1, 1], [], []>, precision = #tpu.contract_precision<fp32>, transpose_lhs_hint = false} : vector<1000x128xf32>, vector<128x128xf32>, vector<1000x128xf32> -> vector<1000x128xf32>
    %add3A_31 = arith.addf %get3A_24, %dot_general3A_30 : vector<1000x128xf32>
    %swap3A = arith.constant 0 : index
    %swap3A_32 = arith.constant 0 : index
    %swap3A_33 = vector.load %arg5[%swap3A, %swap3A_32] : memref<1000x128xf32, #tpu.memory_space<vmem>>, vector<1000x128xf32>
    tpu.vector_store %arg5[%swap3A, %swap3A_32], %add3A_31 {strides = array<i32>} : memref<1000x128xf32, #tpu.memory_space<vmem>>, vector<1000x128xf32>,
    return
  }
  func.func @transform_0(%arg0: i32) -> (i32, i32, i32) {
    %c0_i32 = arith.constant 0 : i32
    %c0_i32_0 = arith.constant 0 : i32
    %c0_i32_1 = arith.constant 0 : i32
    return %c0_i32, %arg0, %c0_i32_0 : i32, i32, i32
  }
  func.func @transform_1(%arg0: i32) -> (i32, i32, i32) {
    %c0_i32 = arith.constant 0 : i32
    %c0_i32_0 = arith.constant 0 : i32
    %c0_i32_1 = arith.constant 0 : i32
    return %c0_i32, %arg0, %c0_i32_0 : i32, i32, i32
  }
  func.func @transform_2(%arg0: i32) -> (i32, i32) {
    %c0_i32 = arith.constant 0 : i32
    %c0_i32_0 = arith.constant 0 : i32
    return %arg0, %c0_i32 : i32, i32
  }
  func.func @transform_3(%arg0: i32) -> (i32, i32, i32) {
    %c0_i32 = arith.constant 0 : i32
    %c0_i32_0 = arith.constant 0 : i32
    %c0_i32_1 = arith.constant 0 : i32
    %c0_i32_2 = arith.constant 0 : i32
    return %c0_i32, %c0_i32_0, %c0_i32_1 : i32, i32, i32
  }
  func.func @transform_4(%arg0: i32) -> (i32, i32) {
    %c0_i32 = arith.constant 0 : i32
    %c0_i32_0 = arith.constant 0 : i32
    return %arg0, %c0_i32 : i32, i32
  }
}

module attributes {stable_mosaic.version = 14 : i64} {
  func.func @_fin_body(%arg0: i32, %arg1: memref<2x1000x128xf32, #tpu.memory_space<vmem>>, %arg2: memref<1000x128xf32, #tpu.memory_space<vmem>>, %arg3: memref<2x1000x16xf32, #tpu.memory_space<vmem>>, %arg4: memref<1000x128xf32, #tpu.memory_space<vmem>>, %arg5: memref<3x128x128xf32, #tpu.memory_space<vmem>>, %arg6: memref<1000x128xf32, #tpu.memory_space<vmem>>) attributes {dimension_semantics = [#tpu.dimension_semantics<arbitrary>], iteration_bounds = array<i64: 10>, scalar_prefetch = 0 : i64, scratch_operands = 0 : i64, tpu.core_type = #tpu.core_type<tc>, window_params = [{transform_indices = @transform_0, window_bounds = array<i64: 2, 1000, 128>}, {transform_indices = @transform_1, window_bounds = array<i64: 1000, 128>}, {transform_indices = @transform_2, window_bounds = array<i64: 2, 1000, 16>}, {transform_indices = @transform_3, window_bounds = array<i64: 1000, 128>}, {pipeline_mode = #tpu.pipeline_mode<synchronous>, transform_indices = @transform_4, window_bounds = array<i64: 3, 128, 128>}, {transform_indices = @transform_5, window_bounds = array<i64: 1000, 128>}]} {
    %get3A = arith.constant 0 : index
    %get3A_0 = arith.constant 0 : index
    %get3A_1 = arith.constant 0 : index
    %get3A_2 = vector.load %arg3[%get3A, %get3A_0, %get3A_1] : memref<2x1000x16xf32, #tpu.memory_space<vmem>>, vector<2x1000x16xf32>
    %slice3A = vector.extract_strided_slice %get3A_2 {offsets = [0, 0, 0], sizes = [1, 1000, 16], strides = [1, 1, 1]} : vector<2x1000x16xf32> to vector<1x1000x16xf32>
    %squeeze3A = vector.shape_cast %slice3A : vector<1x1000x16xf32> to vector<1000x16xf32>
    %slice3A_3 = vector.extract_strided_slice %get3A_2 {offsets = [1, 0, 0], sizes = [1, 1000, 16], strides = [1, 1, 1]} : vector<2x1000x16xf32> to vector<1x1000x16xf32>
    %squeeze3A_4 = vector.shape_cast %slice3A_3 : vector<1x1000x16xf32> to vector<1000x16xf32>
    %add3A = arith.addf %squeeze3A, %squeeze3A_4 : vector<1000x16xf32>
    %gt3A = arith.constant 0.000000e+00 : f32
    %gt3A_5 = vector.broadcast %gt3A : f32 to vector<1000x16xf32>
    %gt3A_6 = arith.cmpf ogt, %add3A, %gt3A_5 : vector<1000x16xf32>
    %rsqrt3A = math.rsqrt %add3A : vector<1000x16xf32>
    %jit3A = arith.constant 0.000000e+00 : f32
    %broadcast_in_dim3A = vector.broadcast %jit3A : f32 to vector<1000x16xf32>
    %select_n3A = arith.select %gt3A_6, %rsqrt3A, %broadcast_in_dim3A : vector<1000x16xi1>, vector<1000x16xf32>
    %slice3A_7 = vector.extract_strided_slice %select_n3A {offsets = [0, 0], sizes = [1000, 1], strides = [1, 1]} : vector<1000x16xf32> to vector<1000x1xf32>
    %mul3A = arith.constant -2.000000e+00 : f32
    %mul3A_8 = vector.broadcast %mul3A : f32 to vector<1000x1xf32>
    %mul3A_9 = arith.mulf %mul3A_8, %slice3A_7 : vector<1000x1xf32>
    %get3A_10 = arith.constant 0 : index
    %get3A_11 = arith.constant 0 : index
    %get3A_12 = arith.constant 0 : index
    %get3A_13 = vector.load %arg1[%get3A_10, %get3A_11, %get3A_12] : memref<2x1000x128xf32, #tpu.memory_space<vmem>>, vector<1x1000x128xf32>
    %get3A_14 = vector.shape_cast %get3A_13 : vector<1x1000x128xf32> to vector<1000x128xf32>
    %get3A_15 = arith.constant 1 : index
    %get3A_16 = arith.constant 0 : index
    %get3A_17 = arith.constant 0 : index
    %get3A_18 = vector.load %arg1[%get3A_15, %get3A_16, %get3A_17] : memref<2x1000x128xf32, #tpu.memory_space<vmem>>, vector<1x1000x128xf32>
    %get3A_19 = vector.shape_cast %get3A_18 : vector<1x1000x128xf32> to vector<1000x128xf32>
    %add3A_20 = arith.addf %get3A_14, %get3A_19 : vector<1000x128xf32>
    %mul3A_21 = vector.broadcast %mul3A_9 : vector<1000x1xf32> to vector<1000x128xf32>
    %mul3A_22 = arith.mulf %mul3A_21, %add3A_20 : vector<1000x128xf32>
    %get3A_23 = arith.constant 0 : index
    %get3A_24 = arith.constant 0 : index
    %get3A_25 = vector.load %arg2[%get3A_23, %get3A_24] : memref<1000x128xf32, #tpu.memory_space<vmem>>, vector<1000x128xf32>
    %sub3A = arith.subf %mul3A_22, %get3A_25 : vector<1000x128xf32>
    %get3A_26 = arith.constant 0 : index
    %get3A_27 = arith.constant 0 : index
    %get3A_28 = vector.load %arg4[%get3A_26, %get3A_27] : memref<1000x128xf32, #tpu.memory_space<vmem>>, vector<1000x128xf32>
    %get3A_29 = arith.constant 2 : index
    %get3A_30 = arith.constant 0 : index
    %get3A_31 = arith.constant 0 : index
    %get3A_32 = vector.load %arg5[%get3A_29, %get3A_30, %get3A_31] : memref<3x128x128xf32, #tpu.memory_space<vmem>>, vector<1x128x128xf32>
    %get3A_33 = vector.shape_cast %get3A_32 : vector<1x128x128xf32> to vector<128x128xf32>
    %dot_general3A = arith.constant dense<0.000000e+00> : vector<1000x128xf32>
    %dot_general3A_34 = tpu.matmul %sub3A, %get3A_33, %dot_general3A {dimension_numbers = #tpu.dot_dimension_numbers<[1], [0], [0], [1], [0, 0, 1, 1], [], []>, precision = #tpu.contract_precision<fp32>, transpose_lhs_hint = false} : vector<1000x128xf32>, vector<128x128xf32>, vector<1000x128xf32> -> vector<1000x128xf32>
    %add3A_35 = arith.addf %get3A_28, %dot_general3A_34 : vector<1000x128xf32>
    %swap3A = arith.constant 0 : index
    %swap3A_36 = arith.constant 0 : index
    %swap3A_37 = vector.load %arg6[%swap3A, %swap3A_36] : memref<1000x128xf32, #tpu.memory_space<vmem>>, vector<1000x128xf32>
    tpu.vector_store %arg6[%swap3A, %swap3A_36], %add3A_35 {strides = array<i32>} : memref<1000x128xf32, #tpu.memory_space<vmem>>, vector<1000x128xf32>,
    return
  }
  func.func @transform_0(%arg0: i32) -> (i32, i32, i32) {
    %c0_i32 = arith.constant 0 : i32
    %c0_i32_0 = arith.constant 0 : i32
    %c0_i32_1 = arith.constant 0 : i32
    return %c0_i32, %arg0, %c0_i32_0 : i32, i32, i32
  }
  func.func @transform_1(%arg0: i32) -> (i32, i32) {
    %c0_i32 = arith.constant 0 : i32
    %c0_i32_0 = arith.constant 0 : i32
    return %arg0, %c0_i32 : i32, i32
  }
  func.func @transform_2(%arg0: i32) -> (i32, i32, i32) {
    %c0_i32 = arith.constant 0 : i32
    %c0_i32_0 = arith.constant 0 : i32
    %c0_i32_1 = arith.constant 0 : i32
    return %c0_i32, %arg0, %c0_i32_0 : i32, i32, i32
  }
  func.func @transform_3(%arg0: i32) -> (i32, i32) {
    %c0_i32 = arith.constant 0 : i32
    %c0_i32_0 = arith.constant 0 : i32
    return %arg0, %c0_i32 : i32, i32
  }
  func.func @transform_4(%arg0: i32) -> (i32, i32, i32) {
    %c0_i32 = arith.constant 0 : i32
    %c0_i32_0 = arith.constant 0 : i32
    %c0_i32_1 = arith.constant 0 : i32
    %c0_i32_2 = arith.constant 0 : i32
    return %c0_i32, %c0_i32_0, %c0_i32_1 : i32, i32, i32
  }
  func.func @transform_5(%arg0: i32) -> (i32, i32) {
    %c0_i32 = arith.constant 0 : i32
    %c0_i32_0 = arith.constant 0 : i32
    return %arg0, %c0_i32 : i32, i32
  }
}

</mosaic_0001>

<sc_bundles>
// kernel: kernel.10.cloned.1.call-start
scs
__scs_entry_jumppad:
0x0: {  	(pc) =	sbr.rel $0x88, $3  }
0x1: {  	(tag) =	ssettag $0x0;
	lr =	simm.s32 $0x1  }
0x2: {  	[smem:$0x3F9D] =	sst lr;
	_ =	strace $0xD0000000  }
0x3: {  	_ = 	snop  }
0x4: {  	_ = 	snop  }
0x5: {  	_ = 	snop  }
0x6: {  	_ = 	snop  }
0x7: {  	_ = 	snop  }
__scs_overlays_trampoline_lowered:
0x8: {  	[smem:$0x3FAC] =	sst s0  }
0x9: {  	[smem:$0x3FAD] =	sst s1  }
0xa: {  	[smem:$0x3FAE] =	sst s2  }
0xb: {  	[smem:$0x3FAF] =	sst s3  }
0xc: {  	[smem:$0x3FB0] =	sst s4  }
0xd: {  	[smem:$0x3FB1] =	sst s5  }
0xe: {  	[smem:$0x3FB2] =	sst s6  }
0xf: {  	[smem:$0x3FB3] =	sst s7  }
0x10: {  	[smem:$0x3FB4] =	sst s8  }
0x11: {  	[smem:$0x3FB5] =	sst s9;
	s0 =	simm.s32 @!p0 $0x0  }
0x12: {  	s1 =	sld [smem:$0x3F9B];
	s0 =	simm.s32 @p0 $0x1  }
0x13: {  	[smem:$0x3FB6] =	sst s0;
	s0 =	simm.s32 @!p1 $0x0  }
0x14: {  	s2 =	sld [smem:$0x3F9A];
	s0 =	simm.s32 @p1 $0x1  }
0x15: {  	[smem:$0x3FB7] =	sst s0;
	s0 =	simm.s32 @!p2 $0x0  }
0x16: {  	s3 =	sld [smem:$0x3FDB];
	s0 =	simm.s32 @p2 $0x1  }
0x17: {  	s4 =	simm.s32 $0x1BF5;
	[smem:$0x3FB9] =	sst s0  }
0x18: {  	s0 =	sld [smem:$0x3F9C];
	_ =	swait.ge [sflag:s4], $0x0  }
0x19: {  	s7 =	sld [smem:$0x3F9D]  }
0x1a: {  	s8 =	sadd.s32 $0xFFFFE003, lr  }
0x1b: {  	s9 =	sadd.s32 $0xFFFFFEF7, lr;
	s5 =	simm.s32 $0xFFFFFFFF;
	p2 =	slt.u32 s8, $0xFFFFF086  }
0x1c: {  	p1 =	slt.u32 s9, $0xF7A;
	s5 =	simm.s32 @!p2 $0x0  }
0x1d: {  	s5 =	simm.s32 @p1 $0x1;
	p0 =	seq.s32 s7, s2  }
0x1e: {  	s7 =	smul.u32 @!p0 $0xF7A, s2;
	p2 =	seq.s32 @!p0 s5, $0x0  }
0x1f: {  	s9 =	smul.u32 $0xF7A, s1;
	s8 =	simm.s32 @!p0 $0x1BF5;
	p2 =	por !p2, p0  }
0x20: {  	[sflag:s8] =	ssyncset.s32 @!p0 $0xFFFFF086;
	s6 =	sadd.s32 @!p0 s3, s7;
	s7 =	simm.s32 @!p0 $0x108  }
0x21: {  	s3 =	sadd.s32 s3, s9;
	s6 =	sadd.s32 @!p0 $0x88, s6;
	s7 =	simm.s32 @p2 $0x1082  }
0x22: {  	[simem:s7], [sflag:s8] =	dma.local @!p0 [hbm:s6], $0xF7A  }
0x23: {  	s9 =	sor.u32 $0xD0000000, s2;
	s6 =	simm.s32 $0x108;
	_ =	swait.ge @!p0 [sflag:s8], $0x0  }
0x24: {  	s3 =	sadd.s32 $0x88, s3;
	s6 =	simm.s32 @!p1 $0x1082;
	[sflag:s4] =	ssyncset.s32 $0xFFFFF086  }
0x25: {  	[simem:s6], [sflag:s4] =	dma.local [hbm:s3], $0xF7A  }
0x26: {  	[smem:$0x3F9D] =	sst s1;
	(tag) =	ssettag s2;
	_ =	strace s9  }
0x27: {  	s1 =	sld [smem:$0x3FAD]  }
0x28: {  	s2 =	sld [smem:$0x3FAE]  }
0x29: {  	s4 =	sld [smem:$0x3FB0]  }
0x2a: {  	p0 =	seq.s32 s5, $0x0;
	s5 =	sld [smem:$0x3FB1]  }
0x2b: {  	s6 =	sld [smem:$0x3FB2]  }
0x2c: {  	s7 =	sld [smem:$0x3FB3]  }
0x2d: {  	s3 =	simm.s32 $0x108;
	s8 =	sld [smem:$0x3FB4]  }
0x2e: {  	s3 =	simm.s32 @!p0 $0x1082;
	s9 =	sld [smem:$0x3FB5]  }
0x2f: {  	lr =	sadd.s32 s0, s3;
	s0 =	sld [smem:$0x3FAC]  }
0x30: {  	s3 =	sld [smem:$0x3FAF]  }
0x31: {  	[smem:$0x3FB8] =	sst s10  }
0x32: {  	s10 =	sld [smem:$0x3FB6];
	_ =	sdelay $0x3  }
0x33: {  	p0 =	seq.s32 s10, $0x1;
	s10 =	sld [smem:$0x3FB8];
	_ =	sdelay $0x3  }
0x34: {  	[smem:$0x3FB8] =	sst s10  }
0x35: {  	s10 =	sld [smem:$0x3FB7];
	_ =	sdelay $0x3  }
0x36: {  	p1 =	seq.s32 s10, $0x1;
	s10 =	sld [smem:$0x3FB8];
	_ =	sdelay $0x3  }
0x37: {  	[smem:$0x3FB8] =	sst s10  }
0x38: {  	s10 =	sld [smem:$0x3FB9]  }
0x39: {  	_ = 	snop;
	(pc) =	sbr.ind lr, $3  }
0x3a: {  	_ = 	snop  }
0x3b: {  	_ = 	snop  }
0x3c: {  	p2 =	seq.s32 s10, $0x1;
	s10 =	sld [smem:$0x3FB8]  }
0x3d: {  	_ =	shalt  }
0x3e: {  	_ =	shalt  }
0x3f: {  	_ =	shalt  }
0x40: {  	_ =	shalt  }
0x41: {  	_ =	shalt  }
0x42: {  	_ =	shalt  }
0x43: {  	_ =	shalt  }
0x44: {  	_ =	shalt  }
0x45: {  	_ =	shalt  }
0x46: {  	_ =	shalt  }
0x47: {  	_ =	shalt  }
0x48: {  	_ =	shalt  }
0x49: {  	_ =	shalt  }
0x4a: {  	_ =	shalt  }
0x4b: {  	_ =	shalt  }
0x4c: {  	_ =	shalt  }
0x4d: {  	_ =	shalt  }
0x4e: {  	_ =	shalt  }
0x4f: {  	_ =	shalt  }
0x50: {  	_ =	shalt  }
0x51: {  	_ =	shalt  }
0x52: {  	_ =	shalt  }
0x53: {  	_ =	shalt  }
0x54: {  	_ =	shalt  }
0x55: {  	_ =	shalt  }
0x56: {  	_ =	shalt  }
0x57: {  	_ =	shalt  }
0x58: {  	_ =	shalt  }
0x59: {  	_ =	shalt  }
0x5a: {  	_ =	shalt  }
0x5b: {  	_ =	shalt  }
0x5c: {  	_ =	shalt  }
0x5d: {  	_ =	shalt  }
0x5e: {  	_ =	shalt  }
0x5f: {  	_ =	shalt  }
0x60: {  	_ =	shalt  }
0x61: {  	_ =	shalt  }
0x62: {  	_ =	shalt  }
0x63: {  	_ =	shalt  }
0x64: {  	_ =	shalt  }
0x65: {  	_ =	shalt  }
0x66: {  	_ =	shalt  }
0x67: {  	_ =	shalt  }
0x68: {  	_ =	shalt  }
0x69: {  	_ =	shalt  }
0x6a: {  	_ =	shalt  }
0x6b: {  	_ =	shalt  }
0x6c: {  	_ =	shalt  }
0x6d: {  	_ =	shalt  }
0x6e: {  	_ =	shalt  }
0x6f: {  	_ =	shalt  }
0x70: {  	_ =	shalt  }
0x71: {  	_ =	shalt  }
0x72: {  	_ =	shalt  }
0x73: {  	_ =	shalt  }
0x74: {  	_ =	shalt  }
0x75: {  	_ =	shalt  }
0x76: {  	_ =	shalt  }
0x77: {  	_ =	shalt  }
0x78: {  	_ =	shalt  }
0x79: {  	_ =	shalt  }
0x7a: {  	_ =	shalt  }
0x7b: {  	_ =	shalt  }
0x7c: {  	_ =	shalt  }
0x7d: {  	_ =	shalt  }
0x7e: {  	_ =	shalt  }
0x7f: {  	_ =	shalt  }
0x80: {  	_ =	shalt  }
0x81: {  	_ =	shalt  }
0x82: {  	_ =	shalt  }
0x83: {  	_ =	shalt  }
0x84: {  	_ =	shalt  }
0x85: {  	_ =	shalt  }
0x86: {  	_ =	shalt  }
0x87: {  	_ =	shalt  }
.Lfunc_end0:
.L_simem_size_0:
called_computation_lowered:
.L_overlay_start_0:
0x88: {  	s2 =	sld [smem:$0x3FD9]  }
0x89: {  	s3 =	sld [smem:$0x3FFE];
	_ =	sdelay $0x1  }
0x8a: {  	s1 =	srdreg.scid  }
0x8b: {  	s0 =	sand.u32 $0x1, s1  }
0x8c: {  	s17 =	sshll.u32 s0, $0xA;
	s2 =	sadd.s32 s3, s2  }
0x8d: {  	s2 =	sadd.s32 s2, s17  }
0x8e: {  	[smem:$0x3FC4] =	sst s2  }
0x8f: {  	_ = 	snop  }
0x90: {  	s2 =	sld [smem:$0x3FD0];
	(tm) =	ssettm $0x1  }
0x91: {  	s18 =	sld [smem:$0x3FFB];
	_ =	sdelay $0x3  }
0x92: {  	_ =	strace s18  }
0x93: {  	s3 =	sld [smem:$0x3FFC];
	_ =	sdelay $0x3  }
0x94: {  	_ =	strace s3  }
0x95: {  	s3 =	sld [smem:$0x3FFD];
	_ =	sdelay $0x3  }
0x96: {  	_ =	strace s3  }
0x97: {  	_ =	strace $0x8FFFFFFF  }
0x98: {  	s19 =	sld [smem:$0x3FDB];
	_ =	sdelay $0x1  }
0x99: {  	s4 =	simm.s32 $_scs_section_size  }
0x9a: {  	s5 =	simm.s32 $_size__tile_overlayer_lowered;
	s6 =	simm.s32 $_tile_overlayer_lowered  }
0x9b: {  	s22 =	simm.s32 $0x1BFF;
	s21 =	sshll.u32 s6, $0x1;
	s3 =	sadd.s32 s4, s19  }
0x9c: {  	s7 =	simm.s32 $0x0;
	s20 =	sshll.u32 s5, $0x1;
	s5 =	sadd.s32 s21, s3  }
0x9d: {  	[timem:s7], [sflag:s22] =	dma.local [hbm:s5], s20  }
0x9e: {  	_ =	swait.ge [sflag:s22], s20  }
0x9f: {  	s4 =	ssub.s32 $0x0, s20;
	[sflag:s22] =	ssyncset.done $0x0  }
0xa0: {  	[sflag:s22] =	ssyncadd.s32 s4;
	_ =	sdelay $0x1  }
0xa1: {  	s23 =	simm.s32 $0x1B8B  }
0xa2: {  	_ =	swait.ge [sflag:s23], $0x1  }
0xa3: {  	[sflag:s23] =	ssyncset.done $0x0  }
0xa4: {  	s25 =	simm.s32 $0x1B8E;
	s24 =	sld [smem:$0x3FFE];
	[sflag:s23] =	ssyncadd.s32 $0xFFFFFFFF  }
0xa5: {  	s26 =	simm.s32 $execute0_lowered;
	[smem:$0x3FD2] =	sst s25  }
0xa6: {  	s5 =	sshll.u32 s26, $0x1;
	_ =	strace $0x80000046;
	[dreg:$0x1] =	wrdreg $0xFFFFFFFF  }
0xa7: {  	s28 =	simm.s32 $_size_execute0_lowered;
	s3 =	sadd.s32 s3, s5;
	[dreg:$0x0] =	wrdreg $0x0  }
0xa8: {  	s5 =	sshll.u32 s28, $0x1;
	[dreg:$0x2] =	wrdreg s3  }
0xa9: {  	[dreg:$0x3] =	wrdreg s5  }
0xaa: {  	[dreg:$0x4] =	wrdreg $0xC0  }
0xab: {  	_ =	task [dreg:s7], $0x5FFFF  }
0xac: {  	[dreg:$0x1] =	wrdreg $0xFFFFFFFF  }
0xad: {  	[dreg:$0x0] =	wrdreg $0x60  }
0xae: {  	[dreg:$0x2] =	wrdreg s24  }
0xaf: {  	[dreg:$0x3] =	wrdreg s2  }
0xb0: {  	[dreg:$0x4] =	wrdreg $0x0  }
0xb1: {  	[dreg:$0x5] =	wrdreg $0x9  }
0xb2: {  	_ =	task.clear_ibuf [dreg:s7], $0x6FFFF;
	_ =	strace $0x90000046  }
0xb3: {  	s29 =	simm.s32 $0x9;
	_ =	strace $0x80000048  }
0xb4: {  	_ =	swait.ge [sflag:s29], $0x1  }
0xb5: {  	[sflag:s29] =	ssyncadd.s32 $0xFFFFFFFF  }
0xb6: {  	_ =	strace $0x90000048  }
0xb7: {  	_ =	sfence  }
0xb8: {  	s30 =	sld [smem:$0x0];
	_ =	sdelay $0x2  }
0xb9: {  	s31 =	sshll.u32 s1, $0xD;
	s1 =	sshrl.u32 s1, $0x2  }
0xba: {  	s3 =	sand.u32 $0x4000, s31;
	s1 =	sadd.s32 s1, s30  }
0xbb: {  	s0 =	sor.u32 s3, s0;
	s1 =	sshll.u32 s1, $0x11  }
0xbc: {  	s0 =	sor.u32 s1, s0  }
0xbd: {  	s0 =	sadd.s32 $0x8F2B, s0  }
0xbe: {  	[sflag:s0] =	ssyncadd.remote.s32 $0x1  }
0xbf: {  	_ =	sfence.sel $0xFFFF  }
0xc0: {  	[dreg:$0x0] =	wrdreg $0xFFFFFFFF;
	(pc) =	sbr.abs _section_cstart, $3  }
0xc1: {  	[dreg:$0x1] =	wrdreg $0xFFFFFFFF  }
0xc2: {  	_ =	task.clear_ibuf [dreg:s7], $0x2FFFF;
	_ =	strace $0x9FFFFFFF  }
0xc3: {  	(tm) =	ssettm $0x7FFFFFFF  }
tec
execute0_lowered:
.L_overlay_start_1:
0x0: {  	(tag) =	ssettag $0x1  }
0x1: {  	s5 =	rddreg [dreg:$0x0]  }
0x2: {  	s1 =	srdreg.scid;
	s7 =	rddreg [dreg:$0x1]  }
0x3: {  	s0 =	stileid.u32;
	s2 =	rddreg [dreg:$0x2]  }
0x4: {  	s3 =	simm.s32 $0x0;
	s14 =	simm.s32 $0x2;
	s15 =	simm.s32 $0x28  }
0x5: {  	s16 =	simm.s32 $0x2738;
	s17 =	simm.s32 $0x2760;
	s18 =	simm.s32 $0x2788  }
0x6: {  	s19 =	simm.s32 $0x27B0;
	s20 =	simm.s32 $0x1;
	s21 =	simm.s32 $0x3  }
0x7: {  	s22 =	simm.s32 $0x4;
	s23 =	simm.s32 $0x5;
	s26 =	simm.s32 $0x0  }
0x8: {  	s6 =	sand.u32 $0x1, s1;
	s30 =	sshll.u32 s0, $0x1;
	s8 =	smul.u32 $0xFA00, s0  }
0x9: {  	[smem:$0x7FF] =	sst s3;
	s11 =	smul.u32 $0x3E80, s0;
	p0 =	sgt.u32 s0, $0x9  }
0xa: {  	s1 =	sor.u32 s6, s30;
	s9 =	smul.u32 $0x27100, s6;
	s6 =	ssub.s32 $0x2, s6  }
0xb: {  	s24 =	sshll.u32 @!p0 s0, $0x6;
	s4 =	smul.u32 $0x4E2, s1;
	s1 =	rddreg [dreg:$0x3]  }
0xc: {  	_ =	strace $0x80000047;
	s12 =	sshrl.u32 s6, $0x1;
	s8 =	sshrl.u32 s8, $0x2  }
0xd: {  	s25 =	sadd.s32 s11, s2;
	s9 =	sadd.s32 s11, s9;
	s12 =	ssub.s32 s6, s12  }
0xe: {  	s13 =	sadd.s32 s8, s2;
	s11 =	simm.s32 $0x2710;
	s25 =	sshrl.u32 @!p0 s25, $0x3  }
0xf: {  	s10 =	sadd.s32 s4, s5;
	s4 =	sadd.s32 $0x15A00, s5;
	s5 =	sadd.s32 $0x15C00, s5  }
0x10: {  	s31 =	sshrl.u32 s9, $0x3;
	s8 =	smax.u32 s12, $0x1;
	s9 =	sor.u32 @!p0 $0x1C01, s24  }
0x11: {  	s12 =	simm.s32 $0x4E20;
	s24 =	sor.u32 @!p0 $0x1C06, s24;
	s6 =	sadd.s32 $0xBC00, s10  }
0x12: {  	s7 =	sadd.s32 s7, s31;
	s10 =	sshrl.u32 @!p0 s13, $0x3;
	s13 =	simm.s32 $0x6  }
.LBB2_1:
0x13: {  	[spmem:s10], [sflag:s9] =	dma.local @!p0 [hbm:s5], $0x7D0  }
0x14: {  	[tilespmem:s11], [sflag:$0x2] =	stream.linear.gather [hbm4b:s6+s3], $0x2710, $0x38;
	[tilespmem:$0x50A0] =	vst v63  }
0x15: {  	_ = 	snop  }
0x16: {  	[tilespmem:s12], [sflag:$0x6] =	stream.linear.gather [hbm4b:s4+s3], $0x280, $0x38;
	[tilespmem:$0x50A0] =	vst v63  }
0x17: {  	_ =	swait.ge [sflag:s13], $0x280  }
0x18: {  	[sflag:s13] =	ssyncset.done $0x0  }
0x19: {  	[sflag:s13] =	ssyncadd.s32 $0xFFFFFD80  }
0x1a: {  	_ =	swait.ge [sflag:s14], $0x2710  }
0x1b: {  	[sflag:s14] =	ssyncset.done $0x0  }
0x1c: {  	s28 =	simm.s32 @!p0 $0x1;
	[sflag:s14] =	ssyncadd.s32 $0xFFFFD8F0  }
0x1d: {  	_ =	swait.ge @!p0 [sflag:s28], $0x7D0  }
0x1e: {  	[sflag:s28] =	ssyncset.done @!p0 $0x0  }
0x1f: {  	[sflag:s28] =	ssyncadd.s32 @!p0 $0xFFFFF830  }
0x20: {  	[bflag:$0x0] =	sbarrier.arrive $0xFFFF  }
0x21: {  	[spmem:s2] =	stream.indirect.scatter.add.f32 [tilespmem:s12], [sflag:$0x1], $0x10, s11, s15, $0xb8;
	[tilespmem:$0x50A0] =	vst v63  }
0x22: {  	_ = 	snop  }
0x23: {  	[spmem:s2] =	stream.indirect.scatter.add.f32 [tilespmem:s12], [sflag:$0x2], $0x10, s16, s15, $0xb8;
	[tilespmem:$0x50A0] =	vst v63  }
0x24: {  	_ = 	snop  }
0x25: {  	[spmem:s2] =	stream.indirect.scatter.add.f32 [tilespmem:s12], [sflag:$0x3], $0x10, s17, s15, $0xb8;
	[tilespmem:$0x50A0] =	vst v63  }
0x26: {  	_ = 	snop  }
0x27: {  	[spmem:s2] =	stream.indirect.scatter.add.f32 [tilespmem:s12], [sflag:$0x4], $0x10, s18, s15, $0xb8;
	[tilespmem:$0x50A0] =	vst v63  }
0x28: {  	_ = 	snop  }
0x29: {  	[spmem:s2] =	stream.indirect.scatter.add.f32 [tilespmem:s12], [sflag:$0x5], $0x10, s19, s15, $0xb8;
	[tilespmem:$0x50A0] =	vst v63  }
0x2a: {  	_ =	swait.ge [sflag:s20], $0x280  }
0x2b: {  	[sflag:s20] =	ssyncset.done $0x0  }
0x2c: {  	s28 =	simm.s32 $0x27D8;
	[sflag:s20] =	ssyncadd.s32 $0xFFFFFD80  }
0x2d: {  	[spmem:s2] =	stream.indirect.scatter.add.f32 [tilespmem:s12], [sflag:$0x1], $0x10, s28, s15, $0xb8;
	[tilespmem:$0x50A0] =	vst v63  }
0x2e: {  	_ =	swait.ge [sflag:s14], $0x280  }
0x2f: {  	[sflag:s14] =	ssyncset.done $0x0  }
0x30: {  	s28 =	simm.s32 $0x2800;
	[sflag:s14] =	ssyncadd.s32 $0xFFFFFD80  }
0x31: {  	[spmem:s2] =	stream.indirect.scatter.add.f32 [tilespmem:s12], [sflag:$0x2], $0x10, s28, s15, $0xb8;
	[tilespmem:$0x50A0] =	vst v63  }
0x32: {  	_ =	swait.ge [sflag:s21], $0x280  }
0x33: {  	[sflag:s21] =	ssyncset.done $0x0  }
0x34: {  	s28 =	simm.s32 $0x2828;
	[sflag:s21] =	ssyncadd.s32 $0xFFFFFD80  }
0x35: {  	[spmem:s2] =	stream.indirect.scatter.add.f32 [tilespmem:s12], [sflag:$0x3], $0x10, s28, s15, $0xb8;
	[tilespmem:$0x50A0] =	vst v63  }
0x36: {  	_ =	swait.ge [sflag:s22], $0x280  }
0x37: {  	[sflag:s22] =	ssyncset.done $0x0  }
0x38: {  	s28 =	simm.s32 $0x2850;
	[sflag:s22] =	ssyncadd.s32 $0xFFFFFD80  }
0x39: {  	[spmem:s2] =	stream.indirect.scatter.add.f32 [tilespmem:s12], [sflag:$0x4], $0x10, s28, s15, $0xb8;
	[tilespmem:$0x50A0] =	vst v63  }
0x3a: {  	_ =	swait.ge [sflag:s23], $0x280  }
0x3b: {  	[sflag:s23] =	ssyncset.done $0x0  }
0x3c: {  	s29 =	simm.s32 $0x2878;
	s28 =	simm.s32 $0xFFFF6A00;
	[sflag:s23] =	ssyncadd.s32 $0xFFFFFD80  }
.LBB2_2:
0x3d: {  	[spmem:s2] =	stream.indirect.scatter.add.f32 [tilespmem:s12], [sflag:$0x5], $0x10, s29, s15, $0xb8;
	[tilespmem:$0x50A0] =	vst v63  }
0x3e: {  	s29 =	smov.u32 s28  }
0x3f: {  	p1 =	sne.s32 s28, $0xFFFFFCE0;
	s28 =	sadd.s32 $0x320, s28;
	_ =	swait.ge [sflag:s20], $0x280  }
0x40: {  	s29 =	sshra.s32 s29, $0x2;
	[sflag:s20] =	ssyncset.done $0x0  }
0x41: {  	s30 =	sadd.s32 $0x4E20, s29;
	[sflag:s20] =	ssyncadd.s32 $0xFFFFFD80  }
0x42: {  	[spmem:s2] =	stream.indirect.scatter.add.f32 [tilespmem:s12], [sflag:$0x1], $0x10, s30, s15, $0xb8;
	[tilespmem:$0x50A0] =	vst v63  }
0x43: {  	_ =	swait.ge [sflag:s14], $0x280  }
0x44: {  	[sflag:s14] =	ssyncset.done $0x0  }
0x45: {  	s30 =	sadd.s32 $0x4E48, s29;
	[sflag:s14] =	ssyncadd.s32 $0xFFFFFD80  }
0x46: {  	[spmem:s2] =	stream.indirect.scatter.add.f32 [tilespmem:s12], [sflag:$0x2], $0x10, s30, s15, $0xb8;
	[tilespmem:$0x50A0] =	vst v63  }
0x47: {  	_ =	swait.ge [sflag:s21], $0x280  }
0x48: {  	[sflag:s21] =	ssyncset.done $0x0  }
0x49: {  	s30 =	sadd.s32 $0x4E70, s29;
	[sflag:s21] =	ssyncadd.s32 $0xFFFFFD80  }
0x4a: {  	[spmem:s2] =	stream.indirect.scatter.add.f32 [tilespmem:s12], [sflag:$0x3], $0x10, s30, s15, $0xb8;
	[tilespmem:$0x50A0] =	vst v63  }
0x4b: {  	_ =	swait.ge [sflag:s22], $0x280  }
0x4c: {  	[sflag:s22] =	ssyncset.done $0x0  }
.Ltmp0:
0x4d: {  	s30 =	sadd.s32 $0x4E98, s29;
	[sflag:s22] =	ssyncadd.s32 $0xFFFFFD80;
	(pc) =	sbr.rel @p1 .LBB2_2-.Ltmp0, $4  }
0x4e: {  	[spmem:s2] =	stream.indirect.scatter.add.f32 [tilespmem:s12], [sflag:$0x4], $0x10, s30, s15, $0xb8;
	[tilespmem:$0x50A0] =	vst v63  }
0x4f: {  	_ =	swait.ge [sflag:s23], $0x280  }
0x50: {  	[sflag:s23] =	ssyncset.done $0x0  }
0x51: {  	s29 =	sadd.s32 $0x4EC0, s29;
	[sflag:s23] =	ssyncadd.s32 $0xFFFFFD80  }
0x52: {  	[spmem:s2] =	stream.indirect.scatter.add.f32 [tilespmem:s12], [sflag:$0x5], $0x10, s29, s15, $0xb8;
	[tilespmem:$0x50A0] =	vst v63  }
0x53: {  	_ =	swait.ge [sflag:s20], $0x280  }
0x54: {  	[sflag:s20] =	ssyncset.done $0x0  }
0x55: {  	[sflag:s20] =	ssyncadd.s32 $0xFFFFFD80  }
0x56: {  	_ =	swait.ge [sflag:s14], $0x280  }
0x57: {  	[sflag:s14] =	ssyncset.done $0x0  }
0x58: {  	[sflag:s14] =	ssyncadd.s32 $0xFFFFFD80  }
0x59: {  	_ =	swait.ge [sflag:s21], $0x280  }
0x5a: {  	[sflag:s21] =	ssyncset.done $0x0  }
0x5b: {  	[sflag:s21] =	ssyncadd.s32 $0xFFFFFD80  }
0x5c: {  	_ =	swait.ge [sflag:s22], $0x280  }
0x5d: {  	[sflag:s22] =	ssyncset.done $0x0  }
0x5e: {  	[sflag:s22] =	ssyncadd.s32 $0xFFFFFD80  }
0x5f: {  	_ =	swait.ge [sflag:s23], $0x280  }
0x60: {  	s26 =	sadd.s32 $0x1, s26;
	[sflag:s23] =	ssyncset.done $0x0  }
0x61: {  	p1 =	sne.s32 s26, s8;
	[sflag:s23] =	ssyncadd.s32 $0xFFFFFD80  }
.Ltmp1:
0x62: {  	s28 =	simm.s32 @!p0 $0x6;
	[bflag:$0x0] =	sbarrier.arrive $0xFFFF;
	(pc) =	sbr.rel @p1 .LBB2_1-.Ltmp1, $4  }
0x63: {  	[hbm:s7], [sflag:s24] =	dma.local @!p0 [spmem:s25], $0x7D0  }
0x64: {  	_ =	swait.ge @!p0 [sflag:s28], $0x7D0  }
0x65: {  	[sflag:s28] =	ssyncset.done @!p0 $0x0  }
0x66: {  	[sflag:s28] =	ssyncadd.s32 @!p0 $0xFFFFF830  }
0x67: {  	_ =	sfence.sel $0x180000  }
0x68: {  	[bflag:$0x0] =	sbarrier.arrive $0xFFFF  }
0x69: {  	p0 =	sne.s32 s0, $0x0;
	_ =	strace $0x90000047  }
0x6a: {  	s0 =	sadd.s32 @!p0 $0x100000, s1;
	[bflag:$0x2] =	sbarrier.arrive $0xFFFF  }
0x6b: {  	[sflag:s0] =	ssyncadd.tile.s32 @!p0 $0x1;
	_ =	shalt  }
.Lfunc_end2:
_tile_overlayer_lowered:
.L_overlay_start_2:
0x6c: {  	(tag) =	ssettag $0x2  }
0x6d: {  	s0 =	rddreg [dreg:$0x0];
	s2 =	stileid.u32  }
0x6e: {  	s1 =	rddreg [dreg:$0x1];
	p0 =	sne.s32 s2, $0x0  }
0x6f: {  	s3 =	rddreg [dreg:$0x2];
	[bflag:$0x3] =	sbarrier.arrive $0xFFFF;
	s2 =	simm.s32 @!p0 $0x1C06  }
0x70: {  	[timem:s3], [sflag:s2] =	dma.local @!p0 [hbm:s0], s1  }
0x71: {  	s0 =	simm.s32 @!p0 $0x6  }
0x72: {  	_ =	swait.ge @!p0 [sflag:s0], s1  }
0x73: {  	s1 =	ssub.s32 @!p0 $0x0, s1;
	[sflag:s0] =	ssyncset.done @!p0 $0x0  }
0x74: {  	[sflag:s0] =	ssyncadd.s32 @!p0 s1  }
0x75: {  	[bflag:$0x3] =	sbarrier.arrive $0xFFFF  }
0x76: {  	_ =	shalt  }

// kernel: kernel.13.cloned.1.call-start
scs
__scs_entry_jumppad:
0x0: {  	(pc) =	sbr.rel $0x88, $3  }
0x1: {  	(tag) =	ssettag $0x0;
	lr =	simm.s32 $0x1  }
0x2: {  	[smem:$0x3F9D] =	sst lr;
	_ =	strace $0xD0000000  }
0x3: {  	_ = 	snop  }
0x4: {  	_ = 	snop  }
0x5: {  	_ = 	snop  }
0x6: {  	_ = 	snop  }
0x7: {  	_ = 	snop  }
__scs_overlays_trampoline_lowered:
0x8: {  	[smem:$0x3FAC] =	sst s0  }
0x9: {  	[smem:$0x3FAD] =	sst s1  }
0xa: {  	[smem:$0x3FAE] =	sst s2  }
0xb: {  	[smem:$0x3FAF] =	sst s3  }
0xc: {  	[smem:$0x3FB0] =	sst s4  }
0xd: {  	[smem:$0x3FB1] =	sst s5  }
0xe: {  	[smem:$0x3FB2] =	sst s6  }
0xf: {  	[smem:$0x3FB3] =	sst s7  }
0x10: {  	[smem:$0x3FB4] =	sst s8  }
0x11: {  	[smem:$0x3FB5] =	sst s9;
	s0 =	simm.s32 @!p0 $0x0  }
0x12: {  	s1 =	sld [smem:$0x3F9B];
	s0 =	simm.s32 @p0 $0x1  }
0x13: {  	[smem:$0x3FB6] =	sst s0;
	s0 =	simm.s32 @!p1 $0x0  }
0x14: {  	s2 =	sld [smem:$0x3F9A];
	s0 =	simm.s32 @p1 $0x1  }
0x15: {  	[smem:$0x3FB7] =	sst s0;
	s0 =	simm.s32 @!p2 $0x0  }
0x16: {  	s3 =	sld [smem:$0x3FDB];
	s0 =	simm.s32 @p2 $0x1  }
0x17: {  	s4 =	simm.s32 $0x1BF5;
	[smem:$0x3FB9] =	sst s0  }
0x18: {  	s0 =	sld [smem:$0x3F9C];
	_ =	swait.ge [sflag:s4], $0x0  }
0x19: {  	s7 =	sld [smem:$0x3F9D]  }
0x1a: {  	s8 =	sadd.s32 $0xFFFFE003, lr  }
0x1b: {  	s9 =	sadd.s32 $0xFFFFFEF7, lr;
	s5 =	simm.s32 $0xFFFFFFFF;
	p2 =	slt.u32 s8, $0xFFFFF086  }
0x1c: {  	p1 =	slt.u32 s9, $0xF7A;
	s5 =	simm.s32 @!p2 $0x0  }
0x1d: {  	s5 =	simm.s32 @p1 $0x1;
	p0 =	seq.s32 s7, s2  }
0x1e: {  	s7 =	smul.u32 @!p0 $0xF7A, s2;
	p2 =	seq.s32 @!p0 s5, $0x0  }
0x1f: {  	s9 =	smul.u32 $0xF7A, s1;
	s8 =	simm.s32 @!p0 $0x1BF5;
	p2 =	por !p2, p0  }
0x20: {  	[sflag:s8] =	ssyncset.s32 @!p0 $0xFFFFF086;
	s6 =	sadd.s32 @!p0 s3, s7;
	s7 =	simm.s32 @!p0 $0x108  }
0x21: {  	s3 =	sadd.s32 s3, s9;
	s6 =	sadd.s32 @!p0 $0x88, s6;
	s7 =	simm.s32 @p2 $0x1082  }
0x22: {  	[simem:s7], [sflag:s8] =	dma.local @!p0 [hbm:s6], $0xF7A  }
0x23: {  	s9 =	sor.u32 $0xD0000000, s2;
	s6 =	simm.s32 $0x108;
	_ =	swait.ge @!p0 [sflag:s8], $0x0  }
0x24: {  	s3 =	sadd.s32 $0x88, s3;
	s6 =	simm.s32 @!p1 $0x1082;
	[sflag:s4] =	ssyncset.s32 $0xFFFFF086  }
0x25: {  	[simem:s6], [sflag:s4] =	dma.local [hbm:s3], $0xF7A  }
0x26: {  	[smem:$0x3F9D] =	sst s1;
	(tag) =	ssettag s2;
	_ =	strace s9  }
0x27: {  	s1 =	sld [smem:$0x3FAD]  }
0x28: {  	s2 =	sld [smem:$0x3FAE]  }
0x29: {  	s4 =	sld [smem:$0x3FB0]  }
0x2a: {  	p0 =	seq.s32 s5, $0x0;
	s5 =	sld [smem:$0x3FB1]  }
0x2b: {  	s6 =	sld [smem:$0x3FB2]  }
0x2c: {  	s7 =	sld [smem:$0x3FB3]  }
0x2d: {  	s3 =	simm.s32 $0x108;
	s8 =	sld [smem:$0x3FB4]  }
0x2e: {  	s3 =	simm.s32 @!p0 $0x1082;
	s9 =	sld [smem:$0x3FB5]  }
0x2f: {  	lr =	sadd.s32 s0, s3;
	s0 =	sld [smem:$0x3FAC]  }
0x30: {  	s3 =	sld [smem:$0x3FAF]  }
0x31: {  	[smem:$0x3FB8] =	sst s10  }
0x32: {  	s10 =	sld [smem:$0x3FB6];
	_ =	sdelay $0x3  }
0x33: {  	p0 =	seq.s32 s10, $0x1;
	s10 =	sld [smem:$0x3FB8];
	_ =	sdelay $0x3  }
0x34: {  	[smem:$0x3FB8] =	sst s10  }
0x35: {  	s10 =	sld [smem:$0x3FB7];
	_ =	sdelay $0x3  }
0x36: {  	p1 =	seq.s32 s10, $0x1;
	s10 =	sld [smem:$0x3FB8];
	_ =	sdelay $0x3  }
0x37: {  	[smem:$0x3FB8] =	sst s10  }
0x38: {  	s10 =	sld [smem:$0x3FB9]  }
0x39: {  	_ = 	snop;
	(pc) =	sbr.ind lr, $3  }
0x3a: {  	_ = 	snop  }
0x3b: {  	_ = 	snop  }
0x3c: {  	p2 =	seq.s32 s10, $0x1;
	s10 =	sld [smem:$0x3FB8]  }
0x3d: {  	_ =	shalt  }
0x3e: {  	_ =	shalt  }
0x3f: {  	_ =	shalt  }
0x40: {  	_ =	shalt  }
0x41: {  	_ =	shalt  }
0x42: {  	_ =	shalt  }
0x43: {  	_ =	shalt  }
0x44: {  	_ =	shalt  }
0x45: {  	_ =	shalt  }
0x46: {  	_ =	shalt  }
0x47: {  	_ =	shalt  }
0x48: {  	_ =	shalt  }
0x49: {  	_ =	shalt  }
0x4a: {  	_ =	shalt  }
0x4b: {  	_ =	shalt  }
0x4c: {  	_ =	shalt  }
0x4d: {  	_ =	shalt  }
0x4e: {  	_ =	shalt  }
0x4f: {  	_ =	shalt  }
0x50: {  	_ =	shalt  }
0x51: {  	_ =	shalt  }
0x52: {  	_ =	shalt  }
0x53: {  	_ =	shalt  }
0x54: {  	_ =	shalt  }
0x55: {  	_ =	shalt  }
0x56: {  	_ =	shalt  }
0x57: {  	_ =	shalt  }
0x58: {  	_ =	shalt  }
0x59: {  	_ =	shalt  }
0x5a: {  	_ =	shalt  }
0x5b: {  	_ =	shalt  }
0x5c: {  	_ =	shalt  }
0x5d: {  	_ =	shalt  }
0x5e: {  	_ =	shalt  }
0x5f: {  	_ =	shalt  }
0x60: {  	_ =	shalt  }
0x61: {  	_ =	shalt  }
0x62: {  	_ =	shalt  }
0x63: {  	_ =	shalt  }
0x64: {  	_ =	shalt  }
0x65: {  	_ =	shalt  }
0x66: {  	_ =	shalt  }
0x67: {  	_ =	shalt  }
0x68: {  	_ =	shalt  }
0x69: {  	_ =	shalt  }
0x6a: {  	_ =	shalt  }
0x6b: {  	_ =	shalt  }
0x6c: {  	_ =	shalt  }
0x6d: {  	_ =	shalt  }
0x6e: {  	_ =	shalt  }
0x6f: {  	_ =	shalt  }
0x70: {  	_ =	shalt  }
0x71: {  	_ =	shalt  }
0x72: {  	_ =	shalt  }
0x73: {  	_ =	shalt  }
0x74: {  	_ =	shalt  }
0x75: {  	_ =	shalt  }
0x76: {  	_ =	shalt  }
0x77: {  	_ =	shalt  }
0x78: {  	_ =	shalt  }
0x79: {  	_ =	shalt  }
0x7a: {  	_ =	shalt  }
0x7b: {  	_ =	shalt  }
0x7c: {  	_ =	shalt  }
0x7d: {  	_ =	shalt  }
0x7e: {  	_ =	shalt  }
0x7f: {  	_ =	shalt  }
0x80: {  	_ =	shalt  }
0x81: {  	_ =	shalt  }
0x82: {  	_ =	shalt  }
0x83: {  	_ =	shalt  }
0x84: {  	_ =	shalt  }
0x85: {  	_ =	shalt  }
0x86: {  	_ =	shalt  }
0x87: {  	_ =	shalt  }
.Lfunc_end0:
.L_simem_size_0:
called_computation.1_lowered:
.L_overlay_start_0:
0x88: {  	s2 =	sld [smem:$0x3FD9]  }
0x89: {  	s3 =	sld [smem:$0x3FFE];
	_ =	sdelay $0x1  }
0x8a: {  	s1 =	srdreg.scid  }
0x8b: {  	s0 =	sand.u32 $0x1, s1  }
0x8c: {  	s17 =	sshll.u32 s0, $0xA;
	s2 =	sadd.s32 s3, s2  }
0x8d: {  	s2 =	sadd.s32 s2, s17  }
0x8e: {  	[smem:$0x3FC4] =	sst s2  }
0x8f: {  	_ = 	snop  }
0x90: {  	s2 =	sld [smem:$0x3FD0];
	(tm) =	ssettm $0x1  }
0x91: {  	s18 =	sld [smem:$0x3FFB];
	_ =	sdelay $0x3  }
0x92: {  	_ =	strace s18  }
0x93: {  	s3 =	sld [smem:$0x3FFC];
	_ =	sdelay $0x3  }
0x94: {  	_ =	strace s3  }
0x95: {  	s3 =	sld [smem:$0x3FFD];
	_ =	sdelay $0x3  }
0x96: {  	_ =	strace s3  }
0x97: {  	_ =	strace $0x8FFFFFFF  }
0x98: {  	s19 =	sld [smem:$0x3FDB];
	_ =	sdelay $0x1  }
0x99: {  	s4 =	simm.s32 $_scs_section_size  }
0x9a: {  	s5 =	simm.s32 $_size__tile_overlayer_lowered;
	s6 =	simm.s32 $_tile_overlayer_lowered  }
0x9b: {  	s22 =	simm.s32 $0x1BFF;
	s21 =	sshll.u32 s6, $0x1;
	s3 =	sadd.s32 s4, s19  }
0x9c: {  	s7 =	simm.s32 $0x0;
	s20 =	sshll.u32 s5, $0x1;
	s5 =	sadd.s32 s21, s3  }
0x9d: {  	[timem:s7], [sflag:s22] =	dma.local [hbm:s5], s20  }
0x9e: {  	_ =	swait.ge [sflag:s22], s20  }
0x9f: {  	s4 =	ssub.s32 $0x0, s20;
	[sflag:s22] =	ssyncset.done $0x0  }
0xa0: {  	[sflag:s22] =	ssyncadd.s32 s4;
	_ =	sdelay $0x1  }
0xa1: {  	s23 =	simm.s32 $0x1B8B  }
0xa2: {  	_ =	swait.ge [sflag:s23], $0x1  }
0xa3: {  	[sflag:s23] =	ssyncset.done $0x0  }
0xa4: {  	s25 =	simm.s32 $0x1B8E;
	s24 =	sld [smem:$0x3FFE];
	[sflag:s23] =	ssyncadd.s32 $0xFFFFFFFF  }
0xa5: {  	s26 =	simm.s32 $execute0_lowered;
	[smem:$0x3FD2] =	sst s25  }
0xa6: {  	s5 =	sshll.u32 s26, $0x1;
	_ =	strace $0x80000049;
	[dreg:$0x1] =	wrdreg $0xFFFFFFFF  }
0xa7: {  	s28 =	simm.s32 $_size_execute0_lowered;
	s3 =	sadd.s32 s3, s5;
	[dreg:$0x0] =	wrdreg $0x0  }
0xa8: {  	s5 =	sshll.u32 s28, $0x1;
	[dreg:$0x2] =	wrdreg s3  }
0xa9: {  	[dreg:$0x3] =	wrdreg s5  }
0xaa: {  	[dreg:$0x4] =	wrdreg $0xC0  }
0xab: {  	_ =	task [dreg:s7], $0x5FFFF  }
0xac: {  	[dreg:$0x1] =	wrdreg $0xFFFFFFFF  }
0xad: {  	[dreg:$0x0] =	wrdreg $0x60  }
0xae: {  	[dreg:$0x2] =	wrdreg s2  }
0xaf: {  	[dreg:$0x3] =	wrdreg s24  }
0xb0: {  	[dreg:$0x4] =	wrdreg $0x0  }
0xb1: {  	[dreg:$0x5] =	wrdreg $0x9  }
0xb2: {  	_ =	task.clear_ibuf [dreg:s7], $0x6FFFF;
	_ =	strace $0x90000049  }
0xb3: {  	s29 =	simm.s32 $0x9;
	_ =	strace $0x8000004B  }
0xb4: {  	_ =	swait.ge [sflag:s29], $0x1  }
0xb5: {  	[sflag:s29] =	ssyncadd.s32 $0xFFFFFFFF  }
0xb6: {  	_ =	strace $0x9000004B  }
0xb7: {  	_ =	sfence  }
0xb8: {  	s30 =	sld [smem:$0x0];
	_ =	sdelay $0x2  }
0xb9: {  	s31 =	sshll.u32 s1, $0xD;
	s1 =	sshrl.u32 s1, $0x2  }
0xba: {  	s3 =	sand.u32 $0x4000, s31;
	s1 =	sadd.s32 s1, s30  }
0xbb: {  	s0 =	sor.u32 s3, s0;
	s1 =	sshll.u32 s1, $0x11  }
0xbc: {  	s0 =	sor.u32 s1, s0  }
0xbd: {  	s0 =	sadd.s32 $0x8F2B, s0  }
0xbe: {  	[sflag:s0] =	ssyncadd.remote.s32 $0x1  }
0xbf: {  	_ =	sfence.sel $0xFFFF  }
0xc0: {  	[dreg:$0x0] =	wrdreg $0xFFFFFFFF;
	(pc) =	sbr.abs _section_cstart, $3  }
0xc1: {  	[dreg:$0x1] =	wrdreg $0xFFFFFFFF  }
0xc2: {  	_ =	task.clear_ibuf [dreg:s7], $0x2FFFF;
	_ =	strace $0x9FFFFFFF  }
0xc3: {  	(tm) =	ssettm $0x7FFFFFFF  }
tec
execute0_lowered:
.L_overlay_start_1:
0x0: {  	(tag) =	ssettag $0x1  }
0x1: {  	s1 =	rddreg [dreg:$0x0]  }
0x2: {  	s0 =	srdreg.scid;
	s4 =	rddreg [dreg:$0x1]  }
0x3: {  	s10 =	stileid.u32;
	s3 =	rddreg [dreg:$0x2]  }
0x4: {  	s6 =	simm.s32 $0x0;
	s13 =	simm.s32 $0x13880;
	s14 =	simm.s32 $0x15F90  }
0x5: {  	s15 =	simm.s32 $0x7;
	s16 =	simm.s32 $0x28;
	s17 =	simm.s32 $0x186A0  }
0x6: {  	s19 =	simm.s32 $0x19AA0;
	s21 =	simm.s32 $0x1AEA0;
	s23 =	simm.s32 $0x1C2A0  }
0x7: {  	s28 =	simm.s32 $0x1D6A0;
	s29 =	simm.s32 $0x1;
	s30 =	simm.s32 $0x6  }
0x8: {  	s20 =	simm.s32 $0x3;
	s31 =	simm.s32 $0x4;
	s18 =	simm.s32 $0x9  }
0x9: {  	s22 =	simm.s32 $0xA;
	s0 =	sand.u32 $0x1, s0;
	s9 =	smul.u32 $0x1F400, s10  }
0xa: {  	s2 =	sshll.u32 s10, $0x1;
	[smem:$0x7FF] =	sst s6;
	s24 =	smul.u32 $0x7D000, s10  }
0xb: {  	s7 =	sadd.s32 $0x63C00, s4;
	p0 =	sgt.u32 s10, $0x9;
	s2 =	sor.u32 s0, s2  }
0xc: {  	s5 =	smul.u32 $0x138800, s0;
	_ =	strace $0x8000004A;
	[dreg:$0x4] =	wrdreg s7  }
0xd: {  	s0 =	ssub.s32 $0x2, s0;
	s10 =	sshll.u32 @!p0 s10, $0x6;
	s2 =	smul.u32 $0x4E2, s2  }
0xe: {  	s25 =	sshrl.u32 s0, $0x1;
	s6 =	sshrl.u32 s24, $0x2;
	s5 =	sadd.s32 s9, s5  }
0xf: {  	s11 =	sor.u32 @!p0 $0x1C06, s10;
	s24 =	simm.s32 $0x8;
	s5 =	sshrl.u32 s5, $0x3  }
0x10: {  	s0 =	ssub.s32 s0, s25;
	s2 =	sadd.s32 s2, s4;
	s4 =	sadd.s32 s5, s4  }
0x11: {  	s5 =	sadd.s32 s6, s3;
	s26 =	sadd.s32 $0x1E00, s2;
	s7 =	sadd.s32 $0xBC00, s2  }
0x12: {  	s2 =	sadd.s32 s9, s3;
	s9 =	smax.u32 s0, $0x1;
	s0 =	simm.s32 $0x0  }
0x13: {  	[dreg:$0x5] =	wrdreg s26;
	s8 =	sadd.s32 $0x67C00, s4;
	s12 =	sshrl.u32 @!p0 s5, $0x3  }
0x14: {  	s25 =	sshrl.u32 @!p0 s2, $0x3;
	s2 =	simm.s32 $0x2;
	s26 =	simm.s32 $0x5  }
.LBB2_1:
0x15: {  	s4 =	rddreg [dreg:$0x4]  }
0x16: {  	[spmem:s12], [sflag:s11] =	dma.local @!p0 [hbm:s4], $0x3E80  }
0x17: {  	s6 =	simm.s32 $0x0;
	s5 =	rddreg [dreg:$0x5]  }
0x18: {  	[tilespmem:s13], [sflag:$0x7] =	stream.linear.gather [hbm4b:s5+s6], $0x2710, $0x38;
	[tilespmem:$0x1EAA0] =	vst v63  }
0x19: {  	_ = 	snop  }
0x1a: {  	[tilespmem:s14], [sflag:$0x8] =	stream.linear.gather [hbm4b:s7+s6], $0x2710, $0x38;
	[tilespmem:$0x1EAA0] =	vst v63  }
0x1b: {  	_ =	swait.ge [sflag:s15], $0x2710  }
0x1c: {  	[sflag:s15] =	ssyncset.done $0x0  }
0x1d: {  	[sflag:s15] =	ssyncadd.s32 $0xFFFFD8F0  }
0x1e: {  	[tilespmem:s17], [sflag:$0x1] =	stream.indirect.gather [hbm4b:s1+s16], $0x80, s13, s16, $0xb8;
	[tilespmem:$0x1EAA0] =	vst v63  }
0x1f: {  	s6 =	simm.s32 $0x138A8  }
0x20: {  	[tilespmem:s19], [sflag:$0x2] =	stream.indirect.gather [hbm4b:s1+s16], $0x80, s6, s16, $0xb8;
	[tilespmem:$0x1EAA0] =	vst v63  }
0x21: {  	s5 =	simm.s32 $0x138D0  }
0x22: {  	[tilespmem:s21], [sflag:$0x3] =	stream.indirect.gather [hbm4b:s1+s16], $0x80, s5, s16, $0xb8;
	[tilespmem:$0x1EAA0] =	vst v63  }
0x23: {  	s6 =	simm.s32 $0x138F8  }
0x24: {  	[tilespmem:s23], [sflag:$0x4] =	stream.indirect.gather [hbm4b:s1+s16], $0x80, s6, s16, $0xb8;
	[tilespmem:$0x1EAA0] =	vst v63  }
0x25: {  	_ =	swait.ge [sflag:s24], $0x2710  }
0x26: {  	[sflag:s24] =	ssyncset.done $0x0  }
0x27: {  	s4 =	simm.s32 @!p0 $0x6;
	[sflag:s24] =	ssyncadd.s32 $0xFFFFD8F0  }
0x28: {  	_ =	swait.ge @!p0 [sflag:s4], $0x3E80  }
0x29: {  	[sflag:s4] =	ssyncset.done @!p0 $0x0  }
0x2a: {  	[sflag:s4] =	ssyncadd.s32 @!p0 $0xFFFFC180  }
0x2b: {  	s5 =	simm.s32 $0x13920;
	[bflag:$0x0] =	sbarrier.arrive $0xFFFF  }
0x2c: {  	[tilespmem:s28], [sflag:$0x5] =	stream.indirect.gather [hbm4b:s1+s16], $0x80, s5, s16, $0xb8;
	[tilespmem:$0x1EAA0] =	vst v63  }
0x2d: {  	_ =	swait.ge [sflag:s29], $0x1400  }
0x2e: {  	[sflag:s29] =	ssyncset.done $0x0  }
0x2f: {  	[sflag:s29] =	ssyncadd.s32 $0xFFFFEC00  }
0x30: {  	[spmem:s3] =	stream.indirect.scatter.add.f32 [tilespmem:s17], [sflag:$0x6], $0x80, s14, s16, $0xb8;
	[tilespmem:$0x1EAA0] =	vst v63  }
0x31: {  	_ =	swait.ge [sflag:s30], $0x1400  }
0x32: {  	[sflag:s30] =	ssyncset.done $0x0  }
0x33: {  	s6 =	simm.s32 $0x13948;
	[sflag:s30] =	ssyncadd.s32 $0xFFFFEC00  }
0x34: {  	[tilespmem:s17], [sflag:$0x1] =	stream.indirect.gather [hbm4b:s1+s16], $0x80, s6, s16, $0xb8;
	[tilespmem:$0x1EAA0] =	vst v63  }
0x35: {  	_ =	swait.ge [sflag:s2], $0x1400  }
0x36: {  	[sflag:s2] =	ssyncset.done $0x0  }
0x37: {  	s5 =	simm.s32 $0x15FB8;
	[sflag:s2] =	ssyncadd.s32 $0xFFFFEC00  }
0x38: {  	[spmem:s3] =	stream.indirect.scatter.add.f32 [tilespmem:s19], [sflag:$0x7], $0x80, s5, s16, $0xb8;
	[tilespmem:$0x1EAA0] =	vst v63  }
0x39: {  	_ =	swait.ge [sflag:s15], $0x1400  }
0x3a: {  	[sflag:s15] =	ssyncset.done $0x0  }
0x3b: {  	s6 =	simm.s32 $0x13970;
	[sflag:s15] =	ssyncadd.s32 $0xFFFFEC00  }
0x3c: {  	[tilespmem:s19], [sflag:$0x2] =	stream.indirect.gather [hbm4b:s1+s16], $0x80, s6, s16, $0xb8;
	[tilespmem:$0x1EAA0] =	vst v63  }
0x3d: {  	_ =	swait.ge [sflag:s20], $0x1400  }
0x3e: {  	[sflag:s20] =	ssyncset.done $0x0  }
0x3f: {  	s5 =	simm.s32 $0x15FE0;
	[sflag:s20] =	ssyncadd.s32 $0xFFFFEC00  }
0x40: {  	[spmem:s3] =	stream.indirect.scatter.add.f32 [tilespmem:s21], [sflag:$0x8], $0x80, s5, s16, $0xb8;
	[tilespmem:$0x1EAA0] =	vst v63  }
0x41: {  	_ =	swait.ge [sflag:s24], $0x1400  }
0x42: {  	[sflag:s24] =	ssyncset.done $0x0  }
0x43: {  	s6 =	simm.s32 $0x13998;
	[sflag:s24] =	ssyncadd.s32 $0xFFFFEC00  }
0x44: {  	[tilespmem:s21], [sflag:$0x3] =	stream.indirect.gather [hbm4b:s1+s16], $0x80, s6, s16, $0xb8;
	[tilespmem:$0x1EAA0] =	vst v63  }
0x45: {  	_ =	swait.ge [sflag:s31], $0x1400  }
0x46: {  	[sflag:s31] =	ssyncset.done $0x0  }
0x47: {  	s5 =	simm.s32 $0x16008;
	[sflag:s31] =	ssyncadd.s32 $0xFFFFEC00  }
0x48: {  	[spmem:s3] =	stream.indirect.scatter.add.f32 [tilespmem:s23], [sflag:$0x9], $0x80, s5, s16, $0xb8;
	[tilespmem:$0x1EAA0] =	vst v63  }
0x49: {  	_ =	swait.ge [sflag:s18], $0x1400  }
0x4a: {  	[sflag:s18] =	ssyncset.done $0x0  }
0x4b: {  	s6 =	simm.s32 $0x139C0;
	[sflag:s18] =	ssyncadd.s32 $0xFFFFEC00  }
0x4c: {  	[tilespmem:s23], [sflag:$0x4] =	stream.indirect.gather [hbm4b:s1+s16], $0x80, s6, s16, $0xb8;
	[tilespmem:$0x1EAA0] =	vst v63  }
0x4d: {  	_ =	swait.ge [sflag:s26], $0x1400  }
0x4e: {  	[sflag:s26] =	ssyncset.done $0x0  }
0x4f: {  	s5 =	simm.s32 $0x16030;
	[sflag:s26] =	ssyncadd.s32 $0xFFFFEC00  }
0x50: {  	[spmem:s3] =	stream.indirect.scatter.add.f32 [tilespmem:s28], [sflag:$0xA], $0x80, s5, s16, $0xb8;
	[tilespmem:$0x1EAA0] =	vst v63  }
0x51: {  	_ =	swait.ge [sflag:s22], $0x1400  }
0x52: {  	[sflag:s22] =	ssyncset.done $0x0  }
0x53: {  	s6 =	simm.s32 $0x139E8;
	[sflag:s22] =	ssyncadd.s32 $0xFFFFEC00  }
0x54: {  	[tilespmem:s28], [sflag:$0x5] =	stream.indirect.gather [hbm4b:s1+s16], $0x80, s6, s16, $0xb8;
	[tilespmem:$0x1EAA0] =	vst v63  }
0x55: {  	_ =	swait.ge [sflag:s29], $0x1400  }
0x56: {  	[sflag:s29] =	ssyncset.done $0x0  }
0x57: {  	s5 =	simm.s32 $0x16058;
	[sflag:s29] =	ssyncadd.s32 $0xFFFFEC00  }
0x58: {  	[spmem:s3] =	stream.indirect.scatter.add.f32 [tilespmem:s17], [sflag:$0x6], $0x80, s5, s16, $0xb8;
	[tilespmem:$0x1EAA0] =	vst v63  }
0x59: {  	_ =	swait.ge [sflag:s30], $0x1400  }
0x5a: {  	[sflag:s30] =	ssyncset.done $0x0  }
0x5b: {  	s6 =	simm.s32 $0x13A10;
	[sflag:s30] =	ssyncadd.s32 $0xFFFFEC00  }
0x5c: {  	[tilespmem:s17], [sflag:$0x1] =	stream.indirect.gather [hbm4b:s1+s16], $0x80, s6, s16, $0xb8;
	[tilespmem:$0x1EAA0] =	vst v63  }
0x5d: {  	_ =	swait.ge [sflag:s2], $0x1400  }
0x5e: {  	[sflag:s2] =	ssyncset.done $0x0  }
0x5f: {  	s5 =	simm.s32 $0x16080;
	[sflag:s2] =	ssyncadd.s32 $0xFFFFEC00  }
0x60: {  	[spmem:s3] =	stream.indirect.scatter.add.f32 [tilespmem:s19], [sflag:$0x7], $0x80, s5, s16, $0xb8;
	[tilespmem:$0x1EAA0] =	vst v63  }
0x61: {  	_ =	swait.ge [sflag:s15], $0x1400  }
0x62: {  	[sflag:s15] =	ssyncset.done $0x0  }
0x63: {  	s6 =	simm.s32 $0x13A38;
	[sflag:s15] =	ssyncadd.s32 $0xFFFFEC00  }
0x64: {  	[tilespmem:s19], [sflag:$0x2] =	stream.indirect.gather [hbm4b:s1+s16], $0x80, s6, s16, $0xb8;
	[tilespmem:$0x1EAA0] =	vst v63  }
0x65: {  	_ =	swait.ge [sflag:s20], $0x1400  }
0x66: {  	[sflag:s20] =	ssyncset.done $0x0  }
0x67: {  	s5 =	simm.s32 $0x160A8;
	[sflag:s20] =	ssyncadd.s32 $0xFFFFEC00  }
0x68: {  	[spmem:s3] =	stream.indirect.scatter.add.f32 [tilespmem:s21], [sflag:$0x8], $0x80, s5, s16, $0xb8;
	[tilespmem:$0x1EAA0] =	vst v63  }
0x69: {  	_ =	swait.ge [sflag:s24], $0x1400  }
0x6a: {  	[sflag:s24] =	ssyncset.done $0x0  }
0x6b: {  	s6 =	simm.s32 $0x13A60;
	[sflag:s24] =	ssyncadd.s32 $0xFFFFEC00  }
0x6c: {  	[tilespmem:s21], [sflag:$0x3] =	stream.indirect.gather [hbm4b:s1+s16], $0x80, s6, s16, $0xb8;
	[tilespmem:$0x1EAA0] =	vst v63  }
0x6d: {  	_ =	swait.ge [sflag:s31], $0x1400  }
0x6e: {  	[sflag:s31] =	ssyncset.done $0x0  }
0x6f: {  	s5 =	simm.s32 $0x160D0;
	[sflag:s31] =	ssyncadd.s32 $0xFFFFEC00  }
0x70: {  	[spmem:s3] =	stream.indirect.scatter.add.f32 [tilespmem:s23], [sflag:$0x9], $0x80, s5, s16, $0xb8;
	[tilespmem:$0x1EAA0] =	vst v63  }
0x71: {  	_ =	swait.ge [sflag:s18], $0x1400  }
0x72: {  	[sflag:s18] =	ssyncset.done $0x0  }
0x73: {  	s6 =	simm.s32 $0x13A88;
	[sflag:s18] =	ssyncadd.s32 $0xFFFFEC00  }
0x74: {  	[tilespmem:s23], [sflag:$0x4] =	stream.indirect.gather [hbm4b:s1+s16], $0x80, s6, s16, $0xb8;
	[tilespmem:$0x1EAA0] =	vst v63  }
0x75: {  	_ =	swait.ge [sflag:s26], $0x1400  }
0x76: {  	[sflag:s26] =	ssyncset.done $0x0  }
0x77: {  	s4 =	simm.s32 $0x320;
	s5 =	simm.s32 $0x160F8;
	[sflag:s26] =	ssyncadd.s32 $0xFFFFEC00  }
.LBB2_2:
0x78: {  	[spmem:s3] =	stream.indirect.scatter.add.f32 [tilespmem:s28], [sflag:$0xA], $0x80, s5, s16, $0xb8;
	[tilespmem:$0x1EAA0] =	vst v63  }
0x79: {  	s5 =	smov.u32 s4;
	s4 =	sadd.s32 $0x320, s4;
	_ =	swait.ge [sflag:s22], $0x1400  }
0x7a: {  	s5 =	sshra.s32 s5, $0x2;
	p1 =	sne.s32 s4, $0x9600;
	[sflag:s22] =	ssyncset.done $0x0  }
0x7b: {  	s6 =	sadd.s32 $0x139E8, s5;
	[sflag:s22] =	ssyncadd.s32 $0xFFFFEC00  }
0x7c: {  	[tilespmem:s28], [sflag:$0x5] =	stream.indirect.gather [hbm4b:s1+s16], $0x80, s6, s16, $0xb8;
	[tilespmem:$0x1EAA0] =	vst v63  }
0x7d: {  	_ =	swait.ge [sflag:s29], $0x1400  }
0x7e: {  	[sflag:s29] =	ssyncset.done $0x0  }
0x7f: {  	s6 =	sadd.s32 $0x16058, s5;
	[sflag:s29] =	ssyncadd.s32 $0xFFFFEC00  }
0x80: {  	[spmem:s3] =	stream.indirect.scatter.add.f32 [tilespmem:s17], [sflag:$0x6], $0x80, s6, s16, $0xb8;
	[tilespmem:$0x1EAA0] =	vst v63  }
0x81: {  	_ =	swait.ge [sflag:s30], $0x1400  }
0x82: {  	[sflag:s30] =	ssyncset.done $0x0  }
0x83: {  	s6 =	sadd.s32 $0x13A10, s5;
	[sflag:s30] =	ssyncadd.s32 $0xFFFFEC00  }
0x84: {  	[tilespmem:s17], [sflag:$0x1] =	stream.indirect.gather [hbm4b:s1+s16], $0x80, s6, s16, $0xb8;
	[tilespmem:$0x1EAA0] =	vst v63  }
0x85: {  	_ =	swait.ge [sflag:s2], $0x1400  }
0x86: {  	[sflag:s2] =	ssyncset.done $0x0  }
0x87: {  	s6 =	sadd.s32 $0x16080, s5;
	[sflag:s2] =	ssyncadd.s32 $0xFFFFEC00  }
0x88: {  	[spmem:s3] =	stream.indirect.scatter.add.f32 [tilespmem:s19], [sflag:$0x7], $0x80, s6, s16, $0xb8;
	[tilespmem:$0x1EAA0] =	vst v63  }
0x89: {  	_ =	swait.ge [sflag:s15], $0x1400  }
0x8a: {  	[sflag:s15] =	ssyncset.done $0x0  }
0x8b: {  	s6 =	sadd.s32 $0x13A38, s5;
	[sflag:s15] =	ssyncadd.s32 $0xFFFFEC00  }
0x8c: {  	[tilespmem:s19], [sflag:$0x2] =	stream.indirect.gather [hbm4b:s1+s16], $0x80, s6, s16, $0xb8;
	[tilespmem:$0x1EAA0] =	vst v63  }
0x8d: {  	_ =	swait.ge [sflag:s20], $0x1400  }
0x8e: {  	[sflag:s20] =	ssyncset.done $0x0  }
0x8f: {  	s6 =	sadd.s32 $0x160A8, s5;
	[sflag:s20] =	ssyncadd.s32 $0xFFFFEC00  }
0x90: {  	[spmem:s3] =	stream.indirect.scatter.add.f32 [tilespmem:s21], [sflag:$0x8], $0x80, s6, s16, $0xb8;
	[tilespmem:$0x1EAA0] =	vst v63  }
0x91: {  	_ =	swait.ge [sflag:s24], $0x1400  }
0x92: {  	[sflag:s24] =	ssyncset.done $0x0  }
0x93: {  	s6 =	sadd.s32 $0x13A60, s5;
	[sflag:s24] =	ssyncadd.s32 $0xFFFFEC00  }
0x94: {  	[tilespmem:s21], [sflag:$0x3] =	stream.indirect.gather [hbm4b:s1+s16], $0x80, s6, s16, $0xb8;
	[tilespmem:$0x1EAA0] =	vst v63  }
0x95: {  	_ =	swait.ge [sflag:s31], $0x1400  }
0x96: {  	[sflag:s31] =	ssyncset.done $0x0  }
0x97: {  	s6 =	sadd.s32 $0x160D0, s5;
	[sflag:s31] =	ssyncadd.s32 $0xFFFFEC00  }
0x98: {  	[spmem:s3] =	stream.indirect.scatter.add.f32 [tilespmem:s23], [sflag:$0x9], $0x80, s6, s16, $0xb8;
	[tilespmem:$0x1EAA0] =	vst v63  }
0x99: {  	_ =	swait.ge [sflag:s18], $0x1400  }
0x9a: {  	[sflag:s18] =	ssyncset.done $0x0  }
.Ltmp0:
0x9b: {  	s6 =	sadd.s32 $0x13A88, s5;
	[sflag:s18] =	ssyncadd.s32 $0xFFFFEC00;
	(pc) =	sbr.rel @p1 .LBB2_2-.Ltmp0, $4  }
0x9c: {  	[tilespmem:s23], [sflag:$0x4] =	stream.indirect.gather [hbm4b:s1+s16], $0x80, s6, s16, $0xb8;
	[tilespmem:$0x1EAA0] =	vst v63  }
0x9d: {  	_ =	swait.ge [sflag:s26], $0x1400  }
0x9e: {  	[sflag:s26] =	ssyncset.done $0x0  }
0x9f: {  	s5 =	sadd.s32 $0x160F8, s5;
	[sflag:s26] =	ssyncadd.s32 $0xFFFFEC00  }
0xa0: {  	[spmem:s3] =	stream.indirect.scatter.add.f32 [tilespmem:s28], [sflag:$0xA], $0x80, s5, s16, $0xb8;
	[tilespmem:$0x1EAA0] =	vst v63  }
0xa1: {  	_ =	swait.ge [sflag:s22], $0x1400  }
0xa2: {  	[sflag:s22] =	ssyncset.done $0x0  }
0xa3: {  	s6 =	simm.s32 $0x15F68;
	[sflag:s22] =	ssyncadd.s32 $0xFFFFEC00  }
0xa4: {  	[tilespmem:s28], [sflag:$0x5] =	stream.indirect.gather [hbm4b:s1+s16], $0x80, s6, s16, $0xb8;
	[tilespmem:$0x1EAA0] =	vst v63  }
0xa5: {  	_ =	swait.ge [sflag:s29], $0x1400  }
0xa6: {  	s4 =	sshra.s32 s4, $0x2;
	[sflag:s29] =	ssyncset.done $0x0  }
0xa7: {  	s6 =	sadd.s32 $0x16058, s4;
	[sflag:s29] =	ssyncadd.s32 $0xFFFFEC00  }
0xa8: {  	[spmem:s3] =	stream.indirect.scatter.add.f32 [tilespmem:s17], [sflag:$0x6], $0x80, s6, s16, $0xb8;
	[tilespmem:$0x1EAA0] =	vst v63  }
0xa9: {  	_ =	swait.ge [sflag:s2], $0x1400  }
0xaa: {  	[sflag:s2] =	ssyncset.done $0x0  }
0xab: {  	s6 =	sadd.s32 $0x16080, s4;
	[sflag:s2] =	ssyncadd.s32 $0xFFFFEC00  }
0xac: {  	[spmem:s3] =	stream.indirect.scatter.add.f32 [tilespmem:s19], [sflag:$0x7], $0x80, s6, s16, $0xb8;
	[tilespmem:$0x1EAA0] =	vst v63  }
0xad: {  	_ =	swait.ge [sflag:s20], $0x1400  }
0xae: {  	[sflag:s20] =	ssyncset.done $0x0  }
0xaf: {  	s6 =	sadd.s32 $0x160A8, s4;
	[sflag:s20] =	ssyncadd.s32 $0xFFFFEC00  }
0xb0: {  	[spmem:s3] =	stream.indirect.scatter.add.f32 [tilespmem:s21], [sflag:$0x8], $0x80, s6, s16, $0xb8;
	[tilespmem:$0x1EAA0] =	vst v63  }
0xb1: {  	_ =	swait.ge [sflag:s31], $0x1400  }
0xb2: {  	[sflag:s31] =	ssyncset.done $0x0  }
0xb3: {  	s4 =	sadd.s32 $0x160D0, s4;
	[sflag:s31] =	ssyncadd.s32 $0xFFFFEC00  }
0xb4: {  	[spmem:s3] =	stream.indirect.scatter.add.f32 [tilespmem:s23], [sflag:$0x9], $0x80, s4, s16, $0xb8;
	[tilespmem:$0x1EAA0] =	vst v63  }
0xb5: {  	_ =	swait.ge [sflag:s26], $0x1400  }
0xb6: {  	[sflag:s26] =	ssyncset.done $0x0  }
0xb7: {  	s6 =	simm.s32 $0x18678;
	[sflag:s26] =	ssyncadd.s32 $0xFFFFEC00  }
0xb8: {  	[spmem:s3] =	stream.indirect.scatter.add.f32 [tilespmem:s28], [sflag:$0xA], $0x80, s6, s16, $0xb8;
	[tilespmem:$0x1EAA0] =	vst v63  }
0xb9: {  	_ =	swait.ge [sflag:s30], $0x1400  }
0xba: {  	[sflag:s30] =	ssyncset.done $0x0  }
0xbb: {  	[sflag:s30] =	ssyncadd.s32 $0xFFFFEC00  }
0xbc: {  	_ =	swait.ge [sflag:s15], $0x1400  }
0xbd: {  	[sflag:s15] =	ssyncset.done $0x0  }
0xbe: {  	[sflag:s15] =	ssyncadd.s32 $0xFFFFEC00  }
0xbf: {  	_ =	swait.ge [sflag:s24], $0x1400  }
0xc0: {  	[sflag:s24] =	ssyncset.done $0x0  }
0xc1: {  	[sflag:s24] =	ssyncadd.s32 $0xFFFFEC00  }
0xc2: {  	_ =	swait.ge [sflag:s18], $0x1400  }
0xc3: {  	[sflag:s18] =	ssyncset.done $0x0  }
0xc4: {  	[sflag:s18] =	ssyncadd.s32 $0xFFFFEC00  }
0xc5: {  	_ =	swait.ge [sflag:s22], $0x1400  }
0xc6: {  	[sflag:s22] =	ssyncset.done $0x0  }
0xc7: {  	s0 =	sadd.s32 $0x1, s0;
	[sflag:s22] =	ssyncadd.s32 $0xFFFFEC00  }
0xc8: {  	p1 =	sne.s32 s0, s9;
	s4 =	sor.u32 @!p0 $0x1C0B, s10;
	[bflag:$0x0] =	sbarrier.arrive $0xFFFF  }
0xc9: {  	[hbm:s8], [sflag:s4] =	dma.local @!p0 [spmem:s25], $0x3E80  }
.Ltmp1:
0xca: {  	_ = 	snop;
	(pc) =	sbr.rel @p1 .LBB2_1-.Ltmp1, $4  }
0xcb: {  	s4 =	simm.s32 @!p0 $0xB  }
0xcc: {  	_ =	swait.ge @!p0 [sflag:s4], $0x3E80  }
0xcd: {  	[sflag:s4] =	ssyncset.done @!p0 $0x0  }
0xce: {  	[sflag:s4] =	ssyncadd.s32 @!p0 $0xFFFFC180  }
0xcf: {  	_ =	sfence.sel $0x180000  }
0xd0: {  	[bflag:$0x0] =	sbarrier.arrive $0xFFFF  }
0xd1: {  	_ =	strace $0x9000004A  }
0xd2: {  	s0 =	stileid.u32;
	[bflag:$0x2] =	sbarrier.arrive $0xFFFF  }
0xd3: {  	p0 =	sne.s32 s0, $0x0;
	s0 =	rddreg [dreg:$0x3]  }
0xd4: {  	s0 =	sadd.s32 @!p0 $0x100000, s0  }
0xd5: {  	[sflag:s0] =	ssyncadd.tile.s32 @!p0 $0x1;
	_ =	shalt  }
.Lfunc_end2:
_tile_overlayer_lowered:
.L_overlay_start_2:
0xd6: {  	(tag) =	ssettag $0x2  }
0xd7: {  	s0 =	rddreg [dreg:$0x0];
	s2 =	stileid.u32  }
0xd8: {  	s1 =	rddreg [dreg:$0x1];
	p0 =	sne.s32 s2, $0x0  }
0xd9: {  	s3 =	rddreg [dreg:$0x2];
	[bflag:$0x3] =	sbarrier.arrive $0xFFFF;
	s2 =	simm.s32 @!p0 $0x1C0B  }
0xda: {  	[timem:s3], [sflag:s2] =	dma.local @!p0 [hbm:s0], s1  }
0xdb: {  	s0 =	simm.s32 @!p0 $0xB  }
0xdc: {  	_ =	swait.ge @!p0 [sflag:s0], s1  }
0xdd: {  	s1 =	ssub.s32 @!p0 $0x0, s1;
	[sflag:s0] =	ssyncset.done @!p0 $0x0  }
0xde: {  	[sflag:s0] =	ssyncadd.s32 @!p0 s1  }
0xdf: {  	[bflag:$0x3] =	sbarrier.arrive $0xFFFF  }
0xe0: {  	_ =	shalt  }

// kernel: kernel.16.cloned.1.call-start
scs
__scs_entry_jumppad:
0x0: {  	(pc) =	sbr.rel $0x88, $3  }
0x1: {  	(tag) =	ssettag $0x0;
	lr =	simm.s32 $0x1  }
0x2: {  	[smem:$0x3F9D] =	sst lr;
	_ =	strace $0xD0000000  }
0x3: {  	_ = 	snop  }
0x4: {  	_ = 	snop  }
0x5: {  	_ = 	snop  }
0x6: {  	_ = 	snop  }
0x7: {  	_ = 	snop  }
__scs_overlays_trampoline_lowered:
0x8: {  	[smem:$0x3FAC] =	sst s0  }
0x9: {  	[smem:$0x3FAD] =	sst s1  }
0xa: {  	[smem:$0x3FAE] =	sst s2  }
0xb: {  	[smem:$0x3FAF] =	sst s3  }
0xc: {  	[smem:$0x3FB0] =	sst s4  }
0xd: {  	[smem:$0x3FB1] =	sst s5  }
0xe: {  	[smem:$0x3FB2] =	sst s6  }
0xf: {  	[smem:$0x3FB3] =	sst s7  }
0x10: {  	[smem:$0x3FB4] =	sst s8  }
0x11: {  	[smem:$0x3FB5] =	sst s9;
	s0 =	simm.s32 @!p0 $0x0  }
0x12: {  	s1 =	sld [smem:$0x3F9B];
	s0 =	simm.s32 @p0 $0x1  }
0x13: {  	[smem:$0x3FB6] =	sst s0;
	s0 =	simm.s32 @!p1 $0x0  }
0x14: {  	s2 =	sld [smem:$0x3F9A];
	s0 =	simm.s32 @p1 $0x1  }
0x15: {  	[smem:$0x3FB7] =	sst s0;
	s0 =	simm.s32 @!p2 $0x0  }
0x16: {  	s3 =	sld [smem:$0x3FDB];
	s0 =	simm.s32 @p2 $0x1  }
0x17: {  	s4 =	simm.s32 $0x1BF5;
	[smem:$0x3FB9] =	sst s0  }
0x18: {  	s0 =	sld [smem:$0x3F9C];
	_ =	swait.ge [sflag:s4], $0x0  }
0x19: {  	s7 =	sld [smem:$0x3F9D]  }
0x1a: {  	s8 =	sadd.s32 $0xFFFFE003, lr  }
0x1b: {  	s9 =	sadd.s32 $0xFFFFFEF7, lr;
	s5 =	simm.s32 $0xFFFFFFFF;
	p2 =	slt.u32 s8, $0xFFFFF086  }
0x1c: {  	p1 =	slt.u32 s9, $0xF7A;
	s5 =	simm.s32 @!p2 $0x0  }
0x1d: {  	s5 =	simm.s32 @p1 $0x1;
	p0 =	seq.s32 s7, s2  }
0x1e: {  	s7 =	smul.u32 @!p0 $0xF7A, s2;
	p2 =	seq.s32 @!p0 s5, $0x0  }
0x1f: {  	s9 =	smul.u32 $0xF7A, s1;
	s8 =	simm.s32 @!p0 $0x1BF5;
	p2 =	por !p2, p0  }
0x20: {  	[sflag:s8] =	ssyncset.s32 @!p0 $0xFFFFF086;
	s6 =	sadd.s32 @!p0 s3, s7;
	s7 =	simm.s32 @!p0 $0x108  }
0x21: {  	s3 =	sadd.s32 s3, s9;
	s6 =	sadd.s32 @!p0 $0x88, s6;
	s7 =	simm.s32 @p2 $0x1082  }
0x22: {  	[simem:s7], [sflag:s8] =	dma.local @!p0 [hbm:s6], $0xF7A  }
0x23: {  	s9 =	sor.u32 $0xD0000000, s2;
	s6 =	simm.s32 $0x108;
	_ =	swait.ge @!p0 [sflag:s8], $0x0  }
0x24: {  	s3 =	sadd.s32 $0x88, s3;
	s6 =	simm.s32 @!p1 $0x1082;
	[sflag:s4] =	ssyncset.s32 $0xFFFFF086  }
0x25: {  	[simem:s6], [sflag:s4] =	dma.local [hbm:s3], $0xF7A  }
0x26: {  	[smem:$0x3F9D] =	sst s1;
	(tag) =	ssettag s2;
	_ =	strace s9  }
0x27: {  	s1 =	sld [smem:$0x3FAD]  }
0x28: {  	s2 =	sld [smem:$0x3FAE]  }
0x29: {  	s4 =	sld [smem:$0x3FB0]  }
0x2a: {  	p0 =	seq.s32 s5, $0x0;
	s5 =	sld [smem:$0x3FB1]  }
0x2b: {  	s6 =	sld [smem:$0x3FB2]  }
0x2c: {  	s7 =	sld [smem:$0x3FB3]  }
0x2d: {  	s3 =	simm.s32 $0x108;
	s8 =	sld [smem:$0x3FB4]  }
0x2e: {  	s3 =	simm.s32 @!p0 $0x1082;
	s9 =	sld [smem:$0x3FB5]  }
0x2f: {  	lr =	sadd.s32 s0, s3;
	s0 =	sld [smem:$0x3FAC]  }
0x30: {  	s3 =	sld [smem:$0x3FAF]  }
0x31: {  	[smem:$0x3FB8] =	sst s10  }
0x32: {  	s10 =	sld [smem:$0x3FB6];
	_ =	sdelay $0x3  }
0x33: {  	p0 =	seq.s32 s10, $0x1;
	s10 =	sld [smem:$0x3FB8];
	_ =	sdelay $0x3  }
0x34: {  	[smem:$0x3FB8] =	sst s10  }
0x35: {  	s10 =	sld [smem:$0x3FB7];
	_ =	sdelay $0x3  }
0x36: {  	p1 =	seq.s32 s10, $0x1;
	s10 =	sld [smem:$0x3FB8];
	_ =	sdelay $0x3  }
0x37: {  	[smem:$0x3FB8] =	sst s10  }
0x38: {  	s10 =	sld [smem:$0x3FB9]  }
0x39: {  	_ = 	snop;
	(pc) =	sbr.ind lr, $3  }
0x3a: {  	_ = 	snop  }
0x3b: {  	_ = 	snop  }
0x3c: {  	p2 =	seq.s32 s10, $0x1;
	s10 =	sld [smem:$0x3FB8]  }
0x3d: {  	_ =	shalt  }
0x3e: {  	_ =	shalt  }
0x3f: {  	_ =	shalt  }
0x40: {  	_ =	shalt  }
0x41: {  	_ =	shalt  }
0x42: {  	_ =	shalt  }
0x43: {  	_ =	shalt  }
0x44: {  	_ =	shalt  }
0x45: {  	_ =	shalt  }
0x46: {  	_ =	shalt  }
0x47: {  	_ =	shalt  }
0x48: {  	_ =	shalt  }
0x49: {  	_ =	shalt  }
0x4a: {  	_ =	shalt  }
0x4b: {  	_ =	shalt  }
0x4c: {  	_ =	shalt  }
0x4d: {  	_ =	shalt  }
0x4e: {  	_ =	shalt  }
0x4f: {  	_ =	shalt  }
0x50: {  	_ =	shalt  }
0x51: {  	_ =	shalt  }
0x52: {  	_ =	shalt  }
0x53: {  	_ =	shalt  }
0x54: {  	_ =	shalt  }
0x55: {  	_ =	shalt  }
0x56: {  	_ =	shalt  }
0x57: {  	_ =	shalt  }
0x58: {  	_ =	shalt  }
0x59: {  	_ =	shalt  }
0x5a: {  	_ =	shalt  }
0x5b: {  	_ =	shalt  }
0x5c: {  	_ =	shalt  }
0x5d: {  	_ =	shalt  }
0x5e: {  	_ =	shalt  }
0x5f: {  	_ =	shalt  }
0x60: {  	_ =	shalt  }
0x61: {  	_ =	shalt  }
0x62: {  	_ =	shalt  }
0x63: {  	_ =	shalt  }
0x64: {  	_ =	shalt  }
0x65: {  	_ =	shalt  }
0x66: {  	_ =	shalt  }
0x67: {  	_ =	shalt  }
0x68: {  	_ =	shalt  }
0x69: {  	_ =	shalt  }
0x6a: {  	_ =	shalt  }
0x6b: {  	_ =	shalt  }
0x6c: {  	_ =	shalt  }
0x6d: {  	_ =	shalt  }
0x6e: {  	_ =	shalt  }
0x6f: {  	_ =	shalt  }
0x70: {  	_ =	shalt  }
0x71: {  	_ =	shalt  }
0x72: {  	_ =	shalt  }
0x73: {  	_ =	shalt  }
0x74: {  	_ =	shalt  }
0x75: {  	_ =	shalt  }
0x76: {  	_ =	shalt  }
0x77: {  	_ =	shalt  }
0x78: {  	_ =	shalt  }
0x79: {  	_ =	shalt  }
0x7a: {  	_ =	shalt  }
0x7b: {  	_ =	shalt  }
0x7c: {  	_ =	shalt  }
0x7d: {  	_ =	shalt  }
0x7e: {  	_ =	shalt  }
0x7f: {  	_ =	shalt  }
0x80: {  	_ =	shalt  }
0x81: {  	_ =	shalt  }
0x82: {  	_ =	shalt  }
0x83: {  	_ =	shalt  }
0x84: {  	_ =	shalt  }
0x85: {  	_ =	shalt  }
0x86: {  	_ =	shalt  }
0x87: {  	_ =	shalt  }
.Lfunc_end0:
.L_simem_size_0:
called_computation.2_lowered:
.L_overlay_start_0:
0x88: {  	s2 =	sld [smem:$0x3FD9]  }
0x89: {  	s3 =	sld [smem:$0x3FFE];
	_ =	sdelay $0x1  }
0x8a: {  	s1 =	srdreg.scid  }
0x8b: {  	s0 =	sand.u32 $0x1, s1  }
0x8c: {  	s17 =	sshll.u32 s0, $0xA;
	s2 =	sadd.s32 s3, s2  }
0x8d: {  	s2 =	sadd.s32 s2, s17  }
0x8e: {  	[smem:$0x3FC4] =	sst s2  }
0x8f: {  	_ = 	snop  }
0x90: {  	s2 =	sld [smem:$0x3FD0];
	(tm) =	ssettm $0x1  }
0x91: {  	s18 =	sld [smem:$0x3FFB];
	_ =	sdelay $0x3  }
0x92: {  	_ =	strace s18  }
0x93: {  	s3 =	sld [smem:$0x3FFC];
	_ =	sdelay $0x3  }
0x94: {  	_ =	strace s3  }
0x95: {  	s3 =	sld [smem:$0x3FFD];
	_ =	sdelay $0x3  }
0x96: {  	_ =	strace s3  }
0x97: {  	_ =	strace $0x8FFFFFFF  }
0x98: {  	s19 =	sld [smem:$0x3FDB];
	_ =	sdelay $0x1  }
0x99: {  	s4 =	simm.s32 $_scs_section_size  }
0x9a: {  	s5 =	simm.s32 $_size__tile_overlayer_lowered;
	s6 =	simm.s32 $_tile_overlayer_lowered  }
0x9b: {  	s22 =	simm.s32 $0x1BFF;
	s21 =	sshll.u32 s6, $0x1;
	s3 =	sadd.s32 s4, s19  }
0x9c: {  	s7 =	simm.s32 $0x0;
	s20 =	sshll.u32 s5, $0x1;
	s5 =	sadd.s32 s21, s3  }
0x9d: {  	[timem:s7], [sflag:s22] =	dma.local [hbm:s5], s20  }
0x9e: {  	_ =	swait.ge [sflag:s22], s20  }
0x9f: {  	s4 =	ssub.s32 $0x0, s20;
	[sflag:s22] =	ssyncset.done $0x0  }
0xa0: {  	[sflag:s22] =	ssyncadd.s32 s4;
	_ =	sdelay $0x1  }
0xa1: {  	s23 =	simm.s32 $0x1B8B  }
0xa2: {  	_ =	swait.ge [sflag:s23], $0x1  }
0xa3: {  	[sflag:s23] =	ssyncset.done $0x0  }
0xa4: {  	s25 =	simm.s32 $0x1B8E;
	s24 =	sld [smem:$0x3FFE];
	[sflag:s23] =	ssyncadd.s32 $0xFFFFFFFF  }
0xa5: {  	s26 =	simm.s32 $execute0_lowered;
	[smem:$0x3FD2] =	sst s25  }
0xa6: {  	s5 =	sshll.u32 s26, $0x1;
	_ =	strace $0x8000004C;
	[dreg:$0x1] =	wrdreg $0xFFFFFFFF  }
0xa7: {  	s28 =	simm.s32 $_size_execute0_lowered;
	s3 =	sadd.s32 s3, s5;
	[dreg:$0x0] =	wrdreg $0x0  }
0xa8: {  	s5 =	sshll.u32 s28, $0x1;
	[dreg:$0x2] =	wrdreg s3  }
0xa9: {  	[dreg:$0x3] =	wrdreg s5  }
0xaa: {  	[dreg:$0x4] =	wrdreg $0xC0  }
0xab: {  	_ =	task [dreg:s7], $0x5FFFF  }
0xac: {  	[dreg:$0x1] =	wrdreg $0xFFFFFFFF  }
0xad: {  	[dreg:$0x0] =	wrdreg $0x60  }
0xae: {  	[dreg:$0x2] =	wrdreg s2  }
0xaf: {  	[dreg:$0x3] =	wrdreg s24  }
0xb0: {  	[dreg:$0x4] =	wrdreg $0x0  }
0xb1: {  	[dreg:$0x5] =	wrdreg $0x9  }
0xb2: {  	_ =	task.clear_ibuf [dreg:s7], $0x6FFFF;
	_ =	strace $0x9000004C  }
0xb3: {  	s29 =	simm.s32 $0x9;
	_ =	strace $0x8000004E  }
0xb4: {  	_ =	swait.ge [sflag:s29], $0x1  }
0xb5: {  	[sflag:s29] =	ssyncadd.s32 $0xFFFFFFFF  }
0xb6: {  	_ =	strace $0x9000004E  }
0xb7: {  	_ =	sfence  }
0xb8: {  	s30 =	sld [smem:$0x0];
	_ =	sdelay $0x2  }
0xb9: {  	s31 =	sshll.u32 s1, $0xD;
	s1 =	sshrl.u32 s1, $0x2  }
0xba: {  	s3 =	sand.u32 $0x4000, s31;
	s1 =	sadd.s32 s1, s30  }
0xbb: {  	s0 =	sor.u32 s3, s0;
	s1 =	sshll.u32 s1, $0x11  }
0xbc: {  	s0 =	sor.u32 s1, s0  }
0xbd: {  	s0 =	sadd.s32 $0x8F2B, s0  }
0xbe: {  	[sflag:s0] =	ssyncadd.remote.s32 $0x1  }
0xbf: {  	_ =	sfence.sel $0xFFFF  }
0xc0: {  	[dreg:$0x0] =	wrdreg $0xFFFFFFFF;
	(pc) =	sbr.abs _section_cstart, $3  }
0xc1: {  	[dreg:$0x1] =	wrdreg $0xFFFFFFFF  }
0xc2: {  	_ =	task.clear_ibuf [dreg:s7], $0x2FFFF;
	_ =	strace $0x9FFFFFFF  }
0xc3: {  	(tm) =	ssettm $0x7FFFFFFF  }
tec
execute0_lowered:
.L_overlay_start_1:
0x0: {  	(tag) =	ssettag $0x1  }
0x1: {  	s1 =	rddreg [dreg:$0x0]  }
0x2: {  	s0 =	srdreg.scid;
	s4 =	rddreg [dreg:$0x1]  }
0x3: {  	s10 =	stileid.u32;
	s3 =	rddreg [dreg:$0x2]  }
0x4: {  	s6 =	simm.s32 $0x0;
	s13 =	simm.s32 $0x13880;
	s14 =	simm.s32 $0x15F90  }
0x5: {  	s15 =	simm.s32 $0x7;
	s16 =	simm.s32 $0x28;
	s17 =	simm.s32 $0x186A0  }
0x6: {  	s19 =	simm.s32 $0x19AA0;
	s21 =	simm.s32 $0x1AEA0;
	s23 =	simm.s32 $0x1C2A0  }
0x7: {  	s28 =	simm.s32 $0x1D6A0;
	s29 =	simm.s32 $0x1;
	s30 =	simm.s32 $0x6  }
0x8: {  	s20 =	simm.s32 $0x3;
	s31 =	simm.s32 $0x4;
	s18 =	simm.s32 $0x9  }
0x9: {  	s22 =	simm.s32 $0xA;
	s0 =	sand.u32 $0x1, s0;
	s9 =	smul.u32 $0x1F400, s10  }
0xa: {  	s2 =	sshll.u32 s10, $0x1;
	[smem:$0x7FF] =	sst s6;
	s24 =	smul.u32 $0x7D000, s10  }
0xb: {  	s7 =	sadd.s32 $0x63C00, s4;
	p0 =	sgt.u32 s10, $0x9;
	s2 =	sor.u32 s0, s2  }
0xc: {  	s5 =	smul.u32 $0x138800, s0;
	_ =	strace $0x8000004D;
	[dreg:$0x4] =	wrdreg s7  }
0xd: {  	s0 =	ssub.s32 $0x2, s0;
	s10 =	sshll.u32 @!p0 s10, $0x6;
	s2 =	smul.u32 $0x4E2, s2  }
0xe: {  	s25 =	sshrl.u32 s0, $0x1;
	s6 =	sshrl.u32 s24, $0x2;
	s5 =	sadd.s32 s9, s5  }
0xf: {  	s11 =	sor.u32 @!p0 $0x1C06, s10;
	s24 =	simm.s32 $0x8;
	s5 =	sshrl.u32 s5, $0x3  }
0x10: {  	s0 =	ssub.s32 s0, s25;
	s2 =	sadd.s32 s2, s4;
	s4 =	sadd.s32 s5, s4  }
0x11: {  	s5 =	sadd.s32 s6, s3;
	s26 =	sadd.s32 $0x1E00, s2;
	s7 =	sadd.s32 $0xBC00, s2  }
0x12: {  	s2 =	sadd.s32 s9, s3;
	s9 =	smax.u32 s0, $0x1;
	s0 =	simm.s32 $0x0  }
0x13: {  	[dreg:$0x5] =	wrdreg s26;
	s8 =	sadd.s32 $0xB5E00, s4;
	s12 =	sshrl.u32 @!p0 s5, $0x3  }
0x14: {  	s25 =	sshrl.u32 @!p0 s2, $0x3;
	s2 =	simm.s32 $0x2;
	s26 =	simm.s32 $0x5  }
.LBB2_1:
0x15: {  	s4 =	rddreg [dreg:$0x4]  }
0x16: {  	[spmem:s12], [sflag:s11] =	dma.local @!p0 [hbm:s4], $0x3E80  }
0x17: {  	s6 =	simm.s32 $0x0;
	s5 =	rddreg [dreg:$0x5]  }
0x18: {  	[tilespmem:s13], [sflag:$0x7] =	stream.linear.gather [hbm4b:s5+s6], $0x2710, $0x38;
	[tilespmem:$0x1EAA0] =	vst v63  }
0x19: {  	_ = 	snop  }
0x1a: {  	[tilespmem:s14], [sflag:$0x8] =	stream.linear.gather [hbm4b:s7+s6], $0x2710, $0x38;
	[tilespmem:$0x1EAA0] =	vst v63  }
0x1b: {  	_ =	swait.ge [sflag:s15], $0x2710  }
0x1c: {  	[sflag:s15] =	ssyncset.done $0x0  }
0x1d: {  	[sflag:s15] =	ssyncadd.s32 $0xFFFFD8F0  }
0x1e: {  	[tilespmem:s17], [sflag:$0x1] =	stream.indirect.gather [hbm4b:s1+s16], $0x80, s13, s16, $0xb8;
	[tilespmem:$0x1EAA0] =	vst v63  }
0x1f: {  	s6 =	simm.s32 $0x138A8  }
0x20: {  	[tilespmem:s19], [sflag:$0x2] =	stream.indirect.gather [hbm4b:s1+s16], $0x80, s6, s16, $0xb8;
	[tilespmem:$0x1EAA0] =	vst v63  }
0x21: {  	s5 =	simm.s32 $0x138D0  }
0x22: {  	[tilespmem:s21], [sflag:$0x3] =	stream.indirect.gather [hbm4b:s1+s16], $0x80, s5, s16, $0xb8;
	[tilespmem:$0x1EAA0] =	vst v63  }
0x23: {  	s6 =	simm.s32 $0x138F8  }
0x24: {  	[tilespmem:s23], [sflag:$0x4] =	stream.indirect.gather [hbm4b:s1+s16], $0x80, s6, s16, $0xb8;
	[tilespmem:$0x1EAA0] =	vst v63  }
0x25: {  	_ =	swait.ge [sflag:s24], $0x2710  }
0x26: {  	[sflag:s24] =	ssyncset.done $0x0  }
0x27: {  	s4 =	simm.s32 @!p0 $0x6;
	[sflag:s24] =	ssyncadd.s32 $0xFFFFD8F0  }
0x28: {  	_ =	swait.ge @!p0 [sflag:s4], $0x3E80  }
0x29: {  	[sflag:s4] =	ssyncset.done @!p0 $0x0  }
0x2a: {  	[sflag:s4] =	ssyncadd.s32 @!p0 $0xFFFFC180  }
0x2b: {  	s5 =	simm.s32 $0x13920;
	[bflag:$0x0] =	sbarrier.arrive $0xFFFF  }
0x2c: {  	[tilespmem:s28], [sflag:$0x5] =	stream.indirect.gather [hbm4b:s1+s16], $0x80, s5, s16, $0xb8;
	[tilespmem:$0x1EAA0] =	vst v63  }
0x2d: {  	_ =	swait.ge [sflag:s29], $0x1400  }
0x2e: {  	[sflag:s29] =	ssyncset.done $0x0  }
0x2f: {  	[sflag:s29] =	ssyncadd.s32 $0xFFFFEC00  }
0x30: {  	[spmem:s3] =	stream.indirect.scatter.add.f32 [tilespmem:s17], [sflag:$0x6], $0x80, s14, s16, $0xb8;
	[tilespmem:$0x1EAA0] =	vst v63  }
0x31: {  	_ =	swait.ge [sflag:s30], $0x1400  }
0x32: {  	[sflag:s30] =	ssyncset.done $0x0  }
0x33: {  	s6 =	simm.s32 $0x13948;
	[sflag:s30] =	ssyncadd.s32 $0xFFFFEC00  }
0x34: {  	[tilespmem:s17], [sflag:$0x1] =	stream.indirect.gather [hbm4b:s1+s16], $0x80, s6, s16, $0xb8;
	[tilespmem:$0x1EAA0] =	vst v63  }
0x35: {  	_ =	swait.ge [sflag:s2], $0x1400  }
0x36: {  	[sflag:s2] =	ssyncset.done $0x0  }
0x37: {  	s5 =	simm.s32 $0x15FB8;
	[sflag:s2] =	ssyncadd.s32 $0xFFFFEC00  }
0x38: {  	[spmem:s3] =	stream.indirect.scatter.add.f32 [tilespmem:s19], [sflag:$0x7], $0x80, s5, s16, $0xb8;
	[tilespmem:$0x1EAA0] =	vst v63  }
0x39: {  	_ =	swait.ge [sflag:s15], $0x1400  }
0x3a: {  	[sflag:s15] =	ssyncset.done $0x0  }
0x3b: {  	s6 =	simm.s32 $0x13970;
	[sflag:s15] =	ssyncadd.s32 $0xFFFFEC00  }
0x3c: {  	[tilespmem:s19], [sflag:$0x2] =	stream.indirect.gather [hbm4b:s1+s16], $0x80, s6, s16, $0xb8;
	[tilespmem:$0x1EAA0] =	vst v63  }
0x3d: {  	_ =	swait.ge [sflag:s20], $0x1400  }
0x3e: {  	[sflag:s20] =	ssyncset.done $0x0  }
0x3f: {  	s5 =	simm.s32 $0x15FE0;
	[sflag:s20] =	ssyncadd.s32 $0xFFFFEC00  }
0x40: {  	[spmem:s3] =	stream.indirect.scatter.add.f32 [tilespmem:s21], [sflag:$0x8], $0x80, s5, s16, $0xb8;
	[tilespmem:$0x1EAA0] =	vst v63  }
0x41: {  	_ =	swait.ge [sflag:s24], $0x1400  }
0x42: {  	[sflag:s24] =	ssyncset.done $0x0  }
0x43: {  	s6 =	simm.s32 $0x13998;
	[sflag:s24] =	ssyncadd.s32 $0xFFFFEC00  }
0x44: {  	[tilespmem:s21], [sflag:$0x3] =	stream.indirect.gather [hbm4b:s1+s16], $0x80, s6, s16, $0xb8;
	[tilespmem:$0x1EAA0] =	vst v63  }
0x45: {  	_ =	swait.ge [sflag:s31], $0x1400  }
0x46: {  	[sflag:s31] =	ssyncset.done $0x0  }
0x47: {  	s5 =	simm.s32 $0x16008;
	[sflag:s31] =	ssyncadd.s32 $0xFFFFEC00  }
0x48: {  	[spmem:s3] =	stream.indirect.scatter.add.f32 [tilespmem:s23], [sflag:$0x9], $0x80, s5, s16, $0xb8;
	[tilespmem:$0x1EAA0] =	vst v63  }
0x49: {  	_ =	swait.ge [sflag:s18], $0x1400  }
0x4a: {  	[sflag:s18] =	ssyncset.done $0x0  }
0x4b: {  	s6 =	simm.s32 $0x139C0;
	[sflag:s18] =	ssyncadd.s32 $0xFFFFEC00  }
0x4c: {  	[tilespmem:s23], [sflag:$0x4] =	stream.indirect.gather [hbm4b:s1+s16], $0x80, s6, s16, $0xb8;
	[tilespmem:$0x1EAA0] =	vst v63  }
0x4d: {  	_ =	swait.ge [sflag:s26], $0x1400  }
0x4e: {  	[sflag:s26] =	ssyncset.done $0x0  }
0x4f: {  	s5 =	simm.s32 $0x16030;
	[sflag:s26] =	ssyncadd.s32 $0xFFFFEC00  }
0x50: {  	[spmem:s3] =	stream.indirect.scatter.add.f32 [tilespmem:s28], [sflag:$0xA], $0x80, s5, s16, $0xb8;
	[tilespmem:$0x1EAA0] =	vst v63  }
0x51: {  	_ =	swait.ge [sflag:s22], $0x1400  }
0x52: {  	[sflag:s22] =	ssyncset.done $0x0  }
0x53: {  	s6 =	simm.s32 $0x139E8;
	[sflag:s22] =	ssyncadd.s32 $0xFFFFEC00  }
0x54: {  	[tilespmem:s28], [sflag:$0x5] =	stream.indirect.gather [hbm4b:s1+s16], $0x80, s6, s16, $0xb8;
	[tilespmem:$0x1EAA0] =	vst v63  }
0x55: {  	_ =	swait.ge [sflag:s29], $0x1400  }
0x56: {  	[sflag:s29] =	ssyncset.done $0x0  }
0x57: {  	s5 =	simm.s32 $0x16058;
	[sflag:s29] =	ssyncadd.s32 $0xFFFFEC00  }
0x58: {  	[spmem:s3] =	stream.indirect.scatter.add.f32 [tilespmem:s17], [sflag:$0x6], $0x80, s5, s16, $0xb8;
	[tilespmem:$0x1EAA0] =	vst v63  }
0x59: {  	_ =	swait.ge [sflag:s30], $0x1400  }
0x5a: {  	[sflag:s30] =	ssyncset.done $0x0  }
0x5b: {  	s6 =	simm.s32 $0x13A10;
	[sflag:s30] =	ssyncadd.s32 $0xFFFFEC00  }
0x5c: {  	[tilespmem:s17], [sflag:$0x1] =	stream.indirect.gather [hbm4b:s1+s16], $0x80, s6, s16, $0xb8;
	[tilespmem:$0x1EAA0] =	vst v63  }
0x5d: {  	_ =	swait.ge [sflag:s2], $0x1400  }
0x5e: {  	[sflag:s2] =	ssyncset.done $0x0  }
0x5f: {  	s5 =	simm.s32 $0x16080;
	[sflag:s2] =	ssyncadd.s32 $0xFFFFEC00  }
0x60: {  	[spmem:s3] =	stream.indirect.scatter.add.f32 [tilespmem:s19], [sflag:$0x7], $0x80, s5, s16, $0xb8;
	[tilespmem:$0x1EAA0] =	vst v63  }
0x61: {  	_ =	swait.ge [sflag:s15], $0x1400  }
0x62: {  	[sflag:s15] =	ssyncset.done $0x0  }
0x63: {  	s6 =	simm.s32 $0x13A38;
	[sflag:s15] =	ssyncadd.s32 $0xFFFFEC00  }
0x64: {  	[tilespmem:s19], [sflag:$0x2] =	stream.indirect.gather [hbm4b:s1+s16], $0x80, s6, s16, $0xb8;
	[tilespmem:$0x1EAA0] =	vst v63  }
0x65: {  	_ =	swait.ge [sflag:s20], $0x1400  }
0x66: {  	[sflag:s20] =	ssyncset.done $0x0  }
0x67: {  	s5 =	simm.s32 $0x160A8;
	[sflag:s20] =	ssyncadd.s32 $0xFFFFEC00  }
0x68: {  	[spmem:s3] =	stream.indirect.scatter.add.f32 [tilespmem:s21], [sflag:$0x8], $0x80, s5, s16, $0xb8;
	[tilespmem:$0x1EAA0] =	vst v63  }
0x69: {  	_ =	swait.ge [sflag:s24], $0x1400  }
0x6a: {  	[sflag:s24] =	ssyncset.done $0x0  }
0x6b: {  	s6 =	simm.s32 $0x13A60;
	[sflag:s24] =	ssyncadd.s32 $0xFFFFEC00  }
0x6c: {  	[tilespmem:s21], [sflag:$0x3] =	stream.indirect.gather [hbm4b:s1+s16], $0x80, s6, s16, $0xb8;
	[tilespmem:$0x1EAA0] =	vst v63  }
0x6d: {  	_ =	swait.ge [sflag:s31], $0x1400  }
0x6e: {  	[sflag:s31] =	ssyncset.done $0x0  }
0x6f: {  	s5 =	simm.s32 $0x160D0;
	[sflag:s31] =	ssyncadd.s32 $0xFFFFEC00  }
0x70: {  	[spmem:s3] =	stream.indirect.scatter.add.f32 [tilespmem:s23], [sflag:$0x9], $0x80, s5, s16, $0xb8;
	[tilespmem:$0x1EAA0] =	vst v63  }
0x71: {  	_ =	swait.ge [sflag:s18], $0x1400  }
0x72: {  	[sflag:s18] =	ssyncset.done $0x0  }
0x73: {  	s6 =	simm.s32 $0x13A88;
	[sflag:s18] =	ssyncadd.s32 $0xFFFFEC00  }
0x74: {  	[tilespmem:s23], [sflag:$0x4] =	stream.indirect.gather [hbm4b:s1+s16], $0x80, s6, s16, $0xb8;
	[tilespmem:$0x1EAA0] =	vst v63  }
0x75: {  	_ =	swait.ge [sflag:s26], $0x1400  }
0x76: {  	[sflag:s26] =	ssyncset.done $0x0  }
0x77: {  	s4 =	simm.s32 $0x320;
	s5 =	simm.s32 $0x160F8;
	[sflag:s26] =	ssyncadd.s32 $0xFFFFEC00  }
.LBB2_2:
0x78: {  	[spmem:s3] =	stream.indirect.scatter.add.f32 [tilespmem:s28], [sflag:$0xA], $0x80, s5, s16, $0xb8;
	[tilespmem:$0x1EAA0] =	vst v63  }
0x79: {  	s5 =	smov.u32 s4;
	s4 =	sadd.s32 $0x320, s4;
	_ =	swait.ge [sflag:s22], $0x1400  }
0x7a: {  	s5 =	sshra.s32 s5, $0x2;
	p1 =	sne.s32 s4, $0x9600;
	[sflag:s22] =	ssyncset.done $0x0  }
0x7b: {  	s6 =	sadd.s32 $0x139E8, s5;
	[sflag:s22] =	ssyncadd.s32 $0xFFFFEC00  }
0x7c: {  	[tilespmem:s28], [sflag:$0x5] =	stream.indirect.gather [hbm4b:s1+s16], $0x80, s6, s16, $0xb8;
	[tilespmem:$0x1EAA0] =	vst v63  }
0x7d: {  	_ =	swait.ge [sflag:s29], $0x1400  }
0x7e: {  	[sflag:s29] =	ssyncset.done $0x0  }
0x7f: {  	s6 =	sadd.s32 $0x16058, s5;
	[sflag:s29] =	ssyncadd.s32 $0xFFFFEC00  }
0x80: {  	[spmem:s3] =	stream.indirect.scatter.add.f32 [tilespmem:s17], [sflag:$0x6], $0x80, s6, s16, $0xb8;
	[tilespmem:$0x1EAA0] =	vst v63  }
0x81: {  	_ =	swait.ge [sflag:s30], $0x1400  }
0x82: {  	[sflag:s30] =	ssyncset.done $0x0  }
0x83: {  	s6 =	sadd.s32 $0x13A10, s5;
	[sflag:s30] =	ssyncadd.s32 $0xFFFFEC00  }
0x84: {  	[tilespmem:s17], [sflag:$0x1] =	stream.indirect.gather [hbm4b:s1+s16], $0x80, s6, s16, $0xb8;
	[tilespmem:$0x1EAA0] =	vst v63  }
0x85: {  	_ =	swait.ge [sflag:s2], $0x1400  }
0x86: {  	[sflag:s2] =	ssyncset.done $0x0  }
0x87: {  	s6 =	sadd.s32 $0x16080, s5;
	[sflag:s2] =	ssyncadd.s32 $0xFFFFEC00  }
0x88: {  	[spmem:s3] =	stream.indirect.scatter.add.f32 [tilespmem:s19], [sflag:$0x7], $0x80, s6, s16, $0xb8;
	[tilespmem:$0x1EAA0] =	vst v63  }
0x89: {  	_ =	swait.ge [sflag:s15], $0x1400  }
0x8a: {  	[sflag:s15] =	ssyncset.done $0x0  }
0x8b: {  	s6 =	sadd.s32 $0x13A38, s5;
	[sflag:s15] =	ssyncadd.s32 $0xFFFFEC00  }
0x8c: {  	[tilespmem:s19], [sflag:$0x2] =	stream.indirect.gather [hbm4b:s1+s16], $0x80, s6, s16, $0xb8;
	[tilespmem:$0x1EAA0] =	vst v63  }
0x8d: {  	_ =	swait.ge [sflag:s20], $0x1400  }
0x8e: {  	[sflag:s20] =	ssyncset.done $0x0  }
0x8f: {  	s6 =	sadd.s32 $0x160A8, s5;
	[sflag:s20] =	ssyncadd.s32 $0xFFFFEC00  }
0x90: {  	[spmem:s3] =	stream.indirect.scatter.add.f32 [tilespmem:s21], [sflag:$0x8], $0x80, s6, s16, $0xb8;
	[tilespmem:$0x1EAA0] =	vst v63  }
0x91: {  	_ =	swait.ge [sflag:s24], $0x1400  }
0x92: {  	[sflag:s24] =	ssyncset.done $0x0  }
0x93: {  	s6 =	sadd.s32 $0x13A60, s5;
	[sflag:s24] =	ssyncadd.s32 $0xFFFFEC00  }
0x94: {  	[tilespmem:s21], [sflag:$0x3] =	stream.indirect.gather [hbm4b:s1+s16], $0x80, s6, s16, $0xb8;
	[tilespmem:$0x1EAA0] =	vst v63  }
0x95: {  	_ =	swait.ge [sflag:s31], $0x1400  }
0x96: {  	[sflag:s31] =	ssyncset.done $0x0  }
0x97: {  	s6 =	sadd.s32 $0x160D0, s5;
	[sflag:s31] =	ssyncadd.s32 $0xFFFFEC00  }
0x98: {  	[spmem:s3] =	stream.indirect.scatter.add.f32 [tilespmem:s23], [sflag:$0x9], $0x80, s6, s16, $0xb8;
	[tilespmem:$0x1EAA0] =	vst v63  }
0x99: {  	_ =	swait.ge [sflag:s18], $0x1400  }
0x9a: {  	[sflag:s18] =	ssyncset.done $0x0  }
.Ltmp0:
0x9b: {  	s6 =	sadd.s32 $0x13A88, s5;
	[sflag:s18] =	ssyncadd.s32 $0xFFFFEC00;
	(pc) =	sbr.rel @p1 .LBB2_2-.Ltmp0, $4  }
0x9c: {  	[tilespmem:s23], [sflag:$0x4] =	stream.indirect.gather [hbm4b:s1+s16], $0x80, s6, s16, $0xb8;
	[tilespmem:$0x1EAA0] =	vst v63  }
0x9d: {  	_ =	swait.ge [sflag:s26], $0x1400  }
0x9e: {  	[sflag:s26] =	ssyncset.done $0x0  }
0x9f: {  	s5 =	sadd.s32 $0x160F8, s5;
	[sflag:s26] =	ssyncadd.s32 $0xFFFFEC00  }
0xa0: {  	[spmem:s3] =	stream.indirect.scatter.add.f32 [tilespmem:s28], [sflag:$0xA], $0x80, s5, s16, $0xb8;
	[tilespmem:$0x1EAA0] =	vst v63  }
0xa1: {  	_ =	swait.ge [sflag:s22], $0x1400  }
0xa2: {  	[sflag:s22] =	ssyncset.done $0x0  }
0xa3: {  	s6 =	simm.s32 $0x15F68;
	[sflag:s22] =	ssyncadd.s32 $0xFFFFEC00  }
0xa4: {  	[tilespmem:s28], [sflag:$0x5] =	stream.indirect.gather [hbm4b:s1+s16], $0x80, s6, s16, $0xb8;
	[tilespmem:$0x1EAA0] =	vst v63  }
0xa5: {  	_ =	swait.ge [sflag:s29], $0x1400  }
0xa6: {  	s4 =	sshra.s32 s4, $0x2;
	[sflag:s29] =	ssyncset.done $0x0  }
0xa7: {  	s6 =	sadd.s32 $0x16058, s4;
	[sflag:s29] =	ssyncadd.s32 $0xFFFFEC00  }
0xa8: {  	[spmem:s3] =	stream.indirect.scatter.add.f32 [tilespmem:s17], [sflag:$0x6], $0x80, s6, s16, $0xb8;
	[tilespmem:$0x1EAA0] =	vst v63  }
0xa9: {  	_ =	swait.ge [sflag:s2], $0x1400  }
0xaa: {  	[sflag:s2] =	ssyncset.done $0x0  }
0xab: {  	s6 =	sadd.s32 $0x16080, s4;
	[sflag:s2] =	ssyncadd.s32 $0xFFFFEC00  }
0xac: {  	[spmem:s3] =	stream.indirect.scatter.add.f32 [tilespmem:s19], [sflag:$0x7], $0x80, s6, s16, $0xb8;
	[tilespmem:$0x1EAA0] =	vst v63  }
0xad: {  	_ =	swait.ge [sflag:s20], $0x1400  }
0xae: {  	[sflag:s20] =	ssyncset.done $0x0  }
0xaf: {  	s6 =	sadd.s32 $0x160A8, s4;
	[sflag:s20] =	ssyncadd.s32 $0xFFFFEC00  }
0xb0: {  	[spmem:s3] =	stream.indirect.scatter.add.f32 [tilespmem:s21], [sflag:$0x8], $0x80, s6, s16, $0xb8;
	[tilespmem:$0x1EAA0] =	vst v63  }
0xb1: {  	_ =	swait.ge [sflag:s31], $0x1400  }
0xb2: {  	[sflag:s31] =	ssyncset.done $0x0  }
0xb3: {  	s4 =	sadd.s32 $0x160D0, s4;
	[sflag:s31] =	ssyncadd.s32 $0xFFFFEC00  }
0xb4: {  	[spmem:s3] =	stream.indirect.scatter.add.f32 [tilespmem:s23], [sflag:$0x9], $0x80, s4, s16, $0xb8;
	[tilespmem:$0x1EAA0] =	vst v63  }
0xb5: {  	_ =	swait.ge [sflag:s26], $0x1400  }
0xb6: {  	[sflag:s26] =	ssyncset.done $0x0  }
0xb7: {  	s6 =	simm.s32 $0x18678;
	[sflag:s26] =	ssyncadd.s32 $0xFFFFEC00  }
0xb8: {  	[spmem:s3] =	stream.indirect.scatter.add.f32 [tilespmem:s28], [sflag:$0xA], $0x80, s6, s16, $0xb8;
	[tilespmem:$0x1EAA0] =	vst v63  }
0xb9: {  	_ =	swait.ge [sflag:s30], $0x1400  }
0xba: {  	[sflag:s30] =	ssyncset.done $0x0  }
0xbb: {  	[sflag:s30] =	ssyncadd.s32 $0xFFFFEC00  }
0xbc: {  	_ =	swait.ge [sflag:s15], $0x1400  }
0xbd: {  	[sflag:s15] =	ssyncset.done $0x0  }
0xbe: {  	[sflag:s15] =	ssyncadd.s32 $0xFFFFEC00  }
0xbf: {  	_ =	swait.ge [sflag:s24], $0x1400  }
0xc0: {  	[sflag:s24] =	ssyncset.done $0x0  }
0xc1: {  	[sflag:s24] =	ssyncadd.s32 $0xFFFFEC00  }
0xc2: {  	_ =	swait.ge [sflag:s18], $0x1400  }
0xc3: {  	[sflag:s18] =	ssyncset.done $0x0  }
0xc4: {  	[sflag:s18] =	ssyncadd.s32 $0xFFFFEC00  }
0xc5: {  	_ =	swait.ge [sflag:s22], $0x1400  }
0xc6: {  	[sflag:s22] =	ssyncset.done $0x0  }
0xc7: {  	s0 =	sadd.s32 $0x1, s0;
	[sflag:s22] =	ssyncadd.s32 $0xFFFFEC00  }
0xc8: {  	p1 =	sne.s32 s0, s9;
	s4 =	sor.u32 @!p0 $0x1C0B, s10;
	[bflag:$0x0] =	sbarrier.arrive $0xFFFF  }
0xc9: {  	[hbm:s8], [sflag:s4] =	dma.local @!p0 [spmem:s25], $0x3E80  }
.Ltmp1:
0xca: {  	_ = 	snop;
	(pc) =	sbr.rel @p1 .LBB2_1-.Ltmp1, $4  }
0xcb: {  	s4 =	simm.s32 @!p0 $0xB  }
0xcc: {  	_ =	swait.ge @!p0 [sflag:s4], $0x3E80  }
0xcd: {  	[sflag:s4] =	ssyncset.done @!p0 $0x0  }
0xce: {  	[sflag:s4] =	ssyncadd.s32 @!p0 $0xFFFFC180  }
0xcf: {  	_ =	sfence.sel $0x180000  }
0xd0: {  	[bflag:$0x0] =	sbarrier.arrive $0xFFFF  }
0xd1: {  	_ =	strace $0x9000004D  }
0xd2: {  	s0 =	stileid.u32;
	[bflag:$0x2] =	sbarrier.arrive $0xFFFF  }
0xd3: {  	p0 =	sne.s32 s0, $0x0;
	s0 =	rddreg [dreg:$0x3]  }
0xd4: {  	s0 =	sadd.s32 @!p0 $0x100000, s0  }
0xd5: {  	[sflag:s0] =	ssyncadd.tile.s32 @!p0 $0x1;
	_ =	shalt  }
.Lfunc_end2:
_tile_overlayer_lowered:
.L_overlay_start_2:
0xd6: {  	(tag) =	ssettag $0x2  }
0xd7: {  	s0 =	rddreg [dreg:$0x0];
	s2 =	stileid.u32  }
0xd8: {  	s1 =	rddreg [dreg:$0x1];
	p0 =	sne.s32 s2, $0x0  }
0xd9: {  	s3 =	rddreg [dreg:$0x2];
	[bflag:$0x3] =	sbarrier.arrive $0xFFFF;
	s2 =	simm.s32 @!p0 $0x1C0B  }
0xda: {  	[timem:s3], [sflag:s2] =	dma.local @!p0 [hbm:s0], s1  }
0xdb: {  	s0 =	simm.s32 @!p0 $0xB  }
0xdc: {  	_ =	swait.ge @!p0 [sflag:s0], s1  }
0xdd: {  	s1 =	ssub.s32 @!p0 $0x0, s1;
	[sflag:s0] =	ssyncset.done @!p0 $0x0  }
0xde: {  	[sflag:s0] =	ssyncadd.s32 @!p0 s1  }
0xdf: {  	[bflag:$0x3] =	sbarrier.arrive $0xFFFF  }
0xe0: {  	_ =	shalt  }

</sc_bundles>
